<compile_context>
chip_gen: v7x
topology: tpu7x:2x2x1
jax: 0.10.2.dev20260603
libtpu: 0.0.44.dev20260713+nightly
codegen_flags: <defaults>
</compile_context>

<pallas_src>
import functools

import jax
import jax.numpy as jnp
import numpy as np
from jax.experimental import pallas as pl
from jax.experimental.pallas import tpu as pltpu
from jax.experimental.pallas import tpu_sc as plsc

_N, _E, _D, _H = 10000, 320000, 128, 128
_HH = _H // 2
_BN_EPS = 1e-5

_NC, _NS = 2, 16
_NW = _NC * _NS
_CH = 128
_NB = 4
_EPT = 20480
_EPAD = _NS * _EPT
_NCH = _EPT // _CH
_NG = _NCH // _NB
_NPAD = 10112
_RPT = _NPAD // _NS

_RB = 1264
_NBLK = _NPAD // _RB



def _dotT(a, w):
    return jax.lax.dot_general(a, w, (((1,), (1,)), ((), ())),
                               preferred_element_type=jnp.float32)


_TABS = jax.ShapeDtypeStruct((2 * _NPAD, _HH), jnp.float32)


def _half_blk():
    return pl.BlockSpec((_RB, _HH), lambda j, i: (j * _NBLK + i, 0))


def _lo_blk():
    return pl.BlockSpec((_RB, _HH), lambda j, i: (i, 0))


def _hi_blk():
    return pl.BlockSpec((_RB, _HH), lambda j, i: (_NBLK + i, 0))


def _proj_body(x_ref, w_ref, o_ref):
    o_ref[...] = _dotT(x_ref[...], w_ref[...])


def _proj(x, w):
    return pl.pallas_call(
        _proj_body,
        grid=(2, _NBLK),
        in_specs=[pl.BlockSpec((_RB, _D), lambda j, i: (i, 0)),
                  pl.BlockSpec((_HH, _D), lambda j, i: (j, 0))],
        out_specs=_half_blk(),
        out_shape=_TABS,
    )(x, w)


def _mid_body(pl_ref, ph_ref, rl_ref, rh_ref, v_ref, w_ref, o_ref):
    agg = jnp.concatenate([pl_ref[...], ph_ref[...]], axis=1)
    r = jnp.concatenate([rl_ref[...], rh_ref[...]], axis=1)
    z = agg + r + v_ref[0:1, :]
    h = jnp.maximum(z * v_ref[1:2, :] + v_ref[2:3, :], 0.0)
    o_ref[...] = _dotT(h, w_ref[...])


def _mid(parts, rs, vec, w):
    vspec = pl.BlockSpec((8, _H), lambda j, i: (0, 0))
    return pl.pallas_call(
        _mid_body,
        grid=(2, _NBLK),
        in_specs=[_lo_blk(), _hi_blk(), _lo_blk(), _hi_blk(), vspec,
                  pl.BlockSpec((_HH, _H), lambda j, i: (j, 0))],
        out_specs=_half_blk(),
        out_shape=_TABS,
    )(parts, parts, rs, rs, vec, w)


def _head_body(pl_ref, ph_ref, rl_ref, rh_ref, v_ref,
               w0_ref, w1_ref, w2_ref, o_ref):
    agg = jnp.concatenate([pl_ref[...], ph_ref[...]], axis=1)
    r = jnp.concatenate([rl_ref[...], rh_ref[...]], axis=1)
    z = agg + r + v_ref[0:1, :]
    h = jnp.maximum(z * v_ref[1:2, :] + v_ref[2:3, :], 0.0)
    t = jnp.maximum(_dotT(h, w0_ref[...]) + v_ref[3:4, :], 0.0)
    t = jnp.maximum(_dotT(t, w1_ref[...]) + v_ref[4:5, :], 0.0)
    o_ref[...] = _dotT(t, w2_ref[...]) + v_ref[5:6, :]


def _head(parts, rs, vec, w0, w1, w2):
    lo = pl.BlockSpec((_RB, _HH), lambda i: (i, 0))
    hi = pl.BlockSpec((_RB, _HH), lambda i: (_NBLK + i, 0))
    vspec = pl.BlockSpec((8, _H), lambda i: (0, 0))
    wspec = pl.BlockSpec((_H, _H), lambda i: (0, 0))
    return pl.pallas_call(
        _head_body,
        grid=(_NBLK,),
        in_specs=[lo, hi, lo, hi, vspec, wspec, wspec, wspec],
        out_specs=pl.BlockSpec((_RB, _H), lambda i: (i, 0)),
        out_shape=jax.ShapeDtypeStruct((_N, _H), jnp.float32),
    )(parts, parts, rs, rs, vec, w0, w1, w2)



def _sc_segsum(tab, idxp, zrows):
    mesh = plsc.VectorSubcoreMesh(core_axis_name="c", subcore_axis_name="s")

    @functools.partial(
        pl.kernel,
        out_type=_TABS,
        mesh=mesh,
        scratch_types=[
            [pltpu.VMEM((2, 2, _CH), jnp.int32) for _ in range(_NB)],
            [pltpu.VMEM((_CH, _HH), jnp.float32) for _ in range(_NB)],
            pltpu.VMEM_SHARED((_NPAD, _HH), jnp.float32),
            pltpu.VMEM_SHARED((_NPAD, _HH), jnp.float32),
            [pltpu.SemaphoreType.DMA for _ in range(_NB)],
            [pltpu.SemaphoreType.DMA for _ in range(_NB)],
            [pltpu.SemaphoreType.DMA for _ in range(_NB)],
            pltpu.SemaphoreType.DMA,
        ],
        compiler_params=pltpu.CompilerParams(use_tc_tiling_on_sc=False),
    )
    def run(tab_hbm, idx_hbm, z_hbm, out_hbm,
            idxb, rows, tabsp, acc, gsem, ssem, isem, zsem):
        cid = jax.lax.axis_index("c")
        sid = jax.lax.axis_index("s")
        row0 = sid * _RPT
        pltpu.async_copy(z_hbm, acc.at[pl.ds(row0, _RPT)], zsem)
        pltpu.sync_copy(tab_hbm.at[pl.ds(cid * _NPAD + row0, _RPT)],
                        tabsp.at[pl.ds(row0, _RPT)])
        pltpu.make_async_copy(z_hbm, acc.at[pl.ds(row0, _RPT)], zsem).wait()
        plsc.subcore_barrier()

        def idx_load(k, par, b):
            pltpu.async_copy(idx_hbm.at[sid * _NCH + k], idxb[b].at[par],
                             isem[b])

        def idx_wait(k, par, b):
            pltpu.make_async_copy(idx_hbm.at[sid * _NCH + k], idxb[b].at[par],
                                  isem[b]).wait()

        for b in range(_NB):
            idx_load(b, 0, b)
        for b in range(_NB):
            idx_wait(b, 0, b)
            pltpu.async_copy(tabsp.at[idxb[b].at[0, 0]], rows[b], gsem[b])
            idx_load(b + _NB, 1, b)

        def round_(g, carry):
            par = jax.lax.rem(g, 2)
            nxt = 1 - par
            for b in range(_NB):
                k = g * _NB + b
                pltpu.make_async_copy(tabsp.at[idxb[b].at[par, 0]],
                                      rows[b], gsem[b]).wait()
                pltpu.async_copy(rows[b], acc.at[idxb[b].at[par, 1]],
                                 ssem[b], add=True)
                pltpu.make_async_copy(rows[b], acc.at[idxb[b].at[par, 1]],
                                      ssem[b]).wait()

                @pl.when(g < _NG - 1)
                def _():
                    idx_wait(k + _NB, nxt, b)
                    pltpu.async_copy(tabsp.at[idxb[b].at[nxt, 0]],
                                     rows[b], gsem[b])

                    @pl.when(g < _NG - 2)
                    def _():
                        idx_load(k + 2 * _NB, par, b)
            return carry

        jax.lax.fori_loop(0, _NG, round_, 0)
        plsc.subcore_barrier()
        pltpu.sync_copy(acc.at[pl.ds(row0, _RPT)],
                        out_hbm.at[pl.ds(cid * _NPAD + row0, _RPT)])

    return run(tab, idxp, zrows)



def kernel(x, edge_index, Wl0, bl0, Wr0, Wl1, bl1, Wr1,
           g0, be0, g1, be1, LW0, Lb0, LW1, Lb1, LW2, Lb2):
    src = edge_index[0]
    dst = edge_index[1]
    pad = _EPAD - _E
    srcp = jnp.concatenate([src, jnp.zeros((pad,), jnp.int32)])
    dstp = jnp.concatenate([dst, jnp.full((pad,), _N, jnp.int32)])
    idxp = jnp.concatenate([srcp.reshape(_NS * _NCH, 1, _CH),
                            dstp.reshape(_NS * _NCH, 1, _CH)], axis=1)
    zrows = jnp.zeros((_RPT, _HH), jnp.float32)

    c = 1.0 / np.sqrt(1.0 + _BN_EPS)
    zero = jnp.zeros((_H,), jnp.float32)
    vec_b = jnp.stack([bl0, g0 * c, be0, zero, zero, zero, zero, zero])
    vec_c = jnp.stack([bl1, g1 * c, be1, Lb0, Lb1, Lb2, zero, zero])

    y0 = _proj(x, Wl0)
    r0 = _proj(x, Wr0)
    parts0 = _sc_segsum(y0, idxp, zrows)
    y1 = _mid(parts0, r0, vec_b, Wl1)
    r1 = _mid(parts0, r0, vec_b, Wr1)
    parts1 = _sc_segsum(y1, idxp, zrows)
    return _head(parts1, r1, vec_c, LW0, LW1, LW2)

# --- scband reference (transcript-rebuilt; emitter-appended) ---
"""Pipeline reference for scband-graph-sage-34754875359293 (READ-ONLY COPY).

The authoritative reference and input builder live on the scoring server;
editing this copy changes nothing except your own understanding.
"""

import jax, jax.numpy as jnp
import numpy as np

N, E, D, H = 10000, 320000, 128, 128
BN_EPS = 1e-5


def setup_inputs(seed: int = 0) -> dict:
    key = jax.random.key(seed)
    ks = jax.random.split(key, 24)
    inp = {}
    inp["x"] = jax.random.normal(ks[0], (N, D), dtype=jnp.float32)
    inp["edge_index"] = jax.random.randint(ks[1], (2, E), 0, N, dtype=jnp.int32)
    # SAGEConv layer 0 (in_size -> embedding_size): lin_l (agg path, with bias), lin_r (root, no bias)
    inp["Wl0"] = jax.random.normal(ks[2], (H, D), dtype=jnp.float32) * 0.05
    inp["bl0"] = jax.random.normal(ks[3], (H,), dtype=jnp.float32) * 0.05
    inp["Wr0"] = jax.random.normal(ks[4], (H, D), dtype=jnp.float32) * 0.05
    # SAGEConv layer 1 (embedding_size -> embedding_size)
    inp["Wl1"] = jax.random.normal(ks[5], (H, H), dtype=jnp.float32) * 0.05
    inp["bl1"] = jax.random.normal(ks[6], (H,), dtype=jnp.float32) * 0.05
    inp["Wr1"] = jax.random.normal(ks[7], (H, H), dtype=jnp.float32) * 0.05
    # BatchNorm affine params (2 batch norms, eval mode: running_mean=0, running_var=1)
    inp["g0"] = jnp.ones((H,), dtype=jnp.float32)
    inp["be0"] = jnp.zeros((H,), dtype=jnp.float32)
    inp["g1"] = jnp.ones((H,), dtype=jnp.float32)
    inp["be1"] = jnp.zeros((H,), dtype=jnp.float32)
    # Linear head: lin_layers=3 -> two (H->H) + one (H->out_channels=H)
    inp["LW0"] = jax.random.normal(ks[8], (H, H), dtype=jnp.float32) * 0.05
    inp["Lb0"] = jax.random.normal(ks[9], (H,), dtype=jnp.float32) * 0.05
    inp["LW1"] = jax.random.normal(ks[10], (H, H), dtype=jnp.float32) * 0.05
    inp["Lb1"] = jax.random.normal(ks[11], (H,), dtype=jnp.float32) * 0.05
    inp["LW2"] = jax.random.normal(ks[12], (H, H), dtype=jnp.float32) * 0.05
    inp["Lb2"] = jax.random.normal(ks[13], (H,), dtype=jnp.float32) * 0.05
    return inp


def _sage_conv(x, src, dst, Wl, bl, Wr):
    # PyG SAGEConv(aggr='sum'): aggregate source features at destination nodes,
    # then lin_l(agg) + lin_r(x) (root weight path, no bias)
    msgs = x[src]
    agg = jax.ops.segment_sum(msgs, dst, num_segments=x.shape[0])
    return agg @ Wl.T + bl + x @ Wr.T


def _batch_norm_eval(x, gamma, beta):
    # eval-mode BatchNorm1d with running_mean=0, running_var=1
    return x / jnp.sqrt(1.0 + BN_EPS) * gamma + beta


def reference(x, edge_index, Wl0, bl0, Wr0, Wl1, bl1, Wr1, g0, be0, g1, be1, LW0, Lb0, LW1, Lb1, LW2, Lb2):
    src = edge_index[0]
    dst = edge_index[1]
    # zip(convs, batch_norms) runs num_layers-1 = 2 iterations (last conv unused)
    h = jax.nn.relu(_batch_norm_eval(_sage_conv(x, src, dst, Wl0, bl0, Wr0), g0, be0))
    h = jax.nn.relu(_batch_norm_eval(_sage_conv(h, src, dst, Wl1, bl1, Wr1), g1, be1))
    # dropout is identity in eval mode
    h = jax.nn.relu(h @ LW0.T + Lb0)
    h = jax.nn.relu(h @ LW1.T + Lb1)
    h = h @ LW2.T + Lb2
    return h

if __name__ == "__main__":
    import jax
    _d = setup_inputs()
    print(jax.jit(kernel)(*tuple(_d.values())))

</pallas_src>

<mosaic_0001>
#map = affine_map<(d0, d1) -> (0, 0)>
#map1 = affine_map<(d0, d1) -> (0, 0, 0)>
module attributes {stable_mosaic.version = 14 : i64} {
  func.func @run(%arg0: i32, %arg1: i32, %arg2: memref<20224x64xf32, #tpu.memory_space<hbm>>, %arg3: memref<2560x2x128xi32, #tpu.memory_space<hbm>>, %arg4: memref<632x64xf32, #tpu.memory_space<hbm>>, %arg5: memref<20224x64xf32, #tpu.memory_space<hbm>>, %arg6: memref<2x2x128xi32, #tpu.memory_space<vmem>>, %arg7: memref<2x2x128xi32, #tpu.memory_space<vmem>>, %arg8: memref<2x2x128xi32, #tpu.memory_space<vmem>>, %arg9: memref<2x2x128xi32, #tpu.memory_space<vmem>>, %arg10: memref<128x64xf32, #tpu.memory_space<vmem>>, %arg11: memref<128x64xf32, #tpu.memory_space<vmem>>, %arg12: memref<128x64xf32, #tpu.memory_space<vmem>>, %arg13: memref<128x64xf32, #tpu.memory_space<vmem>>, %arg14: memref<10112x64xf32, #tpu.memory_space<vmem_shared>>, %arg15: memref<10112x64xf32, #tpu.memory_space<vmem_shared>>, %arg16: memref<!tpu.dma_semaphore, #tpu.memory_space<semaphore_mem>>, %arg17: memref<!tpu.dma_semaphore, #tpu.memory_space<semaphore_mem>>, %arg18: memref<!tpu.dma_semaphore, #tpu.memory_space<semaphore_mem>>, %arg19: memref<!tpu.dma_semaphore, #tpu.memory_space<semaphore_mem>>, %arg20: memref<!tpu.dma_semaphore, #tpu.memory_space<semaphore_mem>>, %arg21: memref<!tpu.dma_semaphore, #tpu.memory_space<semaphore_mem>>, %arg22: memref<!tpu.dma_semaphore, #tpu.memory_space<semaphore_mem>>, %arg23: memref<!tpu.dma_semaphore, #tpu.memory_space<semaphore_mem>>, %arg24: memref<!tpu.dma_semaphore, #tpu.memory_space<semaphore_mem>>, %arg25: memref<!tpu.dma_semaphore, #tpu.memory_space<semaphore_mem>>, %arg26: memref<!tpu.dma_semaphore, #tpu.memory_space<semaphore_mem>>, %arg27: memref<!tpu.dma_semaphore, #tpu.memory_space<semaphore_mem>>, %arg28: memref<!tpu.dma_semaphore, #tpu.memory_space<semaphore_mem>>) attributes {dimension_semantics = [#tpu.dimension_semantics<core_parallel>, #tpu.dimension_semantics<subcore_parallel>], iteration_bounds = array<i64: 2, 16>, scalar_prefetch = 0 : i64, scratch_operands = 23 : i64, tpu.core_type = #tpu.core_type<sc_vector_subcore>, window_params = [{transform_indices = #map}, {transform_indices = #map1}, {transform_indices = #map}, {transform_indices = #map}]} {
    %mul3A = arith.constant 632 : i32
    %mul3A_0 = arith.muli %arg1, %mul3A : i32
    %dma_start3A = arith.constant 0 : i32
    %dma_start3A_1 = tpu.memref_slice %arg15[%mul3A_0, %dma_start3A] : memref<10112x64xf32, #tpu.memory_space<vmem_shared>> -> memref<632x64xf32, #tpu.memory_space<vmem_shared>>
    tpu.enqueue_dma source(%arg4 : memref<632x64xf32, #tpu.memory_space<hbm>>) target(%dma_start3A_1 : memref<632x64xf32, #tpu.memory_space<vmem_shared>>) target_semaphore(%arg28 : memref<!tpu.dma_semaphore, #tpu.memory_space<semaphore_mem>>)
    %mul3A_2 = arith.constant 10112 : i32
    %mul3A_3 = arith.muli %arg0, %mul3A_2 : i32
    %add3A = arith.addi %mul3A_3, %mul3A_0 : i32
    "tpu.region"() ({
      %run_scoped3A = tpu.sem_alloc : memref<!tpu.dma_semaphore, #tpu.memory_space<semaphore_mem>>
      %dma_start3A_298 = arith.constant 0 : i32
      %dma_start3A_299 = tpu.memref_slice %arg14[%mul3A_0, %dma_start3A_298] : memref<10112x64xf32, #tpu.memory_space<vmem_shared>> -> memref<632x64xf32, #tpu.memory_space<vmem_shared>>
      %dma_start3A_300 = arith.constant 0 : i32
      %dma_start3A_301 = tpu.memref_slice %arg2[%add3A, %dma_start3A_300] : memref<20224x64xf32, #tpu.memory_space<hbm>> -> memref<632x64xf32, #tpu.memory_space<hbm>>
      tpu.enqueue_dma source(%dma_start3A_301 : memref<632x64xf32, #tpu.memory_space<hbm>>) target(%dma_start3A_299 : memref<632x64xf32, #tpu.memory_space<vmem_shared>>) target_semaphore(%run_scoped3A : memref<!tpu.dma_semaphore, #tpu.memory_space<semaphore_mem>>)
      %dma_wait3A_302 = arith.constant 0 : i32
      %dma_wait3A_303 = tpu.memref_slice %arg14[%mul3A_0, %dma_wait3A_302] : memref<10112x64xf32, #tpu.memory_space<vmem_shared>> -> memref<632x64xf32, #tpu.memory_space<vmem_shared>>
      %dma_wait3A_304 = arith.constant 0 : i32
      %dma_wait3A_305 = tpu.memref_slice %arg2[%add3A, %dma_wait3A_304] : memref<20224x64xf32, #tpu.memory_space<hbm>> -> memref<632x64xf32, #tpu.memory_space<hbm>>
      tpu.wait_dma2 semaphore(%run_scoped3A : memref<!tpu.dma_semaphore, #tpu.memory_space<semaphore_mem>>) src(%dma_wait3A_305 : memref<632x64xf32, #tpu.memory_space<hbm>>) dst(%dma_wait3A_303 : memref<632x64xf32, #tpu.memory_space<vmem_shared>>)
      tpu.yield
    }) : () -> ()
    %dma_wait3A = arith.constant 0 : i32
    %dma_wait3A_4 = tpu.memref_slice %arg15[%mul3A_0, %dma_wait3A] : memref<10112x64xf32, #tpu.memory_space<vmem_shared>> -> memref<632x64xf32, #tpu.memory_space<vmem_shared>>
    tpu.wait_dma2 semaphore(%arg28 : memref<!tpu.dma_semaphore, #tpu.memory_space<semaphore_mem>>) src(%arg4 : memref<632x64xf32, #tpu.memory_space<hbm>>) dst(%dma_wait3A_4 : memref<632x64xf32, #tpu.memory_space<vmem_shared>>)
    %barrier3A = arith.constant 0 : index
    tpu.barrier barrier_id(%barrier3A)
    %mul3A_5 = arith.constant 160 : i32
    %mul3A_6 = arith.muli %arg1, %mul3A_5 : i32
    %add3A_7 = arith.constant 0 : i32
    %add3A_8 = arith.addi %mul3A_6, %add3A_7 : i32
    %dma_start3A_9 = arith.constant 0 : i32
    %dma_start3A_10 = arith.constant 0 : i32
    %dma_start3A_11 = arith.constant 0 : i32
    %dma_start3A_12 = tpu.memref_slice %arg6[%dma_start3A_9, %dma_start3A_10, %dma_start3A_11] : memref<2x2x128xi32, #tpu.memory_space<vmem>> -> memref<1x2x128xi32, #tpu.memory_space<vmem>>
    %dma_start3A_13 = tpu.memref_squeeze %dma_start3A_12 : memref<1x2x128xi32, #tpu.memory_space<vmem>> -> memref<2x128xi32, #tpu.memory_space<vmem>>
    %dma_start3A_14 = arith.constant 0 : i32
    %dma_start3A_15 = arith.constant 0 : i32
    %dma_start3A_16 = tpu.memref_slice %arg3[%add3A_8, %dma_start3A_14, %dma_start3A_15] : memref<2560x2x128xi32, #tpu.memory_space<hbm>> -> memref<1x2x128xi32, #tpu.memory_space<hbm>>
    %dma_start3A_17 = tpu.memref_squeeze %dma_start3A_16 : memref<1x2x128xi32, #tpu.memory_space<hbm>> -> memref<2x128xi32, #tpu.memory_space<hbm>>
    %dma_start3A_18 = arith.constant 0 : i32
    %dma_start3A_19 = arith.constant 0 : i32
    %dma_start3A_20 = tpu.memref_slice %arg6[%dma_start3A_9, %dma_start3A_18, %dma_start3A_19] : memref<2x2x128xi32, #tpu.memory_space<vmem>> -> memref<1x2x128xi32, #tpu.memory_space<vmem>>
    %dma_start3A_21 = tpu.memref_squeeze %dma_start3A_20 : memref<1x2x128xi32, #tpu.memory_space<vmem>> -> memref<2x128xi32, #tpu.memory_space<vmem>>
    %dma_start3A_22 = arith.constant 0 : i32
    %dma_start3A_23 = arith.constant 0 : i32
    %dma_start3A_24 = tpu.memref_slice %arg3[%add3A_8, %dma_start3A_22, %dma_start3A_23] : memref<2560x2x128xi32, #tpu.memory_space<hbm>> -> memref<1x2x128xi32, #tpu.memory_space<hbm>>
    %dma_start3A_25 = tpu.memref_squeeze %dma_start3A_24 : memref<1x2x128xi32, #tpu.memory_space<hbm>> -> memref<2x128xi32, #tpu.memory_space<hbm>>
    tpu.enqueue_dma source(%dma_start3A_25 : memref<2x128xi32, #tpu.memory_space<hbm>>) target(%dma_start3A_21 : memref<2x128xi32, #tpu.memory_space<vmem>>) target_semaphore(%arg24 : memref<!tpu.dma_semaphore, #tpu.memory_space<semaphore_mem>>)
    %mul3A_26 = arith.constant 160 : i32
    %mul3A_27 = arith.muli %arg1, %mul3A_26 : i32
    %add3A_28 = arith.constant 1 : i32
    %add3A_29 = arith.addi %mul3A_27, %add3A_28 : i32
    %dma_start3A_30 = arith.constant 0 : i32
    %dma_start3A_31 = arith.constant 0 : i32
    %dma_start3A_32 = arith.constant 0 : i32
    %dma_start3A_33 = tpu.memref_slice %arg7[%dma_start3A_30, %dma_start3A_31, %dma_start3A_32] : memref<2x2x128xi32, #tpu.memory_space<vmem>> -> memref<1x2x128xi32, #tpu.memory_space<vmem>>
    %dma_start3A_34 = tpu.memref_squeeze %dma_start3A_33 : memref<1x2x128xi32, #tpu.memory_space<vmem>> -> memref<2x128xi32, #tpu.memory_space<vmem>>
    %dma_start3A_35 = arith.constant 0 : i32
    %dma_start3A_36 = arith.constant 0 : i32
    %dma_start3A_37 = tpu.memref_slice %arg3[%add3A_29, %dma_start3A_35, %dma_start3A_36] : memref<2560x2x128xi32, #tpu.memory_space<hbm>> -> memref<1x2x128xi32, #tpu.memory_space<hbm>>
    %dma_start3A_38 = tpu.memref_squeeze %dma_start3A_37 : memref<1x2x128xi32, #tpu.memory_space<hbm>> -> memref<2x128xi32, #tpu.memory_space<hbm>>
    %dma_start3A_39 = arith.constant 0 : i32
    %dma_start3A_40 = arith.constant 0 : i32
    %dma_start3A_41 = tpu.memref_slice %arg7[%dma_start3A_30, %dma_start3A_39, %dma_start3A_40] : memref<2x2x128xi32, #tpu.memory_space<vmem>> -> memref<1x2x128xi32, #tpu.memory_space<vmem>>
    %dma_start3A_42 = tpu.memref_squeeze %dma_start3A_41 : memref<1x2x128xi32, #tpu.memory_space<vmem>> -> memref<2x128xi32, #tpu.memory_space<vmem>>
    %dma_start3A_43 = arith.constant 0 : i32
    %dma_start3A_44 = arith.constant 0 : i32
    %dma_start3A_45 = tpu.memref_slice %arg3[%add3A_29, %dma_start3A_43, %dma_start3A_44] : memref<2560x2x128xi32, #tpu.memory_space<hbm>> -> memref<1x2x128xi32, #tpu.memory_space<hbm>>
    %dma_start3A_46 = tpu.memref_squeeze %dma_start3A_45 : memref<1x2x128xi32, #tpu.memory_space<hbm>> -> memref<2x128xi32, #tpu.memory_space<hbm>>
    tpu.enqueue_dma source(%dma_start3A_46 : memref<2x128xi32, #tpu.memory_space<hbm>>) target(%dma_start3A_42 : memref<2x128xi32, #tpu.memory_space<vmem>>) target_semaphore(%arg25 : memref<!tpu.dma_semaphore, #tpu.memory_space<semaphore_mem>>)
    %mul3A_47 = arith.constant 160 : i32
    %mul3A_48 = arith.muli %arg1, %mul3A_47 : i32
    %add3A_49 = arith.constant 2 : i32
    %add3A_50 = arith.addi %mul3A_48, %add3A_49 : i32
    %dma_start3A_51 = arith.constant 0 : i32
    %dma_start3A_52 = arith.constant 0 : i32
    %dma_start3A_53 = arith.constant 0 : i32
    %dma_start3A_54 = tpu.memref_slice %arg8[%dma_start3A_51, %dma_start3A_52, %dma_start3A_53] : memref<2x2x128xi32, #tpu.memory_space<vmem>> -> memref<1x2x128xi32, #tpu.memory_space<vmem>>
    %dma_start3A_55 = tpu.memref_squeeze %dma_start3A_54 : memref<1x2x128xi32, #tpu.memory_space<vmem>> -> memref<2x128xi32, #tpu.memory_space<vmem>>
    %dma_start3A_56 = arith.constant 0 : i32
    %dma_start3A_57 = arith.constant 0 : i32
    %dma_start3A_58 = tpu.memref_slice %arg3[%add3A_50, %dma_start3A_56, %dma_start3A_57] : memref<2560x2x128xi32, #tpu.memory_space<hbm>> -> memref<1x2x128xi32, #tpu.memory_space<hbm>>
    %dma_start3A_59 = tpu.memref_squeeze %dma_start3A_58 : memref<1x2x128xi32, #tpu.memory_space<hbm>> -> memref<2x128xi32, #tpu.memory_space<hbm>>
    %dma_start3A_60 = arith.constant 0 : i32
    %dma_start3A_61 = arith.constant 0 : i32
    %dma_start3A_62 = tpu.memref_slice %arg8[%dma_start3A_51, %dma_start3A_60, %dma_start3A_61] : memref<2x2x128xi32, #tpu.memory_space<vmem>> -> memref<1x2x128xi32, #tpu.memory_space<vmem>>
    %dma_start3A_63 = tpu.memref_squeeze %dma_start3A_62 : memref<1x2x128xi32, #tpu.memory_space<vmem>> -> memref<2x128xi32, #tpu.memory_space<vmem>>
    %dma_start3A_64 = arith.constant 0 : i32
    %dma_start3A_65 = arith.constant 0 : i32
    %dma_start3A_66 = tpu.memref_slice %arg3[%add3A_50, %dma_start3A_64, %dma_start3A_65] : memref<2560x2x128xi32, #tpu.memory_space<hbm>> -> memref<1x2x128xi32, #tpu.memory_space<hbm>>
    %dma_start3A_67 = tpu.memref_squeeze %dma_start3A_66 : memref<1x2x128xi32, #tpu.memory_space<hbm>> -> memref<2x128xi32, #tpu.memory_space<hbm>>
    tpu.enqueue_dma source(%dma_start3A_67 : memref<2x128xi32, #tpu.memory_space<hbm>>) target(%dma_start3A_63 : memref<2x128xi32, #tpu.memory_space<vmem>>) target_semaphore(%arg26 : memref<!tpu.dma_semaphore, #tpu.memory_space<semaphore_mem>>)
    %mul3A_68 = arith.constant 160 : i32
    %mul3A_69 = arith.muli %arg1, %mul3A_68 : i32
    %add3A_70 = arith.constant 3 : i32
    %add3A_71 = arith.addi %mul3A_69, %add3A_70 : i32
    %dma_start3A_72 = arith.constant 0 : i32
    %dma_start3A_73 = arith.constant 0 : i32
    %dma_start3A_74 = arith.constant 0 : i32
    %dma_start3A_75 = tpu.memref_slice %arg9[%dma_start3A_72, %dma_start3A_73, %dma_start3A_74] : memref<2x2x128xi32, #tpu.memory_space<vmem>> -> memref<1x2x128xi32, #tpu.memory_space<vmem>>
    %dma_start3A_76 = tpu.memref_squeeze %dma_start3A_75 : memref<1x2x128xi32, #tpu.memory_space<vmem>> -> memref<2x128xi32, #tpu.memory_space<vmem>>
    %dma_start3A_77 = arith.constant 0 : i32
    %dma_start3A_78 = arith.constant 0 : i32
    %dma_start3A_79 = tpu.memref_slice %arg3[%add3A_71, %dma_start3A_77, %dma_start3A_78] : memref<2560x2x128xi32, #tpu.memory_space<hbm>> -> memref<1x2x128xi32, #tpu.memory_space<hbm>>
    %dma_start3A_80 = tpu.memref_squeeze %dma_start3A_79 : memref<1x2x128xi32, #tpu.memory_space<hbm>> -> memref<2x128xi32, #tpu.memory_space<hbm>>
    %dma_start3A_81 = arith.constant 0 : i32
    %dma_start3A_82 = arith.constant 0 : i32
    %dma_start3A_83 = tpu.memref_slice %arg9[%dma_start3A_72, %dma_start3A_81, %dma_start3A_82] : memref<2x2x128xi32, #tpu.memory_space<vmem>> -> memref<1x2x128xi32, #tpu.memory_space<vmem>>
    %dma_start3A_84 = tpu.memref_squeeze %dma_start3A_83 : memref<1x2x128xi32, #tpu.memory_space<vmem>> -> memref<2x128xi32, #tpu.memory_space<vmem>>
    %dma_start3A_85 = arith.constant 0 : i32
    %dma_start3A_86 = arith.constant 0 : i32
    %dma_start3A_87 = tpu.memref_slice %arg3[%add3A_71, %dma_start3A_85, %dma_start3A_86] : memref<2560x2x128xi32, #tpu.memory_space<hbm>> -> memref<1x2x128xi32, #tpu.memory_space<hbm>>
    %dma_start3A_88 = tpu.memref_squeeze %dma_start3A_87 : memref<1x2x128xi32, #tpu.memory_space<hbm>> -> memref<2x128xi32, #tpu.memory_space<hbm>>
    tpu.enqueue_dma source(%dma_start3A_88 : memref<2x128xi32, #tpu.memory_space<hbm>>) target(%dma_start3A_84 : memref<2x128xi32, #tpu.memory_space<vmem>>) target_semaphore(%arg27 : memref<!tpu.dma_semaphore, #tpu.memory_space<semaphore_mem>>)
    %mul3A_89 = arith.constant 160 : i32
    %mul3A_90 = arith.muli %arg1, %mul3A_89 : i32
    %add3A_91 = arith.constant 0 : i32
    %add3A_92 = arith.addi %mul3A_90, %add3A_91 : i32
    %dma_wait3A_93 = arith.constant 0 : i32
    %dma_wait3A_94 = arith.constant 0 : i32
    %dma_wait3A_95 = arith.constant 0 : i32
    %dma_wait3A_96 = tpu.memref_slice %arg6[%dma_wait3A_93, %dma_wait3A_94, %dma_wait3A_95] : memref<2x2x128xi32, #tpu.memory_space<vmem>> -> memref<1x2x128xi32, #tpu.memory_space<vmem>>
    %dma_wait3A_97 = tpu.memref_squeeze %dma_wait3A_96 : memref<1x2x128xi32, #tpu.memory_space<vmem>> -> memref<2x128xi32, #tpu.memory_space<vmem>>
    %dma_wait3A_98 = arith.constant 0 : i32
    %dma_wait3A_99 = arith.constant 0 : i32
    %dma_wait3A_100 = tpu.memref_slice %arg3[%add3A_92, %dma_wait3A_98, %dma_wait3A_99] : memref<2560x2x128xi32, #tpu.memory_space<hbm>> -> memref<1x2x128xi32, #tpu.memory_space<hbm>>
    %dma_wait3A_101 = tpu.memref_squeeze %dma_wait3A_100 : memref<1x2x128xi32, #tpu.memory_space<hbm>> -> memref<2x128xi32, #tpu.memory_space<hbm>>
    %dma_wait3A_102 = arith.constant 0 : i32
    %dma_wait3A_103 = arith.constant 0 : i32
    %dma_wait3A_104 = tpu.memref_slice %arg6[%dma_wait3A_93, %dma_wait3A_102, %dma_wait3A_103] : memref<2x2x128xi32, #tpu.memory_space<vmem>> -> memref<1x2x128xi32, #tpu.memory_space<vmem>>
    %dma_wait3A_105 = tpu.memref_squeeze %dma_wait3A_104 : memref<1x2x128xi32, #tpu.memory_space<vmem>> -> memref<2x128xi32, #tpu.memory_space<vmem>>
    %dma_wait3A_106 = arith.constant 0 : i32
    %dma_wait3A_107 = arith.constant 0 : i32
    %dma_wait3A_108 = tpu.memref_slice %arg3[%add3A_92, %dma_wait3A_106, %dma_wait3A_107] : memref<2560x2x128xi32, #tpu.memory_space<hbm>> -> memref<1x2x128xi32, #tpu.memory_space<hbm>>
    %dma_wait3A_109 = tpu.memref_squeeze %dma_wait3A_108 : memref<1x2x128xi32, #tpu.memory_space<hbm>> -> memref<2x128xi32, #tpu.memory_space<hbm>>
    tpu.wait_dma2 semaphore(%arg24 : memref<!tpu.dma_semaphore, #tpu.memory_space<semaphore_mem>>) src(%dma_wait3A_109 : memref<2x128xi32, #tpu.memory_space<hbm>>) dst(%dma_wait3A_105 : memref<2x128xi32, #tpu.memory_space<vmem>>)
    %dma_start3A_110 = arith.constant 0 : i32
    %dma_start3A_111 = arith.constant 0 : i32
    %dma_start3A_112 = arith.constant 0 : i32
    %dma_start3A_113 = tpu.memref_slice %arg6[%dma_start3A_110, %dma_start3A_111, %dma_start3A_112] : memref<2x2x128xi32, #tpu.memory_space<vmem>> -> memref<1x1x128xi32, #tpu.memory_space<vmem>>
    %dma_start3A_114 = tpu.memref_squeeze %dma_start3A_113 : memref<1x1x128xi32, #tpu.memory_space<vmem>> -> memref<128xi32, #tpu.memory_space<vmem>>
    %dma_start3A_115 = arith.constant 0 : i32
    %dma_start3A_116 = arith.constant 0 : i32
    %dma_start3A_117 = tpu.memref_slice %arg14[%dma_start3A_115, %dma_start3A_116] : memref<10112x64xf32, #tpu.memory_space<vmem_shared>> -> memref<10112x64xf32, #tpu.memory_space<vmem_shared>>
    tpu.enqueue_indirect_dma source(%dma_start3A_117 : memref<10112x64xf32, #tpu.memory_space<vmem_shared>>) target(%arg10 : memref<128x64xf32, #tpu.memory_space<vmem>>) offsets(%dma_start3A_114 : memref<128xi32, #tpu.memory_space<vmem>>) semaphore(%arg16 : memref<!tpu.dma_semaphore, #tpu.memory_space<semaphore_mem>>)
    %mul3A_118 = arith.constant 160 : i32
    %mul3A_119 = arith.muli %arg1, %mul3A_118 : i32
    %add3A_120 = arith.constant 4 : i32
    %add3A_121 = arith.addi %mul3A_119, %add3A_120 : i32
    %dma_start3A_122 = arith.constant 1 : i32
    %dma_start3A_123 = arith.constant 0 : i32
    %dma_start3A_124 = arith.constant 0 : i32
    %dma_start3A_125 = tpu.memref_slice %arg6[%dma_start3A_122, %dma_start3A_123, %dma_start3A_124] : memref<2x2x128xi32, #tpu.memory_space<vmem>> -> memref<1x2x128xi32, #tpu.memory_space<vmem>>
    %dma_start3A_126 = tpu.memref_squeeze %dma_start3A_125 : memref<1x2x128xi32, #tpu.memory_space<vmem>> -> memref<2x128xi32, #tpu.memory_space<vmem>>
    %dma_start3A_127 = arith.constant 0 : i32
    %dma_start3A_128 = arith.constant 0 : i32
    %dma_start3A_129 = tpu.memref_slice %arg3[%add3A_121, %dma_start3A_127, %dma_start3A_128] : memref<2560x2x128xi32, #tpu.memory_space<hbm>> -> memref<1x2x128xi32, #tpu.memory_space<hbm>>
    %dma_start3A_130 = tpu.memref_squeeze %dma_start3A_129 : memref<1x2x128xi32, #tpu.memory_space<hbm>> -> memref<2x128xi32, #tpu.memory_space<hbm>>
    %dma_start3A_131 = arith.constant 0 : i32
    %dma_start3A_132 = arith.constant 0 : i32
    %dma_start3A_133 = tpu.memref_slice %arg6[%dma_start3A_122, %dma_start3A_131, %dma_start3A_132] : memref<2x2x128xi32, #tpu.memory_space<vmem>> -> memref<1x2x128xi32, #tpu.memory_space<vmem>>
    %dma_start3A_134 = tpu.memref_squeeze %dma_start3A_133 : memref<1x2x128xi32, #tpu.memory_space<vmem>> -> memref<2x128xi32, #tpu.memory_space<vmem>>
    %dma_start3A_135 = arith.constant 0 : i32
    %dma_start3A_136 = arith.constant 0 : i32
    %dma_start3A_137 = tpu.memref_slice %arg3[%add3A_121, %dma_start3A_135, %dma_start3A_136] : memref<2560x2x128xi32, #tpu.memory_space<hbm>> -> memref<1x2x128xi32, #tpu.memory_space<hbm>>
    %dma_start3A_138 = tpu.memref_squeeze %dma_start3A_137 : memref<1x2x128xi32, #tpu.memory_space<hbm>> -> memref<2x128xi32, #tpu.memory_space<hbm>>
    tpu.enqueue_dma source(%dma_start3A_138 : memref<2x128xi32, #tpu.memory_space<hbm>>) target(%dma_start3A_134 : memref<2x128xi32, #tpu.memory_space<vmem>>) target_semaphore(%arg24 : memref<!tpu.dma_semaphore, #tpu.memory_space<semaphore_mem>>)
    %mul3A_139 = arith.constant 160 : i32
    %mul3A_140 = arith.muli %arg1, %mul3A_139 : i32
    %add3A_141 = arith.constant 1 : i32
    %add3A_142 = arith.addi %mul3A_140, %add3A_141 : i32
    %dma_wait3A_143 = arith.constant 0 : i32
    %dma_wait3A_144 = arith.constant 0 : i32
    %dma_wait3A_145 = arith.constant 0 : i32
    %dma_wait3A_146 = tpu.memref_slice %arg7[%dma_wait3A_143, %dma_wait3A_144, %dma_wait3A_145] : memref<2x2x128xi32, #tpu.memory_space<vmem>> -> memref<1x2x128xi32, #tpu.memory_space<vmem>>
    %dma_wait3A_147 = tpu.memref_squeeze %dma_wait3A_146 : memref<1x2x128xi32, #tpu.memory_space<vmem>> -> memref<2x128xi32, #tpu.memory_space<vmem>>
    %dma_wait3A_148 = arith.constant 0 : i32
    %dma_wait3A_149 = arith.constant 0 : i32
    %dma_wait3A_150 = tpu.memref_slice %arg3[%add3A_142, %dma_wait3A_148, %dma_wait3A_149] : memref<2560x2x128xi32, #tpu.memory_space<hbm>> -> memref<1x2x128xi32, #tpu.memory_space<hbm>>
    %dma_wait3A_151 = tpu.memref_squeeze %dma_wait3A_150 : memref<1x2x128xi32, #tpu.memory_space<hbm>> -> memref<2x128xi32, #tpu.memory_space<hbm>>
    %dma_wait3A_152 = arith.constant 0 : i32
    %dma_wait3A_153 = arith.constant 0 : i32
    %dma_wait3A_154 = tpu.memref_slice %arg7[%dma_wait3A_143, %dma_wait3A_152, %dma_wait3A_153] : memref<2x2x128xi32, #tpu.memory_space<vmem>> -> memref<1x2x128xi32, #tpu.memory_space<vmem>>
    %dma_wait3A_155 = tpu.memref_squeeze %dma_wait3A_154 : memref<1x2x128xi32, #tpu.memory_space<vmem>> -> memref<2x128xi32, #tpu.memory_space<vmem>>
    %dma_wait3A_156 = arith.constant 0 : i32
    %dma_wait3A_157 = arith.constant 0 : i32
    %dma_wait3A_158 = tpu.memref_slice %arg3[%add3A_142, %dma_wait3A_156, %dma_wait3A_157] : memref<2560x2x128xi32, #tpu.memory_space<hbm>> -> memref<1x2x128xi32, #tpu.memory_space<hbm>>
    %dma_wait3A_159 = tpu.memref_squeeze %dma_wait3A_158 : memref<1x2x128xi32, #tpu.memory_space<hbm>> -> memref<2x128xi32, #tpu.memory_space<hbm>>
    tpu.wait_dma2 semaphore(%arg25 : memref<!tpu.dma_semaphore, #tpu.memory_space<semaphore_mem>>) src(%dma_wait3A_159 : memref<2x128xi32, #tpu.memory_space<hbm>>) dst(%dma_wait3A_155 : memref<2x128xi32, #tpu.memory_space<vmem>>)
    %dma_start3A_160 = arith.constant 0 : i32
    %dma_start3A_161 = arith.constant 0 : i32
    %dma_start3A_162 = arith.constant 0 : i32
    %dma_start3A_163 = tpu.memref_slice %arg7[%dma_start3A_160, %dma_start3A_161, %dma_start3A_162] : memref<2x2x128xi32, #tpu.memory_space<vmem>> -> memref<1x1x128xi32, #tpu.memory_space<vmem>>
    %dma_start3A_164 = tpu.memref_squeeze %dma_start3A_163 : memref<1x1x128xi32, #tpu.memory_space<vmem>> -> memref<128xi32, #tpu.memory_space<vmem>>
    %dma_start3A_165 = arith.constant 0 : i32
    %dma_start3A_166 = arith.constant 0 : i32
    %dma_start3A_167 = tpu.memref_slice %arg14[%dma_start3A_165, %dma_start3A_166] : memref<10112x64xf32, #tpu.memory_space<vmem_shared>> -> memref<10112x64xf32, #tpu.memory_space<vmem_shared>>
    tpu.enqueue_indirect_dma source(%dma_start3A_167 : memref<10112x64xf32, #tpu.memory_space<vmem_shared>>) target(%arg11 : memref<128x64xf32, #tpu.memory_space<vmem>>) offsets(%dma_start3A_164 : memref<128xi32, #tpu.memory_space<vmem>>) semaphore(%arg17 : memref<!tpu.dma_semaphore, #tpu.memory_space<semaphore_mem>>)
    %mul3A_168 = arith.constant 160 : i32
    %mul3A_169 = arith.muli %arg1, %mul3A_168 : i32
    %add3A_170 = arith.constant 5 : i32
    %add3A_171 = arith.addi %mul3A_169, %add3A_170 : i32
    %dma_start3A_172 = arith.constant 1 : i32
    %dma_start3A_173 = arith.constant 0 : i32
    %dma_start3A_174 = arith.constant 0 : i32
    %dma_start3A_175 = tpu.memref_slice %arg7[%dma_start3A_172, %dma_start3A_173, %dma_start3A_174] : memref<2x2x128xi32, #tpu.memory_space<vmem>> -> memref<1x2x128xi32, #tpu.memory_space<vmem>>
    %dma_start3A_176 = tpu.memref_squeeze %dma_start3A_175 : memref<1x2x128xi32, #tpu.memory_space<vmem>> -> memref<2x128xi32, #tpu.memory_space<vmem>>
    %dma_start3A_177 = arith.constant 0 : i32
    %dma_start3A_178 = arith.constant 0 : i32
    %dma_start3A_179 = tpu.memref_slice %arg3[%add3A_171, %dma_start3A_177, %dma_start3A_178] : memref<2560x2x128xi32, #tpu.memory_space<hbm>> -> memref<1x2x128xi32, #tpu.memory_space<hbm>>
    %dma_start3A_180 = tpu.memref_squeeze %dma_start3A_179 : memref<1x2x128xi32, #tpu.memory_space<hbm>> -> memref<2x128xi32, #tpu.memory_space<hbm>>
    %dma_start3A_181 = arith.constant 0 : i32
    %dma_start3A_182 = arith.constant 0 : i32
    %dma_start3A_183 = tpu.memref_slice %arg7[%dma_start3A_172, %dma_start3A_181, %dma_start3A_182] : memref<2x2x128xi32, #tpu.memory_space<vmem>> -> memref<1x2x128xi32, #tpu.memory_space<vmem>>
    %dma_start3A_184 = tpu.memref_squeeze %dma_start3A_183 : memref<1x2x128xi32, #tpu.memory_space<vmem>> -> memref<2x128xi32, #tpu.memory_space<vmem>>
    %dma_start3A_185 = arith.constant 0 : i32
    %dma_start3A_186 = arith.constant 0 : i32
    %dma_start3A_187 = tpu.memref_slice %arg3[%add3A_171, %dma_start3A_185, %dma_start3A_186] : memref<2560x2x128xi32, #tpu.memory_space<hbm>> -> memref<1x2x128xi32, #tpu.memory_space<hbm>>
    %dma_start3A_188 = tpu.memref_squeeze %dma_start3A_187 : memref<1x2x128xi32, #tpu.memory_space<hbm>> -> memref<2x128xi32, #tpu.memory_space<hbm>>
    tpu.enqueue_dma source(%dma_start3A_188 : memref<2x128xi32, #tpu.memory_space<hbm>>) target(%dma_start3A_184 : memref<2x128xi32, #tpu.memory_space<vmem>>) target_semaphore(%arg25 : memref<!tpu.dma_semaphore, #tpu.memory_space<semaphore_mem>>)
    %mul3A_189 = arith.constant 160 : i32
    %mul3A_190 = arith.muli %arg1, %mul3A_189 : i32
    %add3A_191 = arith.constant 2 : i32
    %add3A_192 = arith.addi %mul3A_190, %add3A_191 : i32
    %dma_wait3A_193 = arith.constant 0 : i32
    %dma_wait3A_194 = arith.constant 0 : i32
    %dma_wait3A_195 = arith.constant 0 : i32
    %dma_wait3A_196 = tpu.memref_slice %arg8[%dma_wait3A_193, %dma_wait3A_194, %dma_wait3A_195] : memref<2x2x128xi32, #tpu.memory_space<vmem>> -> memref<1x2x128xi32, #tpu.memory_space<vmem>>
    %dma_wait3A_197 = tpu.memref_squeeze %dma_wait3A_196 : memref<1x2x128xi32, #tpu.memory_space<vmem>> -> memref<2x128xi32, #tpu.memory_space<vmem>>
    %dma_wait3A_198 = arith.constant 0 : i32
    %dma_wait3A_199 = arith.constant 0 : i32
    %dma_wait3A_200 = tpu.memref_slice %arg3[%add3A_192, %dma_wait3A_198, %dma_wait3A_199] : memref<2560x2x128xi32, #tpu.memory_space<hbm>> -> memref<1x2x128xi32, #tpu.memory_space<hbm>>
    %dma_wait3A_201 = tpu.memref_squeeze %dma_wait3A_200 : memref<1x2x128xi32, #tpu.memory_space<hbm>> -> memref<2x128xi32, #tpu.memory_space<hbm>>
    %dma_wait3A_202 = arith.constant 0 : i32
    %dma_wait3A_203 = arith.constant 0 : i32
    %dma_wait3A_204 = tpu.memref_slice %arg8[%dma_wait3A_193, %dma_wait3A_202, %dma_wait3A_203] : memref<2x2x128xi32, #tpu.memory_space<vmem>> -> memref<1x2x128xi32, #tpu.memory_space<vmem>>
    %dma_wait3A_205 = tpu.memref_squeeze %dma_wait3A_204 : memref<1x2x128xi32, #tpu.memory_space<vmem>> -> memref<2x128xi32, #tpu.memory_space<vmem>>
    %dma_wait3A_206 = arith.constant 0 : i32
    %dma_wait3A_207 = arith.constant 0 : i32
    %dma_wait3A_208 = tpu.memref_slice %arg3[%add3A_192, %dma_wait3A_206, %dma_wait3A_207] : memref<2560x2x128xi32, #tpu.memory_space<hbm>> -> memref<1x2x128xi32, #tpu.memory_space<hbm>>
    %dma_wait3A_209 = tpu.memref_squeeze %dma_wait3A_208 : memref<1x2x128xi32, #tpu.memory_space<hbm>> -> memref<2x128xi32, #tpu.memory_space<hbm>>
    tpu.wait_dma2 semaphore(%arg26 : memref<!tpu.dma_semaphore, #tpu.memory_space<semaphore_mem>>) src(%dma_wait3A_209 : memref<2x128xi32, #tpu.memory_space<hbm>>) dst(%dma_wait3A_205 : memref<2x128xi32, #tpu.memory_space<vmem>>)
    %dma_start3A_210 = arith.constant 0 : i32
    %dma_start3A_211 = arith.constant 0 : i32
    %dma_start3A_212 = arith.constant 0 : i32
    %dma_start3A_213 = tpu.memref_slice %arg8[%dma_start3A_210, %dma_start3A_211, %dma_start3A_212] : memref<2x2x128xi32, #tpu.memory_space<vmem>> -> memref<1x1x128xi32, #tpu.memory_space<vmem>>
    %dma_start3A_214 = tpu.memref_squeeze %dma_start3A_213 : memref<1x1x128xi32, #tpu.memory_space<vmem>> -> memref<128xi32, #tpu.memory_space<vmem>>
    %dma_start3A_215 = arith.constant 0 : i32
    %dma_start3A_216 = arith.constant 0 : i32
    %dma_start3A_217 = tpu.memref_slice %arg14[%dma_start3A_215, %dma_start3A_216] : memref<10112x64xf32, #tpu.memory_space<vmem_shared>> -> memref<10112x64xf32, #tpu.memory_space<vmem_shared>>
    tpu.enqueue_indirect_dma source(%dma_start3A_217 : memref<10112x64xf32, #tpu.memory_space<vmem_shared>>) target(%arg12 : memref<128x64xf32, #tpu.memory_space<vmem>>) offsets(%dma_start3A_214 : memref<128xi32, #tpu.memory_space<vmem>>) semaphore(%arg18 : memref<!tpu.dma_semaphore, #tpu.memory_space<semaphore_mem>>)
    %mul3A_218 = arith.constant 160 : i32
    %mul3A_219 = arith.muli %arg1, %mul3A_218 : i32
    %add3A_220 = arith.constant 6 : i32
    %add3A_221 = arith.addi %mul3A_219, %add3A_220 : i32
    %dma_start3A_222 = arith.constant 1 : i32
    %dma_start3A_223 = arith.constant 0 : i32
    %dma_start3A_224 = arith.constant 0 : i32
    %dma_start3A_225 = tpu.memref_slice %arg8[%dma_start3A_222, %dma_start3A_223, %dma_start3A_224] : memref<2x2x128xi32, #tpu.memory_space<vmem>> -> memref<1x2x128xi32, #tpu.memory_space<vmem>>
    %dma_start3A_226 = tpu.memref_squeeze %dma_start3A_225 : memref<1x2x128xi32, #tpu.memory_space<vmem>> -> memref<2x128xi32, #tpu.memory_space<vmem>>
    %dma_start3A_227 = arith.constant 0 : i32
    %dma_start3A_228 = arith.constant 0 : i32
    %dma_start3A_229 = tpu.memref_slice %arg3[%add3A_221, %dma_start3A_227, %dma_start3A_228] : memref<2560x2x128xi32, #tpu.memory_space<hbm>> -> memref<1x2x128xi32, #tpu.memory_space<hbm>>
    %dma_start3A_230 = tpu.memref_squeeze %dma_start3A_229 : memref<1x2x128xi32, #tpu.memory_space<hbm>> -> memref<2x128xi32, #tpu.memory_space<hbm>>
    %dma_start3A_231 = arith.constant 0 : i32
    %dma_start3A_232 = arith.constant 0 : i32
    %dma_start3A_233 = tpu.memref_slice %arg8[%dma_start3A_222, %dma_start3A_231, %dma_start3A_232] : memref<2x2x128xi32, #tpu.memory_space<vmem>> -> memref<1x2x128xi32, #tpu.memory_space<vmem>>
    %dma_start3A_234 = tpu.memref_squeeze %dma_start3A_233 : memref<1x2x128xi32, #tpu.memory_space<vmem>> -> memref<2x128xi32, #tpu.memory_space<vmem>>
    %dma_start3A_235 = arith.constant 0 : i32
    %dma_start3A_236 = arith.constant 0 : i32
    %dma_start3A_237 = tpu.memref_slice %arg3[%add3A_221, %dma_start3A_235, %dma_start3A_236] : memref<2560x2x128xi32, #tpu.memory_space<hbm>> -> memref<1x2x128xi32, #tpu.memory_space<hbm>>
    %dma_start3A_238 = tpu.memref_squeeze %dma_start3A_237 : memref<1x2x128xi32, #tpu.memory_space<hbm>> -> memref<2x128xi32, #tpu.memory_space<hbm>>
    tpu.enqueue_dma source(%dma_start3A_238 : memref<2x128xi32, #tpu.memory_space<hbm>>) target(%dma_start3A_234 : memref<2x128xi32, #tpu.memory_space<vmem>>) target_semaphore(%arg26 : memref<!tpu.dma_semaphore, #tpu.memory_space<semaphore_mem>>)
    %mul3A_239 = arith.constant 160 : i32
    %mul3A_240 = arith.muli %arg1, %mul3A_239 : i32
    %add3A_241 = arith.constant 3 : i32
    %add3A_242 = arith.addi %mul3A_240, %add3A_241 : i32
    %dma_wait3A_243 = arith.constant 0 : i32
    %dma_wait3A_244 = arith.constant 0 : i32
    %dma_wait3A_245 = arith.constant 0 : i32
    %dma_wait3A_246 = tpu.memref_slice %arg9[%dma_wait3A_243, %dma_wait3A_244, %dma_wait3A_245] : memref<2x2x128xi32, #tpu.memory_space<vmem>> -> memref<1x2x128xi32, #tpu.memory_space<vmem>>
    %dma_wait3A_247 = tpu.memref_squeeze %dma_wait3A_246 : memref<1x2x128xi32, #tpu.memory_space<vmem>> -> memref<2x128xi32, #tpu.memory_space<vmem>>
    %dma_wait3A_248 = arith.constant 0 : i32
    %dma_wait3A_249 = arith.constant 0 : i32
    %dma_wait3A_250 = tpu.memref_slice %arg3[%add3A_242, %dma_wait3A_248, %dma_wait3A_249] : memref<2560x2x128xi32, #tpu.memory_space<hbm>> -> memref<1x2x128xi32, #tpu.memory_space<hbm>>
    %dma_wait3A_251 = tpu.memref_squeeze %dma_wait3A_250 : memref<1x2x128xi32, #tpu.memory_space<hbm>> -> memref<2x128xi32, #tpu.memory_space<hbm>>
    %dma_wait3A_252 = arith.constant 0 : i32
    %dma_wait3A_253 = arith.constant 0 : i32
    %dma_wait3A_254 = tpu.memref_slice %arg9[%dma_wait3A_243, %dma_wait3A_252, %dma_wait3A_253] : memref<2x2x128xi32, #tpu.memory_space<vmem>> -> memref<1x2x128xi32, #tpu.memory_space<vmem>>
    %dma_wait3A_255 = tpu.memref_squeeze %dma_wait3A_254 : memref<1x2x128xi32, #tpu.memory_space<vmem>> -> memref<2x128xi32, #tpu.memory_space<vmem>>
    %dma_wait3A_256 = arith.constant 0 : i32
    %dma_wait3A_257 = arith.constant 0 : i32
    %dma_wait3A_258 = tpu.memref_slice %arg3[%add3A_242, %dma_wait3A_256, %dma_wait3A_257] : memref<2560x2x128xi32, #tpu.memory_space<hbm>> -> memref<1x2x128xi32, #tpu.memory_space<hbm>>
    %dma_wait3A_259 = tpu.memref_squeeze %dma_wait3A_258 : memref<1x2x128xi32, #tpu.memory_space<hbm>> -> memref<2x128xi32, #tpu.memory_space<hbm>>
    tpu.wait_dma2 semaphore(%arg27 : memref<!tpu.dma_semaphore, #tpu.memory_space<semaphore_mem>>) src(%dma_wait3A_259 : memref<2x128xi32, #tpu.memory_space<hbm>>) dst(%dma_wait3A_255 : memref<2x128xi32, #tpu.memory_space<vmem>>)
    %dma_start3A_260 = arith.constant 0 : i32
    %dma_start3A_261 = arith.constant 0 : i32
    %dma_start3A_262 = arith.constant 0 : i32
    %dma_start3A_263 = tpu.memref_slice %arg9[%dma_start3A_260, %dma_start3A_261, %dma_start3A_262] : memref<2x2x128xi32, #tpu.memory_space<vmem>> -> memref<1x1x128xi32, #tpu.memory_space<vmem>>
    %dma_start3A_264 = tpu.memref_squeeze %dma_start3A_263 : memref<1x1x128xi32, #tpu.memory_space<vmem>> -> memref<128xi32, #tpu.memory_space<vmem>>
    %dma_start3A_265 = arith.constant 0 : i32
    %dma_start3A_266 = arith.constant 0 : i32
    %dma_start3A_267 = tpu.memref_slice %arg14[%dma_start3A_265, %dma_start3A_266] : memref<10112x64xf32, #tpu.memory_space<vmem_shared>> -> memref<10112x64xf32, #tpu.memory_space<vmem_shared>>
    tpu.enqueue_indirect_dma source(%dma_start3A_267 : memref<10112x64xf32, #tpu.memory_space<vmem_shared>>) target(%arg13 : memref<128x64xf32, #tpu.memory_space<vmem>>) offsets(%dma_start3A_264 : memref<128xi32, #tpu.memory_space<vmem>>) semaphore(%arg19 : memref<!tpu.dma_semaphore, #tpu.memory_space<semaphore_mem>>)
    %mul3A_268 = arith.constant 160 : i32
    %mul3A_269 = arith.muli %arg1, %mul3A_268 : i32
    %add3A_270 = arith.constant 7 : i32
    %add3A_271 = arith.addi %mul3A_269, %add3A_270 : i32
    %dma_start3A_272 = arith.constant 1 : i32
    %dma_start3A_273 = arith.constant 0 : i32
    %dma_start3A_274 = arith.constant 0 : i32
    %dma_start3A_275 = tpu.memref_slice %arg9[%dma_start3A_272, %dma_start3A_273, %dma_start3A_274] : memref<2x2x128xi32, #tpu.memory_space<vmem>> -> memref<1x2x128xi32, #tpu.memory_space<vmem>>
    %dma_start3A_276 = tpu.memref_squeeze %dma_start3A_275 : memref<1x2x128xi32, #tpu.memory_space<vmem>> -> memref<2x128xi32, #tpu.memory_space<vmem>>
    %dma_start3A_277 = arith.constant 0 : i32
    %dma_start3A_278 = arith.constant 0 : i32
    %dma_start3A_279 = tpu.memref_slice %arg3[%add3A_271, %dma_start3A_277, %dma_start3A_278] : memref<2560x2x128xi32, #tpu.memory_space<hbm>> -> memref<1x2x128xi32, #tpu.memory_space<hbm>>
    %dma_start3A_280 = tpu.memref_squeeze %dma_start3A_279 : memref<1x2x128xi32, #tpu.memory_space<hbm>> -> memref<2x128xi32, #tpu.memory_space<hbm>>
    %dma_start3A_281 = arith.constant 0 : i32
    %dma_start3A_282 = arith.constant 0 : i32
    %dma_start3A_283 = tpu.memref_slice %arg9[%dma_start3A_272, %dma_start3A_281, %dma_start3A_282] : memref<2x2x128xi32, #tpu.memory_space<vmem>> -> memref<1x2x128xi32, #tpu.memory_space<vmem>>
    %dma_start3A_284 = tpu.memref_squeeze %dma_start3A_283 : memref<1x2x128xi32, #tpu.memory_space<vmem>> -> memref<2x128xi32, #tpu.memory_space<vmem>>
    %dma_start3A_285 = arith.constant 0 : i32
    %dma_start3A_286 = arith.constant 0 : i32
    %dma_start3A_287 = tpu.memref_slice %arg3[%add3A_271, %dma_start3A_285, %dma_start3A_286] : memref<2560x2x128xi32, #tpu.memory_space<hbm>> -> memref<1x2x128xi32, #tpu.memory_space<hbm>>
    %dma_start3A_288 = tpu.memref_squeeze %dma_start3A_287 : memref<1x2x128xi32, #tpu.memory_space<hbm>> -> memref<2x128xi32, #tpu.memory_space<hbm>>
    tpu.enqueue_dma source(%dma_start3A_288 : memref<2x128xi32, #tpu.memory_space<hbm>>) target(%dma_start3A_284 : memref<2x128xi32, #tpu.memory_space<vmem>>) target_semaphore(%arg27 : memref<!tpu.dma_semaphore, #tpu.memory_space<semaphore_mem>>)
    %scan3A = arith.constant 0 : i32
    %scan3A_289 = arith.constant 0 : i32
    %scan3A_290 = arith.constant 40 : i32
    %scan3A_291 = arith.addi %scan3A_289, %scan3A_290 : i32
    %scan3A_292 = arith.constant 1 : i32
    scf.for %scan3A_298 = %scan3A_289 to %scan3A_291 step %scan3A_292  : i32 {
      %rem3A = arith.constant 2 : i32
      %rem3A_299 = arith.remsi %scan3A_298, %rem3A : i32
      %sub3A = arith.constant 1 : i32
      %sub3A_300 = arith.subi %sub3A, %rem3A_299 : i32
      %mul3A_301 = arith.constant 4 : i32
      %mul3A_302 = arith.muli %scan3A_298, %mul3A_301 : i32
      %add3A_303 = arith.constant 0 : i32
      %add3A_304 = arith.addi %mul3A_302, %add3A_303 : i32
      %dma_wait3A_305 = arith.constant 0 : i32
      %dma_wait3A_306 = arith.constant 0 : i32
      %dma_wait3A_307 = tpu.memref_slice %arg6[%rem3A_299, %dma_wait3A_305, %dma_wait3A_306] : memref<2x2x128xi32, #tpu.memory_space<vmem>> -> memref<1x1x128xi32, #tpu.memory_space<vmem>>
      %dma_wait3A_308 = tpu.memref_squeeze %dma_wait3A_307 : memref<1x1x128xi32, #tpu.memory_space<vmem>> -> memref<128xi32, #tpu.memory_space<vmem>>
      %dma_wait3A_309 = arith.constant 0 : i32
      %dma_wait3A_310 = arith.constant 0 : i32
      %dma_wait3A_311 = tpu.memref_slice %arg14[%dma_wait3A_309, %dma_wait3A_310] : memref<10112x64xf32, #tpu.memory_space<vmem_shared>> -> memref<10112x64xf32, #tpu.memory_space<vmem_shared>>
      tpu.wait_indirect_dma semaphore(%arg16 : memref<!tpu.dma_semaphore, #tpu.memory_space<semaphore_mem>>) src(%dma_wait3A_311 : memref<10112x64xf32, #tpu.memory_space<vmem_shared>>) dst(%arg10 : memref<128x64xf32, #tpu.memory_space<vmem>>)
      %dma_start3A_312 = arith.constant 1 : i32
      %dma_start3A_313 = arith.constant 0 : i32
      %dma_start3A_314 = tpu.memref_slice %arg6[%rem3A_299, %dma_start3A_312, %dma_start3A_313] : memref<2x2x128xi32, #tpu.memory_space<vmem>> -> memref<1x1x128xi32, #tpu.memory_space<vmem>>
      %dma_start3A_315 = tpu.memref_squeeze %dma_start3A_314 : memref<1x1x128xi32, #tpu.memory_space<vmem>> -> memref<128xi32, #tpu.memory_space<vmem>>
      %dma_start3A_316 = arith.constant 0 : i32
      %dma_start3A_317 = arith.constant 0 : i32
      %dma_start3A_318 = tpu.memref_slice %arg15[%dma_start3A_316, %dma_start3A_317] : memref<10112x64xf32, #tpu.memory_space<vmem_shared>> -> memref<10112x64xf32, #tpu.memory_space<vmem_shared>>
      tpu.enqueue_indirect_dma source(%arg10 : memref<128x64xf32, #tpu.memory_space<vmem>>) target(%dma_start3A_318 : memref<10112x64xf32, #tpu.memory_space<vmem_shared>>) offsets(%dma_start3A_315 : memref<128xi32, #tpu.memory_space<vmem>>) semaphore(%arg20 : memref<!tpu.dma_semaphore, #tpu.memory_space<semaphore_mem>>) {add = true}
      %dma_wait3A_319 = arith.constant 1 : i32
      %dma_wait3A_320 = arith.constant 0 : i32
      %dma_wait3A_321 = tpu.memref_slice %arg6[%rem3A_299, %dma_wait3A_319, %dma_wait3A_320] : memref<2x2x128xi32, #tpu.memory_space<vmem>> -> memref<1x1x128xi32, #tpu.memory_space<vmem>>
      %dma_wait3A_322 = tpu.memref_squeeze %dma_wait3A_321 : memref<1x1x128xi32, #tpu.memory_space<vmem>> -> memref<128xi32, #tpu.memory_space<vmem>>
      %dma_wait3A_323 = arith.constant 0 : i32
      %dma_wait3A_324 = arith.constant 0 : i32
      %dma_wait3A_325 = tpu.memref_slice %arg15[%dma_wait3A_323, %dma_wait3A_324] : memref<10112x64xf32, #tpu.memory_space<vmem_shared>> -> memref<10112x64xf32, #tpu.memory_space<vmem_shared>>
      tpu.wait_indirect_dma semaphore(%arg20 : memref<!tpu.dma_semaphore, #tpu.memory_space<semaphore_mem>>) src(%arg10 : memref<128x64xf32, #tpu.memory_space<vmem>>) dst(%dma_wait3A_325 : memref<10112x64xf32, #tpu.memory_space<vmem_shared>>)
      %lt3A = arith.constant 39 : i32
      %lt3A_326 = arith.cmpi slt, %scan3A_298, %lt3A : i32
      %convert_element_type3A = arith.extui %lt3A_326 : i1 to i32
      %cond3A = arith.constant 0 : i32
      %cond3A_327 = arith.cmpi ne, %convert_element_type3A, %cond3A : i32
      scf.if %cond3A_327 {
        %add3A_418 = arith.constant 4 : i32
        %add3A_419 = arith.addi %add3A_304, %add3A_418 : i32
        %mul3A_420 = arith.constant 160 : i32
        %mul3A_421 = arith.muli %arg1, %mul3A_420 : i32
        %add3A_422 = arith.addi %mul3A_421, %add3A_419 : i32
        %dma_wait3A_423 = arith.constant 0 : i32
        %dma_wait3A_424 = arith.constant 0 : i32
        %dma_wait3A_425 = tpu.memref_slice %arg6[%sub3A_300, %dma_wait3A_423, %dma_wait3A_424] : memref<2x2x128xi32, #tpu.memory_space<vmem>> -> memref<1x2x128xi32, #tpu.memory_space<vmem>>
        %dma_wait3A_426 = tpu.memref_squeeze %dma_wait3A_425 : memref<1x2x128xi32, #tpu.memory_space<vmem>> -> memref<2x128xi32, #tpu.memory_space<vmem>>
        %dma_wait3A_427 = arith.constant 0 : i32
        %dma_wait3A_428 = arith.constant 0 : i32
        %dma_wait3A_429 = tpu.memref_slice %arg3[%add3A_422, %dma_wait3A_427, %dma_wait3A_428] : memref<2560x2x128xi32, #tpu.memory_space<hbm>> -> memref<1x2x128xi32, #tpu.memory_space<hbm>>
        %dma_wait3A_430 = tpu.memref_squeeze %dma_wait3A_429 : memref<1x2x128xi32, #tpu.memory_space<hbm>> -> memref<2x128xi32, #tpu.memory_space<hbm>>
        %dma_wait3A_431 = arith.constant 0 : i32
        %dma_wait3A_432 = arith.constant 0 : i32
        %dma_wait3A_433 = tpu.memref_slice %arg6[%sub3A_300, %dma_wait3A_431, %dma_wait3A_432] : memref<2x2x128xi32, #tpu.memory_space<vmem>> -> memref<1x2x128xi32, #tpu.memory_space<vmem>>
        %dma_wait3A_434 = tpu.memref_squeeze %dma_wait3A_433 : memref<1x2x128xi32, #tpu.memory_space<vmem>> -> memref<2x128xi32, #tpu.memory_space<vmem>>
        %dma_wait3A_435 = arith.constant 0 : i32
        %dma_wait3A_436 = arith.constant 0 : i32
        %dma_wait3A_437 = tpu.memref_slice %arg3[%add3A_422, %dma_wait3A_435, %dma_wait3A_436] : memref<2560x2x128xi32, #tpu.memory_space<hbm>> -> memref<1x2x128xi32, #tpu.memory_space<hbm>>
        %dma_wait3A_438 = tpu.memref_squeeze %dma_wait3A_437 : memref<1x2x128xi32, #tpu.memory_space<hbm>> -> memref<2x128xi32, #tpu.memory_space<hbm>>
        tpu.wait_dma2 semaphore(%arg24 : memref<!tpu.dma_semaphore, #tpu.memory_space<semaphore_mem>>) src(%dma_wait3A_438 : memref<2x128xi32, #tpu.memory_space<hbm>>) dst(%dma_wait3A_434 : memref<2x128xi32, #tpu.memory_space<vmem>>)
        %dma_start3A_439 = arith.constant 0 : i32
        %dma_start3A_440 = arith.constant 0 : i32
        %dma_start3A_441 = tpu.memref_slice %arg6[%sub3A_300, %dma_start3A_439, %dma_start3A_440] : memref<2x2x128xi32, #tpu.memory_space<vmem>> -> memref<1x1x128xi32, #tpu.memory_space<vmem>>
        %dma_start3A_442 = tpu.memref_squeeze %dma_start3A_441 : memref<1x1x128xi32, #tpu.memory_space<vmem>> -> memref<128xi32, #tpu.memory_space<vmem>>
        %dma_start3A_443 = arith.constant 0 : i32
        %dma_start3A_444 = arith.constant 0 : i32
        %dma_start3A_445 = tpu.memref_slice %arg14[%dma_start3A_443, %dma_start3A_444] : memref<10112x64xf32, #tpu.memory_space<vmem_shared>> -> memref<10112x64xf32, #tpu.memory_space<vmem_shared>>
        tpu.enqueue_indirect_dma source(%dma_start3A_445 : memref<10112x64xf32, #tpu.memory_space<vmem_shared>>) target(%arg10 : memref<128x64xf32, #tpu.memory_space<vmem>>) offsets(%dma_start3A_442 : memref<128xi32, #tpu.memory_space<vmem>>) semaphore(%arg16 : memref<!tpu.dma_semaphore, #tpu.memory_space<semaphore_mem>>)
        %lt3A_446 = arith.constant 38 : i32
        %lt3A_447 = arith.cmpi slt, %scan3A_298, %lt3A_446 : i32
        %convert_element_type3A_448 = arith.extui %lt3A_447 : i1 to i32
        %cond3A_449 = arith.constant 0 : i32
        %cond3A_450 = arith.cmpi ne, %convert_element_type3A_448, %cond3A_449 : i32
        scf.if %cond3A_450 {
          %add3A_451 = arith.constant 8 : i32
          %add3A_452 = arith.addi %add3A_304, %add3A_451 : i32
          %mul3A_453 = arith.constant 160 : i32
          %mul3A_454 = arith.muli %arg1, %mul3A_453 : i32
          %add3A_455 = arith.addi %mul3A_454, %add3A_452 : i32
          %dma_start3A_456 = arith.constant 0 : i32
          %dma_start3A_457 = arith.constant 0 : i32
          %dma_start3A_458 = tpu.memref_slice %arg6[%rem3A_299, %dma_start3A_456, %dma_start3A_457] : memref<2x2x128xi32, #tpu.memory_space<vmem>> -> memref<1x2x128xi32, #tpu.memory_space<vmem>>
          %dma_start3A_459 = tpu.memref_squeeze %dma_start3A_458 : memref<1x2x128xi32, #tpu.memory_space<vmem>> -> memref<2x128xi32, #tpu.memory_space<vmem>>
          %dma_start3A_460 = arith.constant 0 : i32
          %dma_start3A_461 = arith.constant 0 : i32
          %dma_start3A_462 = tpu.memref_slice %arg3[%add3A_455, %dma_start3A_460, %dma_start3A_461] : memref<2560x2x128xi32, #tpu.memory_space<hbm>> -> memref<1x2x128xi32, #tpu.memory_space<hbm>>
          %dma_start3A_463 = tpu.memref_squeeze %dma_start3A_462 : memref<1x2x128xi32, #tpu.memory_space<hbm>> -> memref<2x128xi32, #tpu.memory_space<hbm>>
          %dma_start3A_464 = arith.constant 0 : i32
          %dma_start3A_465 = arith.constant 0 : i32
          %dma_start3A_466 = tpu.memref_slice %arg6[%rem3A_299, %dma_start3A_464, %dma_start3A_465] : memref<2x2x128xi32, #tpu.memory_space<vmem>> -> memref<1x2x128xi32, #tpu.memory_space<vmem>>
          %dma_start3A_467 = tpu.memref_squeeze %dma_start3A_466 : memref<1x2x128xi32, #tpu.memory_space<vmem>> -> memref<2x128xi32, #tpu.memory_space<vmem>>
          %dma_start3A_468 = arith.constant 0 : i32
          %dma_start3A_469 = arith.constant 0 : i32
          %dma_start3A_470 = tpu.memref_slice %arg3[%add3A_455, %dma_start3A_468, %dma_start3A_469] : memref<2560x2x128xi32, #tpu.memory_space<hbm>> -> memref<1x2x128xi32, #tpu.memory_space<hbm>>
          %dma_start3A_471 = tpu.memref_squeeze %dma_start3A_470 : memref<1x2x128xi32, #tpu.memory_space<hbm>> -> memref<2x128xi32, #tpu.memory_space<hbm>>
          tpu.enqueue_dma source(%dma_start3A_471 : memref<2x128xi32, #tpu.memory_space<hbm>>) target(%dma_start3A_467 : memref<2x128xi32, #tpu.memory_space<vmem>>) target_semaphore(%arg24 : memref<!tpu.dma_semaphore, #tpu.memory_space<semaphore_mem>>)
        } else {
        }
      } else {
      }
      %mul3A_328 = arith.constant 4 : i32
      %mul3A_329 = arith.muli %scan3A_298, %mul3A_328 : i32
      %add3A_330 = arith.constant 1 : i32
      %add3A_331 = arith.addi %mul3A_329, %add3A_330 : i32
      %dma_wait3A_332 = arith.constant 0 : i32
      %dma_wait3A_333 = arith.constant 0 : i32
      %dma_wait3A_334 = tpu.memref_slice %arg7[%rem3A_299, %dma_wait3A_332, %dma_wait3A_333] : memref<2x2x128xi32, #tpu.memory_space<vmem>> -> memref<1x1x128xi32, #tpu.memory_space<vmem>>
      %dma_wait3A_335 = tpu.memref_squeeze %dma_wait3A_334 : memref<1x1x128xi32, #tpu.memory_space<vmem>> -> memref<128xi32, #tpu.memory_space<vmem>>
      %dma_wait3A_336 = arith.constant 0 : i32
      %dma_wait3A_337 = arith.constant 0 : i32
      %dma_wait3A_338 = tpu.memref_slice %arg14[%dma_wait3A_336, %dma_wait3A_337] : memref<10112x64xf32, #tpu.memory_space<vmem_shared>> -> memref<10112x64xf32, #tpu.memory_space<vmem_shared>>
      tpu.wait_indirect_dma semaphore(%arg17 : memref<!tpu.dma_semaphore, #tpu.memory_space<semaphore_mem>>) src(%dma_wait3A_338 : memref<10112x64xf32, #tpu.memory_space<vmem_shared>>) dst(%arg11 : memref<128x64xf32, #tpu.memory_space<vmem>>)
      %dma_start3A_339 = arith.constant 1 : i32
      %dma_start3A_340 = arith.constant 0 : i32
      %dma_start3A_341 = tpu.memref_slice %arg7[%rem3A_299, %dma_start3A_339, %dma_start3A_340] : memref<2x2x128xi32, #tpu.memory_space<vmem>> -> memref<1x1x128xi32, #tpu.memory_space<vmem>>
      %dma_start3A_342 = tpu.memref_squeeze %dma_start3A_341 : memref<1x1x128xi32, #tpu.memory_space<vmem>> -> memref<128xi32, #tpu.memory_space<vmem>>
      %dma_start3A_343 = arith.constant 0 : i32
      %dma_start3A_344 = arith.constant 0 : i32
      %dma_start3A_345 = tpu.memref_slice %arg15[%dma_start3A_343, %dma_start3A_344] : memref<10112x64xf32, #tpu.memory_space<vmem_shared>> -> memref<10112x64xf32, #tpu.memory_space<vmem_shared>>
      tpu.enqueue_indirect_dma source(%arg11 : memref<128x64xf32, #tpu.memory_space<vmem>>) target(%dma_start3A_345 : memref<10112x64xf32, #tpu.memory_space<vmem_shared>>) offsets(%dma_start3A_342 : memref<128xi32, #tpu.memory_space<vmem>>) semaphore(%arg21 : memref<!tpu.dma_semaphore, #tpu.memory_space<semaphore_mem>>) {add = true}
      %dma_wait3A_346 = arith.constant 1 : i32
      %dma_wait3A_347 = arith.constant 0 : i32
      %dma_wait3A_348 = tpu.memref_slice %arg7[%rem3A_299, %dma_wait3A_346, %dma_wait3A_347] : memref<2x2x128xi32, #tpu.memory_space<vmem>> -> memref<1x1x128xi32, #tpu.memory_space<vmem>>
      %dma_wait3A_349 = tpu.memref_squeeze %dma_wait3A_348 : memref<1x1x128xi32, #tpu.memory_space<vmem>> -> memref<128xi32, #tpu.memory_space<vmem>>
      %dma_wait3A_350 = arith.constant 0 : i32
      %dma_wait3A_351 = arith.constant 0 : i32
      %dma_wait3A_352 = tpu.memref_slice %arg15[%dma_wait3A_350, %dma_wait3A_351] : memref<10112x64xf32, #tpu.memory_space<vmem_shared>> -> memref<10112x64xf32, #tpu.memory_space<vmem_shared>>
      tpu.wait_indirect_dma semaphore(%arg21 : memref<!tpu.dma_semaphore, #tpu.memory_space<semaphore_mem>>) src(%arg11 : memref<128x64xf32, #tpu.memory_space<vmem>>) dst(%dma_wait3A_352 : memref<10112x64xf32, #tpu.memory_space<vmem_shared>>)
      %lt3A_353 = arith.constant 39 : i32
      %lt3A_354 = arith.cmpi slt, %scan3A_298, %lt3A_353 : i32
      %convert_element_type3A_355 = arith.extui %lt3A_354 : i1 to i32
      %cond3A_356 = arith.constant 0 : i32
      %cond3A_357 = arith.cmpi ne, %convert_element_type3A_355, %cond3A_356 : i32
      scf.if %cond3A_357 {
        %add3A_418 = arith.constant 4 : i32
        %add3A_419 = arith.addi %add3A_331, %add3A_418 : i32
        %mul3A_420 = arith.constant 160 : i32
        %mul3A_421 = arith.muli %arg1, %mul3A_420 : i32
        %add3A_422 = arith.addi %mul3A_421, %add3A_419 : i32
        %dma_wait3A_423 = arith.constant 0 : i32
        %dma_wait3A_424 = arith.constant 0 : i32
        %dma_wait3A_425 = tpu.memref_slice %arg7[%sub3A_300, %dma_wait3A_423, %dma_wait3A_424] : memref<2x2x128xi32, #tpu.memory_space<vmem>> -> memref<1x2x128xi32, #tpu.memory_space<vmem>>
        %dma_wait3A_426 = tpu.memref_squeeze %dma_wait3A_425 : memref<1x2x128xi32, #tpu.memory_space<vmem>> -> memref<2x128xi32, #tpu.memory_space<vmem>>
        %dma_wait3A_427 = arith.constant 0 : i32
        %dma_wait3A_428 = arith.constant 0 : i32
        %dma_wait3A_429 = tpu.memref_slice %arg3[%add3A_422, %dma_wait3A_427, %dma_wait3A_428] : memref<2560x2x128xi32, #tpu.memory_space<hbm>> -> memref<1x2x128xi32, #tpu.memory_space<hbm>>
        %dma_wait3A_430 = tpu.memref_squeeze %dma_wait3A_429 : memref<1x2x128xi32, #tpu.memory_space<hbm>> -> memref<2x128xi32, #tpu.memory_space<hbm>>
        %dma_wait3A_431 = arith.constant 0 : i32
        %dma_wait3A_432 = arith.constant 0 : i32
        %dma_wait3A_433 = tpu.memref_slice %arg7[%sub3A_300, %dma_wait3A_431, %dma_wait3A_432] : memref<2x2x128xi32, #tpu.memory_space<vmem>> -> memref<1x2x128xi32, #tpu.memory_space<vmem>>
        %dma_wait3A_434 = tpu.memref_squeeze %dma_wait3A_433 : memref<1x2x128xi32, #tpu.memory_space<vmem>> -> memref<2x128xi32, #tpu.memory_space<vmem>>
        %dma_wait3A_435 = arith.constant 0 : i32
        %dma_wait3A_436 = arith.constant 0 : i32
        %dma_wait3A_437 = tpu.memref_slice %arg3[%add3A_422, %dma_wait3A_435, %dma_wait3A_436] : memref<2560x2x128xi32, #tpu.memory_space<hbm>> -> memref<1x2x128xi32, #tpu.memory_space<hbm>>
        %dma_wait3A_438 = tpu.memref_squeeze %dma_wait3A_437 : memref<1x2x128xi32, #tpu.memory_space<hbm>> -> memref<2x128xi32, #tpu.memory_space<hbm>>
        tpu.wait_dma2 semaphore(%arg25 : memref<!tpu.dma_semaphore, #tpu.memory_space<semaphore_mem>>) src(%dma_wait3A_438 : memref<2x128xi32, #tpu.memory_space<hbm>>) dst(%dma_wait3A_434 : memref<2x128xi32, #tpu.memory_space<vmem>>)
        %dma_start3A_439 = arith.constant 0 : i32
        %dma_start3A_440 = arith.constant 0 : i32
        %dma_start3A_441 = tpu.memref_slice %arg7[%sub3A_300, %dma_start3A_439, %dma_start3A_440] : memref<2x2x128xi32, #tpu.memory_space<vmem>> -> memref<1x1x128xi32, #tpu.memory_space<vmem>>
        %dma_start3A_442 = tpu.memref_squeeze %dma_start3A_441 : memref<1x1x128xi32, #tpu.memory_space<vmem>> -> memref<128xi32, #tpu.memory_space<vmem>>
        %dma_start3A_443 = arith.constant 0 : i32
        %dma_start3A_444 = arith.constant 0 : i32
        %dma_start3A_445 = tpu.memref_slice %arg14[%dma_start3A_443, %dma_start3A_444] : memref<10112x64xf32, #tpu.memory_space<vmem_shared>> -> memref<10112x64xf32, #tpu.memory_space<vmem_shared>>
        tpu.enqueue_indirect_dma source(%dma_start3A_445 : memref<10112x64xf32, #tpu.memory_space<vmem_shared>>) target(%arg11 : memref<128x64xf32, #tpu.memory_space<vmem>>) offsets(%dma_start3A_442 : memref<128xi32, #tpu.memory_space<vmem>>) semaphore(%arg17 : memref<!tpu.dma_semaphore, #tpu.memory_space<semaphore_mem>>)
        %lt3A_446 = arith.constant 38 : i32
        %lt3A_447 = arith.cmpi slt, %scan3A_298, %lt3A_446 : i32
        %convert_element_type3A_448 = arith.extui %lt3A_447 : i1 to i32
        %cond3A_449 = arith.constant 0 : i32
        %cond3A_450 = arith.cmpi ne, %convert_element_type3A_448, %cond3A_449 : i32
        scf.if %cond3A_450 {
          %add3A_451 = arith.constant 8 : i32
          %add3A_452 = arith.addi %add3A_331, %add3A_451 : i32
          %mul3A_453 = arith.constant 160 : i32
          %mul3A_454 = arith.muli %arg1, %mul3A_453 : i32
          %add3A_455 = arith.addi %mul3A_454, %add3A_452 : i32
          %dma_start3A_456 = arith.constant 0 : i32
          %dma_start3A_457 = arith.constant 0 : i32
          %dma_start3A_458 = tpu.memref_slice %arg7[%rem3A_299, %dma_start3A_456, %dma_start3A_457] : memref<2x2x128xi32, #tpu.memory_space<vmem>> -> memref<1x2x128xi32, #tpu.memory_space<vmem>>
          %dma_start3A_459 = tpu.memref_squeeze %dma_start3A_458 : memref<1x2x128xi32, #tpu.memory_space<vmem>> -> memref<2x128xi32, #tpu.memory_space<vmem>>
          %dma_start3A_460 = arith.constant 0 : i32
          %dma_start3A_461 = arith.constant 0 : i32
          %dma_start3A_462 = tpu.memref_slice %arg3[%add3A_455, %dma_start3A_460, %dma_start3A_461] : memref<2560x2x128xi32, #tpu.memory_space<hbm>> -> memref<1x2x128xi32, #tpu.memory_space<hbm>>
          %dma_start3A_463 = tpu.memref_squeeze %dma_start3A_462 : memref<1x2x128xi32, #tpu.memory_space<hbm>> -> memref<2x128xi32, #tpu.memory_space<hbm>>
          %dma_start3A_464 = arith.constant 0 : i32
          %dma_start3A_465 = arith.constant 0 : i32
          %dma_start3A_466 = tpu.memref_slice %arg7[%rem3A_299, %dma_start3A_464, %dma_start3A_465] : memref<2x2x128xi32, #tpu.memory_space<vmem>> -> memref<1x2x128xi32, #tpu.memory_space<vmem>>
          %dma_start3A_467 = tpu.memref_squeeze %dma_start3A_466 : memref<1x2x128xi32, #tpu.memory_space<vmem>> -> memref<2x128xi32, #tpu.memory_space<vmem>>
          %dma_start3A_468 = arith.constant 0 : i32
          %dma_start3A_469 = arith.constant 0 : i32
          %dma_start3A_470 = tpu.memref_slice %arg3[%add3A_455, %dma_start3A_468, %dma_start3A_469] : memref<2560x2x128xi32, #tpu.memory_space<hbm>> -> memref<1x2x128xi32, #tpu.memory_space<hbm>>
          %dma_start3A_471 = tpu.memref_squeeze %dma_start3A_470 : memref<1x2x128xi32, #tpu.memory_space<hbm>> -> memref<2x128xi32, #tpu.memory_space<hbm>>
          tpu.enqueue_dma source(%dma_start3A_471 : memref<2x128xi32, #tpu.memory_space<hbm>>) target(%dma_start3A_467 : memref<2x128xi32, #tpu.memory_space<vmem>>) target_semaphore(%arg25 : memref<!tpu.dma_semaphore, #tpu.memory_space<semaphore_mem>>)
        } else {
        }
      } else {
      }
      %mul3A_358 = arith.constant 4 : i32
      %mul3A_359 = arith.muli %scan3A_298, %mul3A_358 : i32
      %add3A_360 = arith.constant 2 : i32
      %add3A_361 = arith.addi %mul3A_359, %add3A_360 : i32
      %dma_wait3A_362 = arith.constant 0 : i32
      %dma_wait3A_363 = arith.constant 0 : i32
      %dma_wait3A_364 = tpu.memref_slice %arg8[%rem3A_299, %dma_wait3A_362, %dma_wait3A_363] : memref<2x2x128xi32, #tpu.memory_space<vmem>> -> memref<1x1x128xi32, #tpu.memory_space<vmem>>
      %dma_wait3A_365 = tpu.memref_squeeze %dma_wait3A_364 : memref<1x1x128xi32, #tpu.memory_space<vmem>> -> memref<128xi32, #tpu.memory_space<vmem>>
      %dma_wait3A_366 = arith.constant 0 : i32
      %dma_wait3A_367 = arith.constant 0 : i32
      %dma_wait3A_368 = tpu.memref_slice %arg14[%dma_wait3A_366, %dma_wait3A_367] : memref<10112x64xf32, #tpu.memory_space<vmem_shared>> -> memref<10112x64xf32, #tpu.memory_space<vmem_shared>>
      tpu.wait_indirect_dma semaphore(%arg18 : memref<!tpu.dma_semaphore, #tpu.memory_space<semaphore_mem>>) src(%dma_wait3A_368 : memref<10112x64xf32, #tpu.memory_space<vmem_shared>>) dst(%arg12 : memref<128x64xf32, #tpu.memory_space<vmem>>)
      %dma_start3A_369 = arith.constant 1 : i32
      %dma_start3A_370 = arith.constant 0 : i32
      %dma_start3A_371 = tpu.memref_slice %arg8[%rem3A_299, %dma_start3A_369, %dma_start3A_370] : memref<2x2x128xi32, #tpu.memory_space<vmem>> -> memref<1x1x128xi32, #tpu.memory_space<vmem>>
      %dma_start3A_372 = tpu.memref_squeeze %dma_start3A_371 : memref<1x1x128xi32, #tpu.memory_space<vmem>> -> memref<128xi32, #tpu.memory_space<vmem>>
      %dma_start3A_373 = arith.constant 0 : i32
      %dma_start3A_374 = arith.constant 0 : i32
      %dma_start3A_375 = tpu.memref_slice %arg15[%dma_start3A_373, %dma_start3A_374] : memref<10112x64xf32, #tpu.memory_space<vmem_shared>> -> memref<10112x64xf32, #tpu.memory_space<vmem_shared>>
      tpu.enqueue_indirect_dma source(%arg12 : memref<128x64xf32, #tpu.memory_space<vmem>>) target(%dma_start3A_375 : memref<10112x64xf32, #tpu.memory_space<vmem_shared>>) offsets(%dma_start3A_372 : memref<128xi32, #tpu.memory_space<vmem>>) semaphore(%arg22 : memref<!tpu.dma_semaphore, #tpu.memory_space<semaphore_mem>>) {add = true}
      %dma_wait3A_376 = arith.constant 1 : i32
      %dma_wait3A_377 = arith.constant 0 : i32
      %dma_wait3A_378 = tpu.memref_slice %arg8[%rem3A_299, %dma_wait3A_376, %dma_wait3A_377] : memref<2x2x128xi32, #tpu.memory_space<vmem>> -> memref<1x1x128xi32, #tpu.memory_space<vmem>>
      %dma_wait3A_379 = tpu.memref_squeeze %dma_wait3A_378 : memref<1x1x128xi32, #tpu.memory_space<vmem>> -> memref<128xi32, #tpu.memory_space<vmem>>
      %dma_wait3A_380 = arith.constant 0 : i32
      %dma_wait3A_381 = arith.constant 0 : i32
      %dma_wait3A_382 = tpu.memref_slice %arg15[%dma_wait3A_380, %dma_wait3A_381] : memref<10112x64xf32, #tpu.memory_space<vmem_shared>> -> memref<10112x64xf32, #tpu.memory_space<vmem_shared>>
      tpu.wait_indirect_dma semaphore(%arg22 : memref<!tpu.dma_semaphore, #tpu.memory_space<semaphore_mem>>) src(%arg12 : memref<128x64xf32, #tpu.memory_space<vmem>>) dst(%dma_wait3A_382 : memref<10112x64xf32, #tpu.memory_space<vmem_shared>>)
      %lt3A_383 = arith.constant 39 : i32
      %lt3A_384 = arith.cmpi slt, %scan3A_298, %lt3A_383 : i32
      %convert_element_type3A_385 = arith.extui %lt3A_384 : i1 to i32
      %cond3A_386 = arith.constant 0 : i32
      %cond3A_387 = arith.cmpi ne, %convert_element_type3A_385, %cond3A_386 : i32
      scf.if %cond3A_387 {
        %add3A_418 = arith.constant 4 : i32
        %add3A_419 = arith.addi %add3A_361, %add3A_418 : i32
        %mul3A_420 = arith.constant 160 : i32
        %mul3A_421 = arith.muli %arg1, %mul3A_420 : i32
        %add3A_422 = arith.addi %mul3A_421, %add3A_419 : i32
        %dma_wait3A_423 = arith.constant 0 : i32
        %dma_wait3A_424 = arith.constant 0 : i32
        %dma_wait3A_425 = tpu.memref_slice %arg8[%sub3A_300, %dma_wait3A_423, %dma_wait3A_424] : memref<2x2x128xi32, #tpu.memory_space<vmem>> -> memref<1x2x128xi32, #tpu.memory_space<vmem>>
        %dma_wait3A_426 = tpu.memref_squeeze %dma_wait3A_425 : memref<1x2x128xi32, #tpu.memory_space<vmem>> -> memref<2x128xi32, #tpu.memory_space<vmem>>
        %dma_wait3A_427 = arith.constant 0 : i32
        %dma_wait3A_428 = arith.constant 0 : i32
        %dma_wait3A_429 = tpu.memref_slice %arg3[%add3A_422, %dma_wait3A_427, %dma_wait3A_428] : memref<2560x2x128xi32, #tpu.memory_space<hbm>> -> memref<1x2x128xi32, #tpu.memory_space<hbm>>
        %dma_wait3A_430 = tpu.memref_squeeze %dma_wait3A_429 : memref<1x2x128xi32, #tpu.memory_space<hbm>> -> memref<2x128xi32, #tpu.memory_space<hbm>>
        %dma_wait3A_431 = arith.constant 0 : i32
        %dma_wait3A_432 = arith.constant 0 : i32
        %dma_wait3A_433 = tpu.memref_slice %arg8[%sub3A_300, %dma_wait3A_431, %dma_wait3A_432] : memref<2x2x128xi32, #tpu.memory_space<vmem>> -> memref<1x2x128xi32, #tpu.memory_space<vmem>>
        %dma_wait3A_434 = tpu.memref_squeeze %dma_wait3A_433 : memref<1x2x128xi32, #tpu.memory_space<vmem>> -> memref<2x128xi32, #tpu.memory_space<vmem>>
        %dma_wait3A_435 = arith.constant 0 : i32
        %dma_wait3A_436 = arith.constant 0 : i32
        %dma_wait3A_437 = tpu.memref_slice %arg3[%add3A_422, %dma_wait3A_435, %dma_wait3A_436] : memref<2560x2x128xi32, #tpu.memory_space<hbm>> -> memref<1x2x128xi32, #tpu.memory_space<hbm>>
        %dma_wait3A_438 = tpu.memref_squeeze %dma_wait3A_437 : memref<1x2x128xi32, #tpu.memory_space<hbm>> -> memref<2x128xi32, #tpu.memory_space<hbm>>
        tpu.wait_dma2 semaphore(%arg26 : memref<!tpu.dma_semaphore, #tpu.memory_space<semaphore_mem>>) src(%dma_wait3A_438 : memref<2x128xi32, #tpu.memory_space<hbm>>) dst(%dma_wait3A_434 : memref<2x128xi32, #tpu.memory_space<vmem>>)
        %dma_start3A_439 = arith.constant 0 : i32
        %dma_start3A_440 = arith.constant 0 : i32
        %dma_start3A_441 = tpu.memref_slice %arg8[%sub3A_300, %dma_start3A_439, %dma_start3A_440] : memref<2x2x128xi32, #tpu.memory_space<vmem>> -> memref<1x1x128xi32, #tpu.memory_space<vmem>>
        %dma_start3A_442 = tpu.memref_squeeze %dma_start3A_441 : memref<1x1x128xi32, #tpu.memory_space<vmem>> -> memref<128xi32, #tpu.memory_space<vmem>>
        %dma_start3A_443 = arith.constant 0 : i32
        %dma_start3A_444 = arith.constant 0 : i32
        %dma_start3A_445 = tpu.memref_slice %arg14[%dma_start3A_443, %dma_start3A_444] : memref<10112x64xf32, #tpu.memory_space<vmem_shared>> -> memref<10112x64xf32, #tpu.memory_space<vmem_shared>>
        tpu.enqueue_indirect_dma source(%dma_start3A_445 : memref<10112x64xf32, #tpu.memory_space<vmem_shared>>) target(%arg12 : memref<128x64xf32, #tpu.memory_space<vmem>>) offsets(%dma_start3A_442 : memref<128xi32, #tpu.memory_space<vmem>>) semaphore(%arg18 : memref<!tpu.dma_semaphore, #tpu.memory_space<semaphore_mem>>)
        %lt3A_446 = arith.constant 38 : i32
        %lt3A_447 = arith.cmpi slt, %scan3A_298, %lt3A_446 : i32
        %convert_element_type3A_448 = arith.extui %lt3A_447 : i1 to i32
        %cond3A_449 = arith.constant 0 : i32
        %cond3A_450 = arith.cmpi ne, %convert_element_type3A_448, %cond3A_449 : i32
        scf.if %cond3A_450 {
          %add3A_451 = arith.constant 8 : i32
          %add3A_452 = arith.addi %add3A_361, %add3A_451 : i32
          %mul3A_453 = arith.constant 160 : i32
          %mul3A_454 = arith.muli %arg1, %mul3A_453 : i32
          %add3A_455 = arith.addi %mul3A_454, %add3A_452 : i32
          %dma_start3A_456 = arith.constant 0 : i32
          %dma_start3A_457 = arith.constant 0 : i32
          %dma_start3A_458 = tpu.memref_slice %arg8[%rem3A_299, %dma_start3A_456, %dma_start3A_457] : memref<2x2x128xi32, #tpu.memory_space<vmem>> -> memref<1x2x128xi32, #tpu.memory_space<vmem>>
          %dma_start3A_459 = tpu.memref_squeeze %dma_start3A_458 : memref<1x2x128xi32, #tpu.memory_space<vmem>> -> memref<2x128xi32, #tpu.memory_space<vmem>>
          %dma_start3A_460 = arith.constant 0 : i32
          %dma_start3A_461 = arith.constant 0 : i32
          %dma_start3A_462 = tpu.memref_slice %arg3[%add3A_455, %dma_start3A_460, %dma_start3A_461] : memref<2560x2x128xi32, #tpu.memory_space<hbm>> -> memref<1x2x128xi32, #tpu.memory_space<hbm>>
          %dma_start3A_463 = tpu.memref_squeeze %dma_start3A_462 : memref<1x2x128xi32, #tpu.memory_space<hbm>> -> memref<2x128xi32, #tpu.memory_space<hbm>>
          %dma_start3A_464 = arith.constant 0 : i32
          %dma_start3A_465 = arith.constant 0 : i32
          %dma_start3A_466 = tpu.memref_slice %arg8[%rem3A_299, %dma_start3A_464, %dma_start3A_465] : memref<2x2x128xi32, #tpu.memory_space<vmem>> -> memref<1x2x128xi32, #tpu.memory_space<vmem>>
          %dma_start3A_467 = tpu.memref_squeeze %dma_start3A_466 : memref<1x2x128xi32, #tpu.memory_space<vmem>> -> memref<2x128xi32, #tpu.memory_space<vmem>>
          %dma_start3A_468 = arith.constant 0 : i32
          %dma_start3A_469 = arith.constant 0 : i32
          %dma_start3A_470 = tpu.memref_slice %arg3[%add3A_455, %dma_start3A_468, %dma_start3A_469] : memref<2560x2x128xi32, #tpu.memory_space<hbm>> -> memref<1x2x128xi32, #tpu.memory_space<hbm>>
          %dma_start3A_471 = tpu.memref_squeeze %dma_start3A_470 : memref<1x2x128xi32, #tpu.memory_space<hbm>> -> memref<2x128xi32, #tpu.memory_space<hbm>>
          tpu.enqueue_dma source(%dma_start3A_471 : memref<2x128xi32, #tpu.memory_space<hbm>>) target(%dma_start3A_467 : memref<2x128xi32, #tpu.memory_space<vmem>>) target_semaphore(%arg26 : memref<!tpu.dma_semaphore, #tpu.memory_space<semaphore_mem>>)
        } else {
        }
      } else {
      }
      %mul3A_388 = arith.constant 4 : i32
      %mul3A_389 = arith.muli %scan3A_298, %mul3A_388 : i32
      %add3A_390 = arith.constant 3 : i32
      %add3A_391 = arith.addi %mul3A_389, %add3A_390 : i32
      %dma_wait3A_392 = arith.constant 0 : i32
      %dma_wait3A_393 = arith.constant 0 : i32
      %dma_wait3A_394 = tpu.memref_slice %arg9[%rem3A_299, %dma_wait3A_392, %dma_wait3A_393] : memref<2x2x128xi32, #tpu.memory_space<vmem>> -> memref<1x1x128xi32, #tpu.memory_space<vmem>>
      %dma_wait3A_395 = tpu.memref_squeeze %dma_wait3A_394 : memref<1x1x128xi32, #tpu.memory_space<vmem>> -> memref<128xi32, #tpu.memory_space<vmem>>
      %dma_wait3A_396 = arith.constant 0 : i32
      %dma_wait3A_397 = arith.constant 0 : i32
      %dma_wait3A_398 = tpu.memref_slice %arg14[%dma_wait3A_396, %dma_wait3A_397] : memref<10112x64xf32, #tpu.memory_space<vmem_shared>> -> memref<10112x64xf32, #tpu.memory_space<vmem_shared>>
      tpu.wait_indirect_dma semaphore(%arg19 : memref<!tpu.dma_semaphore, #tpu.memory_space<semaphore_mem>>) src(%dma_wait3A_398 : memref<10112x64xf32, #tpu.memory_space<vmem_shared>>) dst(%arg13 : memref<128x64xf32, #tpu.memory_space<vmem>>)
      %dma_start3A_399 = arith.constant 1 : i32
      %dma_start3A_400 = arith.constant 0 : i32
      %dma_start3A_401 = tpu.memref_slice %arg9[%rem3A_299, %dma_start3A_399, %dma_start3A_400] : memref<2x2x128xi32, #tpu.memory_space<vmem>> -> memref<1x1x128xi32, #tpu.memory_space<vmem>>
      %dma_start3A_402 = tpu.memref_squeeze %dma_start3A_401 : memref<1x1x128xi32, #tpu.memory_space<vmem>> -> memref<128xi32, #tpu.memory_space<vmem>>
      %dma_start3A_403 = arith.constant 0 : i32
      %dma_start3A_404 = arith.constant 0 : i32
      %dma_start3A_405 = tpu.memref_slice %arg15[%dma_start3A_403, %dma_start3A_404] : memref<10112x64xf32, #tpu.memory_space<vmem_shared>> -> memref<10112x64xf32, #tpu.memory_space<vmem_shared>>
      tpu.enqueue_indirect_dma source(%arg13 : memref<128x64xf32, #tpu.memory_space<vmem>>) target(%dma_start3A_405 : memref<10112x64xf32, #tpu.memory_space<vmem_shared>>) offsets(%dma_start3A_402 : memref<128xi32, #tpu.memory_space<vmem>>) semaphore(%arg23 : memref<!tpu.dma_semaphore, #tpu.memory_space<semaphore_mem>>) {add = true}
      %dma_wait3A_406 = arith.constant 1 : i32
      %dma_wait3A_407 = arith.constant 0 : i32
      %dma_wait3A_408 = tpu.memref_slice %arg9[%rem3A_299, %dma_wait3A_406, %dma_wait3A_407] : memref<2x2x128xi32, #tpu.memory_space<vmem>> -> memref<1x1x128xi32, #tpu.memory_space<vmem>>
      %dma_wait3A_409 = tpu.memref_squeeze %dma_wait3A_408 : memref<1x1x128xi32, #tpu.memory_space<vmem>> -> memref<128xi32, #tpu.memory_space<vmem>>
      %dma_wait3A_410 = arith.constant 0 : i32
      %dma_wait3A_411 = arith.constant 0 : i32
      %dma_wait3A_412 = tpu.memref_slice %arg15[%dma_wait3A_410, %dma_wait3A_411] : memref<10112x64xf32, #tpu.memory_space<vmem_shared>> -> memref<10112x64xf32, #tpu.memory_space<vmem_shared>>
      tpu.wait_indirect_dma semaphore(%arg23 : memref<!tpu.dma_semaphore, #tpu.memory_space<semaphore_mem>>) src(%arg13 : memref<128x64xf32, #tpu.memory_space<vmem>>) dst(%dma_wait3A_412 : memref<10112x64xf32, #tpu.memory_space<vmem_shared>>)
      %lt3A_413 = arith.constant 39 : i32
      %lt3A_414 = arith.cmpi slt, %scan3A_298, %lt3A_413 : i32
      %convert_element_type3A_415 = arith.extui %lt3A_414 : i1 to i32
      %cond3A_416 = arith.constant 0 : i32
      %cond3A_417 = arith.cmpi ne, %convert_element_type3A_415, %cond3A_416 : i32
      scf.if %cond3A_417 {
        %add3A_418 = arith.constant 4 : i32
        %add3A_419 = arith.addi %add3A_391, %add3A_418 : i32
        %mul3A_420 = arith.constant 160 : i32
        %mul3A_421 = arith.muli %arg1, %mul3A_420 : i32
        %add3A_422 = arith.addi %mul3A_421, %add3A_419 : i32
        %dma_wait3A_423 = arith.constant 0 : i32
        %dma_wait3A_424 = arith.constant 0 : i32
        %dma_wait3A_425 = tpu.memref_slice %arg9[%sub3A_300, %dma_wait3A_423, %dma_wait3A_424] : memref<2x2x128xi32, #tpu.memory_space<vmem>> -> memref<1x2x128xi32, #tpu.memory_space<vmem>>
        %dma_wait3A_426 = tpu.memref_squeeze %dma_wait3A_425 : memref<1x2x128xi32, #tpu.memory_space<vmem>> -> memref<2x128xi32, #tpu.memory_space<vmem>>
        %dma_wait3A_427 = arith.constant 0 : i32
        %dma_wait3A_428 = arith.constant 0 : i32
        %dma_wait3A_429 = tpu.memref_slice %arg3[%add3A_422, %dma_wait3A_427, %dma_wait3A_428] : memref<2560x2x128xi32, #tpu.memory_space<hbm>> -> memref<1x2x128xi32, #tpu.memory_space<hbm>>
        %dma_wait3A_430 = tpu.memref_squeeze %dma_wait3A_429 : memref<1x2x128xi32, #tpu.memory_space<hbm>> -> memref<2x128xi32, #tpu.memory_space<hbm>>
        %dma_wait3A_431 = arith.constant 0 : i32
        %dma_wait3A_432 = arith.constant 0 : i32
        %dma_wait3A_433 = tpu.memref_slice %arg9[%sub3A_300, %dma_wait3A_431, %dma_wait3A_432] : memref<2x2x128xi32, #tpu.memory_space<vmem>> -> memref<1x2x128xi32, #tpu.memory_space<vmem>>
        %dma_wait3A_434 = tpu.memref_squeeze %dma_wait3A_433 : memref<1x2x128xi32, #tpu.memory_space<vmem>> -> memref<2x128xi32, #tpu.memory_space<vmem>>
        %dma_wait3A_435 = arith.constant 0 : i32
        %dma_wait3A_436 = arith.constant 0 : i32
        %dma_wait3A_437 = tpu.memref_slice %arg3[%add3A_422, %dma_wait3A_435, %dma_wait3A_436] : memref<2560x2x128xi32, #tpu.memory_space<hbm>> -> memref<1x2x128xi32, #tpu.memory_space<hbm>>
        %dma_wait3A_438 = tpu.memref_squeeze %dma_wait3A_437 : memref<1x2x128xi32, #tpu.memory_space<hbm>> -> memref<2x128xi32, #tpu.memory_space<hbm>>
        tpu.wait_dma2 semaphore(%arg27 : memref<!tpu.dma_semaphore, #tpu.memory_space<semaphore_mem>>) src(%dma_wait3A_438 : memref<2x128xi32, #tpu.memory_space<hbm>>) dst(%dma_wait3A_434 : memref<2x128xi32, #tpu.memory_space<vmem>>)
        %dma_start3A_439 = arith.constant 0 : i32
        %dma_start3A_440 = arith.constant 0 : i32
        %dma_start3A_441 = tpu.memref_slice %arg9[%sub3A_300, %dma_start3A_439, %dma_start3A_440] : memref<2x2x128xi32, #tpu.memory_space<vmem>> -> memref<1x1x128xi32, #tpu.memory_space<vmem>>
        %dma_start3A_442 = tpu.memref_squeeze %dma_start3A_441 : memref<1x1x128xi32, #tpu.memory_space<vmem>> -> memref<128xi32, #tpu.memory_space<vmem>>
        %dma_start3A_443 = arith.constant 0 : i32
        %dma_start3A_444 = arith.constant 0 : i32
        %dma_start3A_445 = tpu.memref_slice %arg14[%dma_start3A_443, %dma_start3A_444] : memref<10112x64xf32, #tpu.memory_space<vmem_shared>> -> memref<10112x64xf32, #tpu.memory_space<vmem_shared>>
        tpu.enqueue_indirect_dma source(%dma_start3A_445 : memref<10112x64xf32, #tpu.memory_space<vmem_shared>>) target(%arg13 : memref<128x64xf32, #tpu.memory_space<vmem>>) offsets(%dma_start3A_442 : memref<128xi32, #tpu.memory_space<vmem>>) semaphore(%arg19 : memref<!tpu.dma_semaphore, #tpu.memory_space<semaphore_mem>>)
        %lt3A_446 = arith.constant 38 : i32
        %lt3A_447 = arith.cmpi slt, %scan3A_298, %lt3A_446 : i32
        %convert_element_type3A_448 = arith.extui %lt3A_447 : i1 to i32
        %cond3A_449 = arith.constant 0 : i32
        %cond3A_450 = arith.cmpi ne, %convert_element_type3A_448, %cond3A_449 : i32
        scf.if %cond3A_450 {
          %add3A_451 = arith.constant 8 : i32
          %add3A_452 = arith.addi %add3A_391, %add3A_451 : i32
          %mul3A_453 = arith.constant 160 : i32
          %mul3A_454 = arith.muli %arg1, %mul3A_453 : i32
          %add3A_455 = arith.addi %mul3A_454, %add3A_452 : i32
          %dma_start3A_456 = arith.constant 0 : i32
          %dma_start3A_457 = arith.constant 0 : i32
          %dma_start3A_458 = tpu.memref_slice %arg9[%rem3A_299, %dma_start3A_456, %dma_start3A_457] : memref<2x2x128xi32, #tpu.memory_space<vmem>> -> memref<1x2x128xi32, #tpu.memory_space<vmem>>
          %dma_start3A_459 = tpu.memref_squeeze %dma_start3A_458 : memref<1x2x128xi32, #tpu.memory_space<vmem>> -> memref<2x128xi32, #tpu.memory_space<vmem>>
          %dma_start3A_460 = arith.constant 0 : i32
          %dma_start3A_461 = arith.constant 0 : i32
          %dma_start3A_462 = tpu.memref_slice %arg3[%add3A_455, %dma_start3A_460, %dma_start3A_461] : memref<2560x2x128xi32, #tpu.memory_space<hbm>> -> memref<1x2x128xi32, #tpu.memory_space<hbm>>
          %dma_start3A_463 = tpu.memref_squeeze %dma_start3A_462 : memref<1x2x128xi32, #tpu.memory_space<hbm>> -> memref<2x128xi32, #tpu.memory_space<hbm>>
          %dma_start3A_464 = arith.constant 0 : i32
          %dma_start3A_465 = arith.constant 0 : i32
          %dma_start3A_466 = tpu.memref_slice %arg9[%rem3A_299, %dma_start3A_464, %dma_start3A_465] : memref<2x2x128xi32, #tpu.memory_space<vmem>> -> memref<1x2x128xi32, #tpu.memory_space<vmem>>
          %dma_start3A_467 = tpu.memref_squeeze %dma_start3A_466 : memref<1x2x128xi32, #tpu.memory_space<vmem>> -> memref<2x128xi32, #tpu.memory_space<vmem>>
          %dma_start3A_468 = arith.constant 0 : i32
          %dma_start3A_469 = arith.constant 0 : i32
          %dma_start3A_470 = tpu.memref_slice %arg3[%add3A_455, %dma_start3A_468, %dma_start3A_469] : memref<2560x2x128xi32, #tpu.memory_space<hbm>> -> memref<1x2x128xi32, #tpu.memory_space<hbm>>
          %dma_start3A_471 = tpu.memref_squeeze %dma_start3A_470 : memref<1x2x128xi32, #tpu.memory_space<hbm>> -> memref<2x128xi32, #tpu.memory_space<hbm>>
          tpu.enqueue_dma source(%dma_start3A_471 : memref<2x128xi32, #tpu.memory_space<hbm>>) target(%dma_start3A_467 : memref<2x128xi32, #tpu.memory_space<vmem>>) target_semaphore(%arg27 : memref<!tpu.dma_semaphore, #tpu.memory_space<semaphore_mem>>)
        } else {
        }
      } else {
      }
    }
    %scan3A_293 = arith.constant 40 : i32
    %barrier3A_294 = arith.constant 0 : index
    tpu.barrier barrier_id(%barrier3A_294)
    %mul3A_295 = arith.constant 10112 : i32
    %mul3A_296 = arith.muli %arg0, %mul3A_295 : i32
    %add3A_297 = arith.addi %mul3A_296, %mul3A_0 : i32
    "tpu.region"() ({
      %run_scoped3A = tpu.sem_alloc : memref<!tpu.dma_semaphore, #tpu.memory_space<semaphore_mem>>
      %dma_start3A_298 = arith.constant 0 : i32
      %dma_start3A_299 = tpu.memref_slice %arg5[%add3A_297, %dma_start3A_298] : memref<20224x64xf32, #tpu.memory_space<hbm>> -> memref<632x64xf32, #tpu.memory_space<hbm>>
      %dma_start3A_300 = arith.constant 0 : i32
      %dma_start3A_301 = tpu.memref_slice %arg15[%mul3A_0, %dma_start3A_300] : memref<10112x64xf32, #tpu.memory_space<vmem_shared>> -> memref<632x64xf32, #tpu.memory_space<vmem_shared>>
      tpu.enqueue_dma source(%dma_start3A_301 : memref<632x64xf32, #tpu.memory_space<vmem_shared>>) target(%dma_start3A_299 : memref<632x64xf32, #tpu.memory_space<hbm>>) target_semaphore(%run_scoped3A : memref<!tpu.dma_semaphore, #tpu.memory_space<semaphore_mem>>)
      %dma_wait3A_302 = arith.constant 0 : i32
      %dma_wait3A_303 = tpu.memref_slice %arg5[%add3A_297, %dma_wait3A_302] : memref<20224x64xf32, #tpu.memory_space<hbm>> -> memref<632x64xf32, #tpu.memory_space<hbm>>
      %dma_wait3A_304 = arith.constant 0 : i32
      %dma_wait3A_305 = tpu.memref_slice %arg15[%mul3A_0, %dma_wait3A_304] : memref<10112x64xf32, #tpu.memory_space<vmem_shared>> -> memref<632x64xf32, #tpu.memory_space<vmem_shared>>
      tpu.wait_dma2 semaphore(%run_scoped3A : memref<!tpu.dma_semaphore, #tpu.memory_space<semaphore_mem>>) src(%dma_wait3A_305 : memref<632x64xf32, #tpu.memory_space<vmem_shared>>) dst(%dma_wait3A_303 : memref<632x64xf32, #tpu.memory_space<hbm>>)
      tpu.yield
    }) : () -> ()
    return
  }
}

#map = affine_map<(d0, d1) -> (0, 0)>
#map1 = affine_map<(d0, d1) -> (0, 0, 0)>
module attributes {stable_mosaic.version = 14 : i64} {
  func.func @run(%arg0: i32, %arg1: i32, %arg2: memref<20224x64xf32, #tpu.memory_space<hbm>>, %arg3: memref<2560x2x128xi32, #tpu.memory_space<hbm>>, %arg4: memref<632x64xf32, #tpu.memory_space<hbm>>, %arg5: memref<20224x64xf32, #tpu.memory_space<hbm>>, %arg6: memref<2x2x128xi32, #tpu.memory_space<vmem>>, %arg7: memref<2x2x128xi32, #tpu.memory_space<vmem>>, %arg8: memref<2x2x128xi32, #tpu.memory_space<vmem>>, %arg9: memref<2x2x128xi32, #tpu.memory_space<vmem>>, %arg10: memref<128x64xf32, #tpu.memory_space<vmem>>, %arg11: memref<128x64xf32, #tpu.memory_space<vmem>>, %arg12: memref<128x64xf32, #tpu.memory_space<vmem>>, %arg13: memref<128x64xf32, #tpu.memory_space<vmem>>, %arg14: memref<10112x64xf32, #tpu.memory_space<vmem_shared>>, %arg15: memref<10112x64xf32, #tpu.memory_space<vmem_shared>>, %arg16: memref<!tpu.dma_semaphore, #tpu.memory_space<semaphore_mem>>, %arg17: memref<!tpu.dma_semaphore, #tpu.memory_space<semaphore_mem>>, %arg18: memref<!tpu.dma_semaphore, #tpu.memory_space<semaphore_mem>>, %arg19: memref<!tpu.dma_semaphore, #tpu.memory_space<semaphore_mem>>, %arg20: memref<!tpu.dma_semaphore, #tpu.memory_space<semaphore_mem>>, %arg21: memref<!tpu.dma_semaphore, #tpu.memory_space<semaphore_mem>>, %arg22: memref<!tpu.dma_semaphore, #tpu.memory_space<semaphore_mem>>, %arg23: memref<!tpu.dma_semaphore, #tpu.memory_space<semaphore_mem>>, %arg24: memref<!tpu.dma_semaphore, #tpu.memory_space<semaphore_mem>>, %arg25: memref<!tpu.dma_semaphore, #tpu.memory_space<semaphore_mem>>, %arg26: memref<!tpu.dma_semaphore, #tpu.memory_space<semaphore_mem>>, %arg27: memref<!tpu.dma_semaphore, #tpu.memory_space<semaphore_mem>>, %arg28: memref<!tpu.dma_semaphore, #tpu.memory_space<semaphore_mem>>) attributes {dimension_semantics = [#tpu.dimension_semantics<core_parallel>, #tpu.dimension_semantics<subcore_parallel>], iteration_bounds = array<i64: 2, 16>, scalar_prefetch = 0 : i64, scratch_operands = 23 : i64, tpu.core_type = #tpu.core_type<sc_vector_subcore>, window_params = [{transform_indices = #map}, {transform_indices = #map1}, {transform_indices = #map}, {transform_indices = #map}]} {
    %mul3A = arith.constant 632 : i32
    %mul3A_0 = arith.muli %arg1, %mul3A : i32
    %dma_start3A = arith.constant 0 : i32
    %dma_start3A_1 = tpu.memref_slice %arg15[%mul3A_0, %dma_start3A] : memref<10112x64xf32, #tpu.memory_space<vmem_shared>> -> memref<632x64xf32, #tpu.memory_space<vmem_shared>>
    tpu.enqueue_dma source(%arg4 : memref<632x64xf32, #tpu.memory_space<hbm>>) target(%dma_start3A_1 : memref<632x64xf32, #tpu.memory_space<vmem_shared>>) target_semaphore(%arg28 : memref<!tpu.dma_semaphore, #tpu.memory_space<semaphore_mem>>)
    %mul3A_2 = arith.constant 10112 : i32
    %mul3A_3 = arith.muli %arg0, %mul3A_2 : i32
    %add3A = arith.addi %mul3A_3, %mul3A_0 : i32
    "tpu.region"() ({
      %run_scoped3A = tpu.sem_alloc : memref<!tpu.dma_semaphore, #tpu.memory_space<semaphore_mem>>
      %dma_start3A_298 = arith.constant 0 : i32
      %dma_start3A_299 = tpu.memref_slice %arg14[%mul3A_0, %dma_start3A_298] : memref<10112x64xf32, #tpu.memory_space<vmem_shared>> -> memref<632x64xf32, #tpu.memory_space<vmem_shared>>
      %dma_start3A_300 = arith.constant 0 : i32
      %dma_start3A_301 = tpu.memref_slice %arg2[%add3A, %dma_start3A_300] : memref<20224x64xf32, #tpu.memory_space<hbm>> -> memref<632x64xf32, #tpu.memory_space<hbm>>
      tpu.enqueue_dma source(%dma_start3A_301 : memref<632x64xf32, #tpu.memory_space<hbm>>) target(%dma_start3A_299 : memref<632x64xf32, #tpu.memory_space<vmem_shared>>) target_semaphore(%run_scoped3A : memref<!tpu.dma_semaphore, #tpu.memory_space<semaphore_mem>>)
      %dma_wait3A_302 = arith.constant 0 : i32
      %dma_wait3A_303 = tpu.memref_slice %arg14[%mul3A_0, %dma_wait3A_302] : memref<10112x64xf32, #tpu.memory_space<vmem_shared>> -> memref<632x64xf32, #tpu.memory_space<vmem_shared>>
      %dma_wait3A_304 = arith.constant 0 : i32
      %dma_wait3A_305 = tpu.memref_slice %arg2[%add3A, %dma_wait3A_304] : memref<20224x64xf32, #tpu.memory_space<hbm>> -> memref<632x64xf32, #tpu.memory_space<hbm>>
      tpu.wait_dma2 semaphore(%run_scoped3A : memref<!tpu.dma_semaphore, #tpu.memory_space<semaphore_mem>>) src(%dma_wait3A_305 : memref<632x64xf32, #tpu.memory_space<hbm>>) dst(%dma_wait3A_303 : memref<632x64xf32, #tpu.memory_space<vmem_shared>>)
      tpu.yield
    }) : () -> ()
    %dma_wait3A = arith.constant 0 : i32
    %dma_wait3A_4 = tpu.memref_slice %arg15[%mul3A_0, %dma_wait3A] : memref<10112x64xf32, #tpu.memory_space<vmem_shared>> -> memref<632x64xf32, #tpu.memory_space<vmem_shared>>
    tpu.wait_dma2 semaphore(%arg28 : memref<!tpu.dma_semaphore, #tpu.memory_space<semaphore_mem>>) src(%arg4 : memref<632x64xf32, #tpu.memory_space<hbm>>) dst(%dma_wait3A_4 : memref<632x64xf32, #tpu.memory_space<vmem_shared>>)
    %barrier3A = arith.constant 0 : index
    tpu.barrier barrier_id(%barrier3A)
    %mul3A_5 = arith.constant 160 : i32
    %mul3A_6 = arith.muli %arg1, %mul3A_5 : i32
    %add3A_7 = arith.constant 0 : i32
    %add3A_8 = arith.addi %mul3A_6, %add3A_7 : i32
    %dma_start3A_9 = arith.constant 0 : i32
    %dma_start3A_10 = arith.constant 0 : i32
    %dma_start3A_11 = arith.constant 0 : i32
    %dma_start3A_12 = tpu.memref_slice %arg6[%dma_start3A_9, %dma_start3A_10, %dma_start3A_11] : memref<2x2x128xi32, #tpu.memory_space<vmem>> -> memref<1x2x128xi32, #tpu.memory_space<vmem>>
    %dma_start3A_13 = tpu.memref_squeeze %dma_start3A_12 : memref<1x2x128xi32, #tpu.memory_space<vmem>> -> memref<2x128xi32, #tpu.memory_space<vmem>>
    %dma_start3A_14 = arith.constant 0 : i32
    %dma_start3A_15 = arith.constant 0 : i32
    %dma_start3A_16 = tpu.memref_slice %arg3[%add3A_8, %dma_start3A_14, %dma_start3A_15] : memref<2560x2x128xi32, #tpu.memory_space<hbm>> -> memref<1x2x128xi32, #tpu.memory_space<hbm>>
    %dma_start3A_17 = tpu.memref_squeeze %dma_start3A_16 : memref<1x2x128xi32, #tpu.memory_space<hbm>> -> memref<2x128xi32, #tpu.memory_space<hbm>>
    %dma_start3A_18 = arith.constant 0 : i32
    %dma_start3A_19 = arith.constant 0 : i32
    %dma_start3A_20 = tpu.memref_slice %arg6[%dma_start3A_9, %dma_start3A_18, %dma_start3A_19] : memref<2x2x128xi32, #tpu.memory_space<vmem>> -> memref<1x2x128xi32, #tpu.memory_space<vmem>>
    %dma_start3A_21 = tpu.memref_squeeze %dma_start3A_20 : memref<1x2x128xi32, #tpu.memory_space<vmem>> -> memref<2x128xi32, #tpu.memory_space<vmem>>
    %dma_start3A_22 = arith.constant 0 : i32
    %dma_start3A_23 = arith.constant 0 : i32
    %dma_start3A_24 = tpu.memref_slice %arg3[%add3A_8, %dma_start3A_22, %dma_start3A_23] : memref<2560x2x128xi32, #tpu.memory_space<hbm>> -> memref<1x2x128xi32, #tpu.memory_space<hbm>>
    %dma_start3A_25 = tpu.memref_squeeze %dma_start3A_24 : memref<1x2x128xi32, #tpu.memory_space<hbm>> -> memref<2x128xi32, #tpu.memory_space<hbm>>
    tpu.enqueue_dma source(%dma_start3A_25 : memref<2x128xi32, #tpu.memory_space<hbm>>) target(%dma_start3A_21 : memref<2x128xi32, #tpu.memory_space<vmem>>) target_semaphore(%arg24 : memref<!tpu.dma_semaphore, #tpu.memory_space<semaphore_mem>>)
    %mul3A_26 = arith.constant 160 : i32
    %mul3A_27 = arith.muli %arg1, %mul3A_26 : i32
    %add3A_28 = arith.constant 1 : i32
    %add3A_29 = arith.addi %mul3A_27, %add3A_28 : i32
    %dma_start3A_30 = arith.constant 0 : i32
    %dma_start3A_31 = arith.constant 0 : i32
    %dma_start3A_32 = arith.constant 0 : i32
    %dma_start3A_33 = tpu.memref_slice %arg7[%dma_start3A_30, %dma_start3A_31, %dma_start3A_32] : memref<2x2x128xi32, #tpu.memory_space<vmem>> -> memref<1x2x128xi32, #tpu.memory_space<vmem>>
    %dma_start3A_34 = tpu.memref_squeeze %dma_start3A_33 : memref<1x2x128xi32, #tpu.memory_space<vmem>> -> memref<2x128xi32, #tpu.memory_space<vmem>>
    %dma_start3A_35 = arith.constant 0 : i32
    %dma_start3A_36 = arith.constant 0 : i32
    %dma_start3A_37 = tpu.memref_slice %arg3[%add3A_29, %dma_start3A_35, %dma_start3A_36] : memref<2560x2x128xi32, #tpu.memory_space<hbm>> -> memref<1x2x128xi32, #tpu.memory_space<hbm>>
    %dma_start3A_38 = tpu.memref_squeeze %dma_start3A_37 : memref<1x2x128xi32, #tpu.memory_space<hbm>> -> memref<2x128xi32, #tpu.memory_space<hbm>>
    %dma_start3A_39 = arith.constant 0 : i32
    %dma_start3A_40 = arith.constant 0 : i32
    %dma_start3A_41 = tpu.memref_slice %arg7[%dma_start3A_30, %dma_start3A_39, %dma_start3A_40] : memref<2x2x128xi32, #tpu.memory_space<vmem>> -> memref<1x2x128xi32, #tpu.memory_space<vmem>>
    %dma_start3A_42 = tpu.memref_squeeze %dma_start3A_41 : memref<1x2x128xi32, #tpu.memory_space<vmem>> -> memref<2x128xi32, #tpu.memory_space<vmem>>
    %dma_start3A_43 = arith.constant 0 : i32
    %dma_start3A_44 = arith.constant 0 : i32
    %dma_start3A_45 = tpu.memref_slice %arg3[%add3A_29, %dma_start3A_43, %dma_start3A_44] : memref<2560x2x128xi32, #tpu.memory_space<hbm>> -> memref<1x2x128xi32, #tpu.memory_space<hbm>>
    %dma_start3A_46 = tpu.memref_squeeze %dma_start3A_45 : memref<1x2x128xi32, #tpu.memory_space<hbm>> -> memref<2x128xi32, #tpu.memory_space<hbm>>
    tpu.enqueue_dma source(%dma_start3A_46 : memref<2x128xi32, #tpu.memory_space<hbm>>) target(%dma_start3A_42 : memref<2x128xi32, #tpu.memory_space<vmem>>) target_semaphore(%arg25 : memref<!tpu.dma_semaphore, #tpu.memory_space<semaphore_mem>>)
    %mul3A_47 = arith.constant 160 : i32
    %mul3A_48 = arith.muli %arg1, %mul3A_47 : i32
    %add3A_49 = arith.constant 2 : i32
    %add3A_50 = arith.addi %mul3A_48, %add3A_49 : i32
    %dma_start3A_51 = arith.constant 0 : i32
    %dma_start3A_52 = arith.constant 0 : i32
    %dma_start3A_53 = arith.constant 0 : i32
    %dma_start3A_54 = tpu.memref_slice %arg8[%dma_start3A_51, %dma_start3A_52, %dma_start3A_53] : memref<2x2x128xi32, #tpu.memory_space<vmem>> -> memref<1x2x128xi32, #tpu.memory_space<vmem>>
    %dma_start3A_55 = tpu.memref_squeeze %dma_start3A_54 : memref<1x2x128xi32, #tpu.memory_space<vmem>> -> memref<2x128xi32, #tpu.memory_space<vmem>>
    %dma_start3A_56 = arith.constant 0 : i32
    %dma_start3A_57 = arith.constant 0 : i32
    %dma_start3A_58 = tpu.memref_slice %arg3[%add3A_50, %dma_start3A_56, %dma_start3A_57] : memref<2560x2x128xi32, #tpu.memory_space<hbm>> -> memref<1x2x128xi32, #tpu.memory_space<hbm>>
    %dma_start3A_59 = tpu.memref_squeeze %dma_start3A_58 : memref<1x2x128xi32, #tpu.memory_space<hbm>> -> memref<2x128xi32, #tpu.memory_space<hbm>>
    %dma_start3A_60 = arith.constant 0 : i32
    %dma_start3A_61 = arith.constant 0 : i32
    %dma_start3A_62 = tpu.memref_slice %arg8[%dma_start3A_51, %dma_start3A_60, %dma_start3A_61] : memref<2x2x128xi32, #tpu.memory_space<vmem>> -> memref<1x2x128xi32, #tpu.memory_space<vmem>>
    %dma_start3A_63 = tpu.memref_squeeze %dma_start3A_62 : memref<1x2x128xi32, #tpu.memory_space<vmem>> -> memref<2x128xi32, #tpu.memory_space<vmem>>
    %dma_start3A_64 = arith.constant 0 : i32
    %dma_start3A_65 = arith.constant 0 : i32
    %dma_start3A_66 = tpu.memref_slice %arg3[%add3A_50, %dma_start3A_64, %dma_start3A_65] : memref<2560x2x128xi32, #tpu.memory_space<hbm>> -> memref<1x2x128xi32, #tpu.memory_space<hbm>>
    %dma_start3A_67 = tpu.memref_squeeze %dma_start3A_66 : memref<1x2x128xi32, #tpu.memory_space<hbm>> -> memref<2x128xi32, #tpu.memory_space<hbm>>
    tpu.enqueue_dma source(%dma_start3A_67 : memref<2x128xi32, #tpu.memory_space<hbm>>) target(%dma_start3A_63 : memref<2x128xi32, #tpu.memory_space<vmem>>) target_semaphore(%arg26 : memref<!tpu.dma_semaphore, #tpu.memory_space<semaphore_mem>>)
    %mul3A_68 = arith.constant 160 : i32
    %mul3A_69 = arith.muli %arg1, %mul3A_68 : i32
    %add3A_70 = arith.constant 3 : i32
    %add3A_71 = arith.addi %mul3A_69, %add3A_70 : i32
    %dma_start3A_72 = arith.constant 0 : i32
    %dma_start3A_73 = arith.constant 0 : i32
    %dma_start3A_74 = arith.constant 0 : i32
    %dma_start3A_75 = tpu.memref_slice %arg9[%dma_start3A_72, %dma_start3A_73, %dma_start3A_74] : memref<2x2x128xi32, #tpu.memory_space<vmem>> -> memref<1x2x128xi32, #tpu.memory_space<vmem>>
    %dma_start3A_76 = tpu.memref_squeeze %dma_start3A_75 : memref<1x2x128xi32, #tpu.memory_space<vmem>> -> memref<2x128xi32, #tpu.memory_space<vmem>>
    %dma_start3A_77 = arith.constant 0 : i32
    %dma_start3A_78 = arith.constant 0 : i32
    %dma_start3A_79 = tpu.memref_slice %arg3[%add3A_71, %dma_start3A_77, %dma_start3A_78] : memref<2560x2x128xi32, #tpu.memory_space<hbm>> -> memref<1x2x128xi32, #tpu.memory_space<hbm>>
    %dma_start3A_80 = tpu.memref_squeeze %dma_start3A_79 : memref<1x2x128xi32, #tpu.memory_space<hbm>> -> memref<2x128xi32, #tpu.memory_space<hbm>>
    %dma_start3A_81 = arith.constant 0 : i32
    %dma_start3A_82 = arith.constant 0 : i32
    %dma_start3A_83 = tpu.memref_slice %arg9[%dma_start3A_72, %dma_start3A_81, %dma_start3A_82] : memref<2x2x128xi32, #tpu.memory_space<vmem>> -> memref<1x2x128xi32, #tpu.memory_space<vmem>>
    %dma_start3A_84 = tpu.memref_squeeze %dma_start3A_83 : memref<1x2x128xi32, #tpu.memory_space<vmem>> -> memref<2x128xi32, #tpu.memory_space<vmem>>
    %dma_start3A_85 = arith.constant 0 : i32
    %dma_start3A_86 = arith.constant 0 : i32
    %dma_start3A_87 = tpu.memref_slice %arg3[%add3A_71, %dma_start3A_85, %dma_start3A_86] : memref<2560x2x128xi32, #tpu.memory_space<hbm>> -> memref<1x2x128xi32, #tpu.memory_space<hbm>>
    %dma_start3A_88 = tpu.memref_squeeze %dma_start3A_87 : memref<1x2x128xi32, #tpu.memory_space<hbm>> -> memref<2x128xi32, #tpu.memory_space<hbm>>
    tpu.enqueue_dma source(%dma_start3A_88 : memref<2x128xi32, #tpu.memory_space<hbm>>) target(%dma_start3A_84 : memref<2x128xi32, #tpu.memory_space<vmem>>) target_semaphore(%arg27 : memref<!tpu.dma_semaphore, #tpu.memory_space<semaphore_mem>>)
    %mul3A_89 = arith.constant 160 : i32
    %mul3A_90 = arith.muli %arg1, %mul3A_89 : i32
    %add3A_91 = arith.constant 0 : i32
    %add3A_92 = arith.addi %mul3A_90, %add3A_91 : i32
    %dma_wait3A_93 = arith.constant 0 : i32
    %dma_wait3A_94 = arith.constant 0 : i32
    %dma_wait3A_95 = arith.constant 0 : i32
    %dma_wait3A_96 = tpu.memref_slice %arg6[%dma_wait3A_93, %dma_wait3A_94, %dma_wait3A_95] : memref<2x2x128xi32, #tpu.memory_space<vmem>> -> memref<1x2x128xi32, #tpu.memory_space<vmem>>
    %dma_wait3A_97 = tpu.memref_squeeze %dma_wait3A_96 : memref<1x2x128xi32, #tpu.memory_space<vmem>> -> memref<2x128xi32, #tpu.memory_space<vmem>>
    %dma_wait3A_98 = arith.constant 0 : i32
    %dma_wait3A_99 = arith.constant 0 : i32
    %dma_wait3A_100 = tpu.memref_slice %arg3[%add3A_92, %dma_wait3A_98, %dma_wait3A_99] : memref<2560x2x128xi32, #tpu.memory_space<hbm>> -> memref<1x2x128xi32, #tpu.memory_space<hbm>>
    %dma_wait3A_101 = tpu.memref_squeeze %dma_wait3A_100 : memref<1x2x128xi32, #tpu.memory_space<hbm>> -> memref<2x128xi32, #tpu.memory_space<hbm>>
    %dma_wait3A_102 = arith.constant 0 : i32
    %dma_wait3A_103 = arith.constant 0 : i32
    %dma_wait3A_104 = tpu.memref_slice %arg6[%dma_wait3A_93, %dma_wait3A_102, %dma_wait3A_103] : memref<2x2x128xi32, #tpu.memory_space<vmem>> -> memref<1x2x128xi32, #tpu.memory_space<vmem>>
    %dma_wait3A_105 = tpu.memref_squeeze %dma_wait3A_104 : memref<1x2x128xi32, #tpu.memory_space<vmem>> -> memref<2x128xi32, #tpu.memory_space<vmem>>
    %dma_wait3A_106 = arith.constant 0 : i32
    %dma_wait3A_107 = arith.constant 0 : i32
    %dma_wait3A_108 = tpu.memref_slice %arg3[%add3A_92, %dma_wait3A_106, %dma_wait3A_107] : memref<2560x2x128xi32, #tpu.memory_space<hbm>> -> memref<1x2x128xi32, #tpu.memory_space<hbm>>
    %dma_wait3A_109 = tpu.memref_squeeze %dma_wait3A_108 : memref<1x2x128xi32, #tpu.memory_space<hbm>> -> memref<2x128xi32, #tpu.memory_space<hbm>>
    tpu.wait_dma2 semaphore(%arg24 : memref<!tpu.dma_semaphore, #tpu.memory_space<semaphore_mem>>) src(%dma_wait3A_109 : memref<2x128xi32, #tpu.memory_space<hbm>>) dst(%dma_wait3A_105 : memref<2x128xi32, #tpu.memory_space<vmem>>)
    %dma_start3A_110 = arith.constant 0 : i32
    %dma_start3A_111 = arith.constant 0 : i32
    %dma_start3A_112 = arith.constant 0 : i32
    %dma_start3A_113 = tpu.memref_slice %arg6[%dma_start3A_110, %dma_start3A_111, %dma_start3A_112] : memref<2x2x128xi32, #tpu.memory_space<vmem>> -> memref<1x1x128xi32, #tpu.memory_space<vmem>>
    %dma_start3A_114 = tpu.memref_squeeze %dma_start3A_113 : memref<1x1x128xi32, #tpu.memory_space<vmem>> -> memref<128xi32, #tpu.memory_space<vmem>>
    %dma_start3A_115 = arith.constant 0 : i32
    %dma_start3A_116 = arith.constant 0 : i32
    %dma_start3A_117 = tpu.memref_slice %arg14[%dma_start3A_115, %dma_start3A_116] : memref<10112x64xf32, #tpu.memory_space<vmem_shared>> -> memref<10112x64xf32, #tpu.memory_space<vmem_shared>>
    tpu.enqueue_indirect_dma source(%dma_start3A_117 : memref<10112x64xf32, #tpu.memory_space<vmem_shared>>) target(%arg10 : memref<128x64xf32, #tpu.memory_space<vmem>>) offsets(%dma_start3A_114 : memref<128xi32, #tpu.memory_space<vmem>>) semaphore(%arg16 : memref<!tpu.dma_semaphore, #tpu.memory_space<semaphore_mem>>)
    %mul3A_118 = arith.constant 160 : i32
    %mul3A_119 = arith.muli %arg1, %mul3A_118 : i32
    %add3A_120 = arith.constant 4 : i32
    %add3A_121 = arith.addi %mul3A_119, %add3A_120 : i32
    %dma_start3A_122 = arith.constant 1 : i32
    %dma_start3A_123 = arith.constant 0 : i32
    %dma_start3A_124 = arith.constant 0 : i32
    %dma_start3A_125 = tpu.memref_slice %arg6[%dma_start3A_122, %dma_start3A_123, %dma_start3A_124] : memref<2x2x128xi32, #tpu.memory_space<vmem>> -> memref<1x2x128xi32, #tpu.memory_space<vmem>>
    %dma_start3A_126 = tpu.memref_squeeze %dma_start3A_125 : memref<1x2x128xi32, #tpu.memory_space<vmem>> -> memref<2x128xi32, #tpu.memory_space<vmem>>
    %dma_start3A_127 = arith.constant 0 : i32
    %dma_start3A_128 = arith.constant 0 : i32
    %dma_start3A_129 = tpu.memref_slice %arg3[%add3A_121, %dma_start3A_127, %dma_start3A_128] : memref<2560x2x128xi32, #tpu.memory_space<hbm>> -> memref<1x2x128xi32, #tpu.memory_space<hbm>>
    %dma_start3A_130 = tpu.memref_squeeze %dma_start3A_129 : memref<1x2x128xi32, #tpu.memory_space<hbm>> -> memref<2x128xi32, #tpu.memory_space<hbm>>
    %dma_start3A_131 = arith.constant 0 : i32
    %dma_start3A_132 = arith.constant 0 : i32
    %dma_start3A_133 = tpu.memref_slice %arg6[%dma_start3A_122, %dma_start3A_131, %dma_start3A_132] : memref<2x2x128xi32, #tpu.memory_space<vmem>> -> memref<1x2x128xi32, #tpu.memory_space<vmem>>
    %dma_start3A_134 = tpu.memref_squeeze %dma_start3A_133 : memref<1x2x128xi32, #tpu.memory_space<vmem>> -> memref<2x128xi32, #tpu.memory_space<vmem>>
    %dma_start3A_135 = arith.constant 0 : i32
    %dma_start3A_136 = arith.constant 0 : i32
    %dma_start3A_137 = tpu.memref_slice %arg3[%add3A_121, %dma_start3A_135, %dma_start3A_136] : memref<2560x2x128xi32, #tpu.memory_space<hbm>> -> memref<1x2x128xi32, #tpu.memory_space<hbm>>
    %dma_start3A_138 = tpu.memref_squeeze %dma_start3A_137 : memref<1x2x128xi32, #tpu.memory_space<hbm>> -> memref<2x128xi32, #tpu.memory_space<hbm>>
    tpu.enqueue_dma source(%dma_start3A_138 : memref<2x128xi32, #tpu.memory_space<hbm>>) target(%dma_start3A_134 : memref<2x128xi32, #tpu.memory_space<vmem>>) target_semaphore(%arg24 : memref<!tpu.dma_semaphore, #tpu.memory_space<semaphore_mem>>)
    %mul3A_139 = arith.constant 160 : i32
    %mul3A_140 = arith.muli %arg1, %mul3A_139 : i32
    %add3A_141 = arith.constant 1 : i32
    %add3A_142 = arith.addi %mul3A_140, %add3A_141 : i32
    %dma_wait3A_143 = arith.constant 0 : i32
    %dma_wait3A_144 = arith.constant 0 : i32
    %dma_wait3A_145 = arith.constant 0 : i32
    %dma_wait3A_146 = tpu.memref_slice %arg7[%dma_wait3A_143, %dma_wait3A_144, %dma_wait3A_145] : memref<2x2x128xi32, #tpu.memory_space<vmem>> -> memref<1x2x128xi32, #tpu.memory_space<vmem>>
    %dma_wait3A_147 = tpu.memref_squeeze %dma_wait3A_146 : memref<1x2x128xi32, #tpu.memory_space<vmem>> -> memref<2x128xi32, #tpu.memory_space<vmem>>
    %dma_wait3A_148 = arith.constant 0 : i32
    %dma_wait3A_149 = arith.constant 0 : i32
    %dma_wait3A_150 = tpu.memref_slice %arg3[%add3A_142, %dma_wait3A_148, %dma_wait3A_149] : memref<2560x2x128xi32, #tpu.memory_space<hbm>> -> memref<1x2x128xi32, #tpu.memory_space<hbm>>
    %dma_wait3A_151 = tpu.memref_squeeze %dma_wait3A_150 : memref<1x2x128xi32, #tpu.memory_space<hbm>> -> memref<2x128xi32, #tpu.memory_space<hbm>>
    %dma_wait3A_152 = arith.constant 0 : i32
    %dma_wait3A_153 = arith.constant 0 : i32
    %dma_wait3A_154 = tpu.memref_slice %arg7[%dma_wait3A_143, %dma_wait3A_152, %dma_wait3A_153] : memref<2x2x128xi32, #tpu.memory_space<vmem>> -> memref<1x2x128xi32, #tpu.memory_space<vmem>>
    %dma_wait3A_155 = tpu.memref_squeeze %dma_wait3A_154 : memref<1x2x128xi32, #tpu.memory_space<vmem>> -> memref<2x128xi32, #tpu.memory_space<vmem>>
    %dma_wait3A_156 = arith.constant 0 : i32
    %dma_wait3A_157 = arith.constant 0 : i32
    %dma_wait3A_158 = tpu.memref_slice %arg3[%add3A_142, %dma_wait3A_156, %dma_wait3A_157] : memref<2560x2x128xi32, #tpu.memory_space<hbm>> -> memref<1x2x128xi32, #tpu.memory_space<hbm>>
    %dma_wait3A_159 = tpu.memref_squeeze %dma_wait3A_158 : memref<1x2x128xi32, #tpu.memory_space<hbm>> -> memref<2x128xi32, #tpu.memory_space<hbm>>
    tpu.wait_dma2 semaphore(%arg25 : memref<!tpu.dma_semaphore, #tpu.memory_space<semaphore_mem>>) src(%dma_wait3A_159 : memref<2x128xi32, #tpu.memory_space<hbm>>) dst(%dma_wait3A_155 : memref<2x128xi32, #tpu.memory_space<vmem>>)
    %dma_start3A_160 = arith.constant 0 : i32
    %dma_start3A_161 = arith.constant 0 : i32
    %dma_start3A_162 = arith.constant 0 : i32
    %dma_start3A_163 = tpu.memref_slice %arg7[%dma_start3A_160, %dma_start3A_161, %dma_start3A_162] : memref<2x2x128xi32, #tpu.memory_space<vmem>> -> memref<1x1x128xi32, #tpu.memory_space<vmem>>
    %dma_start3A_164 = tpu.memref_squeeze %dma_start3A_163 : memref<1x1x128xi32, #tpu.memory_space<vmem>> -> memref<128xi32, #tpu.memory_space<vmem>>
    %dma_start3A_165 = arith.constant 0 : i32
    %dma_start3A_166 = arith.constant 0 : i32
    %dma_start3A_167 = tpu.memref_slice %arg14[%dma_start3A_165, %dma_start3A_166] : memref<10112x64xf32, #tpu.memory_space<vmem_shared>> -> memref<10112x64xf32, #tpu.memory_space<vmem_shared>>
    tpu.enqueue_indirect_dma source(%dma_start3A_167 : memref<10112x64xf32, #tpu.memory_space<vmem_shared>>) target(%arg11 : memref<128x64xf32, #tpu.memory_space<vmem>>) offsets(%dma_start3A_164 : memref<128xi32, #tpu.memory_space<vmem>>) semaphore(%arg17 : memref<!tpu.dma_semaphore, #tpu.memory_space<semaphore_mem>>)
    %mul3A_168 = arith.constant 160 : i32
    %mul3A_169 = arith.muli %arg1, %mul3A_168 : i32
    %add3A_170 = arith.constant 5 : i32
    %add3A_171 = arith.addi %mul3A_169, %add3A_170 : i32
    %dma_start3A_172 = arith.constant 1 : i32
    %dma_start3A_173 = arith.constant 0 : i32
    %dma_start3A_174 = arith.constant 0 : i32
    %dma_start3A_175 = tpu.memref_slice %arg7[%dma_start3A_172, %dma_start3A_173, %dma_start3A_174] : memref<2x2x128xi32, #tpu.memory_space<vmem>> -> memref<1x2x128xi32, #tpu.memory_space<vmem>>
    %dma_start3A_176 = tpu.memref_squeeze %dma_start3A_175 : memref<1x2x128xi32, #tpu.memory_space<vmem>> -> memref<2x128xi32, #tpu.memory_space<vmem>>
    %dma_start3A_177 = arith.constant 0 : i32
    %dma_start3A_178 = arith.constant 0 : i32
    %dma_start3A_179 = tpu.memref_slice %arg3[%add3A_171, %dma_start3A_177, %dma_start3A_178] : memref<2560x2x128xi32, #tpu.memory_space<hbm>> -> memref<1x2x128xi32, #tpu.memory_space<hbm>>
    %dma_start3A_180 = tpu.memref_squeeze %dma_start3A_179 : memref<1x2x128xi32, #tpu.memory_space<hbm>> -> memref<2x128xi32, #tpu.memory_space<hbm>>
    %dma_start3A_181 = arith.constant 0 : i32
    %dma_start3A_182 = arith.constant 0 : i32
    %dma_start3A_183 = tpu.memref_slice %arg7[%dma_start3A_172, %dma_start3A_181, %dma_start3A_182] : memref<2x2x128xi32, #tpu.memory_space<vmem>> -> memref<1x2x128xi32, #tpu.memory_space<vmem>>
    %dma_start3A_184 = tpu.memref_squeeze %dma_start3A_183 : memref<1x2x128xi32, #tpu.memory_space<vmem>> -> memref<2x128xi32, #tpu.memory_space<vmem>>
    %dma_start3A_185 = arith.constant 0 : i32
    %dma_start3A_186 = arith.constant 0 : i32
    %dma_start3A_187 = tpu.memref_slice %arg3[%add3A_171, %dma_start3A_185, %dma_start3A_186] : memref<2560x2x128xi32, #tpu.memory_space<hbm>> -> memref<1x2x128xi32, #tpu.memory_space<hbm>>
    %dma_start3A_188 = tpu.memref_squeeze %dma_start3A_187 : memref<1x2x128xi32, #tpu.memory_space<hbm>> -> memref<2x128xi32, #tpu.memory_space<hbm>>
    tpu.enqueue_dma source(%dma_start3A_188 : memref<2x128xi32, #tpu.memory_space<hbm>>) target(%dma_start3A_184 : memref<2x128xi32, #tpu.memory_space<vmem>>) target_semaphore(%arg25 : memref<!tpu.dma_semaphore, #tpu.memory_space<semaphore_mem>>)
    %mul3A_189 = arith.constant 160 : i32
    %mul3A_190 = arith.muli %arg1, %mul3A_189 : i32
    %add3A_191 = arith.constant 2 : i32
    %add3A_192 = arith.addi %mul3A_190, %add3A_191 : i32
    %dma_wait3A_193 = arith.constant 0 : i32
    %dma_wait3A_194 = arith.constant 0 : i32
    %dma_wait3A_195 = arith.constant 0 : i32
    %dma_wait3A_196 = tpu.memref_slice %arg8[%dma_wait3A_193, %dma_wait3A_194, %dma_wait3A_195] : memref<2x2x128xi32, #tpu.memory_space<vmem>> -> memref<1x2x128xi32, #tpu.memory_space<vmem>>
    %dma_wait3A_197 = tpu.memref_squeeze %dma_wait3A_196 : memref<1x2x128xi32, #tpu.memory_space<vmem>> -> memref<2x128xi32, #tpu.memory_space<vmem>>
    %dma_wait3A_198 = arith.constant 0 : i32
    %dma_wait3A_199 = arith.constant 0 : i32
    %dma_wait3A_200 = tpu.memref_slice %arg3[%add3A_192, %dma_wait3A_198, %dma_wait3A_199] : memref<2560x2x128xi32, #tpu.memory_space<hbm>> -> memref<1x2x128xi32, #tpu.memory_space<hbm>>
    %dma_wait3A_201 = tpu.memref_squeeze %dma_wait3A_200 : memref<1x2x128xi32, #tpu.memory_space<hbm>> -> memref<2x128xi32, #tpu.memory_space<hbm>>
    %dma_wait3A_202 = arith.constant 0 : i32
    %dma_wait3A_203 = arith.constant 0 : i32
    %dma_wait3A_204 = tpu.memref_slice %arg8[%dma_wait3A_193, %dma_wait3A_202, %dma_wait3A_203] : memref<2x2x128xi32, #tpu.memory_space<vmem>> -> memref<1x2x128xi32, #tpu.memory_space<vmem>>
    %dma_wait3A_205 = tpu.memref_squeeze %dma_wait3A_204 : memref<1x2x128xi32, #tpu.memory_space<vmem>> -> memref<2x128xi32, #tpu.memory_space<vmem>>
    %dma_wait3A_206 = arith.constant 0 : i32
    %dma_wait3A_207 = arith.constant 0 : i32
    %dma_wait3A_208 = tpu.memref_slice %arg3[%add3A_192, %dma_wait3A_206, %dma_wait3A_207] : memref<2560x2x128xi32, #tpu.memory_space<hbm>> -> memref<1x2x128xi32, #tpu.memory_space<hbm>>
    %dma_wait3A_209 = tpu.memref_squeeze %dma_wait3A_208 : memref<1x2x128xi32, #tpu.memory_space<hbm>> -> memref<2x128xi32, #tpu.memory_space<hbm>>
    tpu.wait_dma2 semaphore(%arg26 : memref<!tpu.dma_semaphore, #tpu.memory_space<semaphore_mem>>) src(%dma_wait3A_209 : memref<2x128xi32, #tpu.memory_space<hbm>>) dst(%dma_wait3A_205 : memref<2x128xi32, #tpu.memory_space<vmem>>)
    %dma_start3A_210 = arith.constant 0 : i32
    %dma_start3A_211 = arith.constant 0 : i32
    %dma_start3A_212 = arith.constant 0 : i32
    %dma_start3A_213 = tpu.memref_slice %arg8[%dma_start3A_210, %dma_start3A_211, %dma_start3A_212] : memref<2x2x128xi32, #tpu.memory_space<vmem>> -> memref<1x1x128xi32, #tpu.memory_space<vmem>>
    %dma_start3A_214 = tpu.memref_squeeze %dma_start3A_213 : memref<1x1x128xi32, #tpu.memory_space<vmem>> -> memref<128xi32, #tpu.memory_space<vmem>>
    %dma_start3A_215 = arith.constant 0 : i32
    %dma_start3A_216 = arith.constant 0 : i32
    %dma_start3A_217 = tpu.memref_slice %arg14[%dma_start3A_215, %dma_start3A_216] : memref<10112x64xf32, #tpu.memory_space<vmem_shared>> -> memref<10112x64xf32, #tpu.memory_space<vmem_shared>>
    tpu.enqueue_indirect_dma source(%dma_start3A_217 : memref<10112x64xf32, #tpu.memory_space<vmem_shared>>) target(%arg12 : memref<128x64xf32, #tpu.memory_space<vmem>>) offsets(%dma_start3A_214 : memref<128xi32, #tpu.memory_space<vmem>>) semaphore(%arg18 : memref<!tpu.dma_semaphore, #tpu.memory_space<semaphore_mem>>)
    %mul3A_218 = arith.constant 160 : i32
    %mul3A_219 = arith.muli %arg1, %mul3A_218 : i32
    %add3A_220 = arith.constant 6 : i32
    %add3A_221 = arith.addi %mul3A_219, %add3A_220 : i32
    %dma_start3A_222 = arith.constant 1 : i32
    %dma_start3A_223 = arith.constant 0 : i32
    %dma_start3A_224 = arith.constant 0 : i32
    %dma_start3A_225 = tpu.memref_slice %arg8[%dma_start3A_222, %dma_start3A_223, %dma_start3A_224] : memref<2x2x128xi32, #tpu.memory_space<vmem>> -> memref<1x2x128xi32, #tpu.memory_space<vmem>>
    %dma_start3A_226 = tpu.memref_squeeze %dma_start3A_225 : memref<1x2x128xi32, #tpu.memory_space<vmem>> -> memref<2x128xi32, #tpu.memory_space<vmem>>
    %dma_start3A_227 = arith.constant 0 : i32
    %dma_start3A_228 = arith.constant 0 : i32
    %dma_start3A_229 = tpu.memref_slice %arg3[%add3A_221, %dma_start3A_227, %dma_start3A_228] : memref<2560x2x128xi32, #tpu.memory_space<hbm>> -> memref<1x2x128xi32, #tpu.memory_space<hbm>>
    %dma_start3A_230 = tpu.memref_squeeze %dma_start3A_229 : memref<1x2x128xi32, #tpu.memory_space<hbm>> -> memref<2x128xi32, #tpu.memory_space<hbm>>
    %dma_start3A_231 = arith.constant 0 : i32
    %dma_start3A_232 = arith.constant 0 : i32
    %dma_start3A_233 = tpu.memref_slice %arg8[%dma_start3A_222, %dma_start3A_231, %dma_start3A_232] : memref<2x2x128xi32, #tpu.memory_space<vmem>> -> memref<1x2x128xi32, #tpu.memory_space<vmem>>
    %dma_start3A_234 = tpu.memref_squeeze %dma_start3A_233 : memref<1x2x128xi32, #tpu.memory_space<vmem>> -> memref<2x128xi32, #tpu.memory_space<vmem>>
    %dma_start3A_235 = arith.constant 0 : i32
    %dma_start3A_236 = arith.constant 0 : i32
    %dma_start3A_237 = tpu.memref_slice %arg3[%add3A_221, %dma_start3A_235, %dma_start3A_236] : memref<2560x2x128xi32, #tpu.memory_space<hbm>> -> memref<1x2x128xi32, #tpu.memory_space<hbm>>
    %dma_start3A_238 = tpu.memref_squeeze %dma_start3A_237 : memref<1x2x128xi32, #tpu.memory_space<hbm>> -> memref<2x128xi32, #tpu.memory_space<hbm>>
    tpu.enqueue_dma source(%dma_start3A_238 : memref<2x128xi32, #tpu.memory_space<hbm>>) target(%dma_start3A_234 : memref<2x128xi32, #tpu.memory_space<vmem>>) target_semaphore(%arg26 : memref<!tpu.dma_semaphore, #tpu.memory_space<semaphore_mem>>)
    %mul3A_239 = arith.constant 160 : i32
    %mul3A_240 = arith.muli %arg1, %mul3A_239 : i32
    %add3A_241 = arith.constant 3 : i32
    %add3A_242 = arith.addi %mul3A_240, %add3A_241 : i32
    %dma_wait3A_243 = arith.constant 0 : i32
    %dma_wait3A_244 = arith.constant 0 : i32
    %dma_wait3A_245 = arith.constant 0 : i32
    %dma_wait3A_246 = tpu.memref_slice %arg9[%dma_wait3A_243, %dma_wait3A_244, %dma_wait3A_245] : memref<2x2x128xi32, #tpu.memory_space<vmem>> -> memref<1x2x128xi32, #tpu.memory_space<vmem>>
    %dma_wait3A_247 = tpu.memref_squeeze %dma_wait3A_246 : memref<1x2x128xi32, #tpu.memory_space<vmem>> -> memref<2x128xi32, #tpu.memory_space<vmem>>
    %dma_wait3A_248 = arith.constant 0 : i32
    %dma_wait3A_249 = arith.constant 0 : i32
    %dma_wait3A_250 = tpu.memref_slice %arg3[%add3A_242, %dma_wait3A_248, %dma_wait3A_249] : memref<2560x2x128xi32, #tpu.memory_space<hbm>> -> memref<1x2x128xi32, #tpu.memory_space<hbm>>
    %dma_wait3A_251 = tpu.memref_squeeze %dma_wait3A_250 : memref<1x2x128xi32, #tpu.memory_space<hbm>> -> memref<2x128xi32, #tpu.memory_space<hbm>>
    %dma_wait3A_252 = arith.constant 0 : i32
    %dma_wait3A_253 = arith.constant 0 : i32
    %dma_wait3A_254 = tpu.memref_slice %arg9[%dma_wait3A_243, %dma_wait3A_252, %dma_wait3A_253] : memref<2x2x128xi32, #tpu.memory_space<vmem>> -> memref<1x2x128xi32, #tpu.memory_space<vmem>>
    %dma_wait3A_255 = tpu.memref_squeeze %dma_wait3A_254 : memref<1x2x128xi32, #tpu.memory_space<vmem>> -> memref<2x128xi32, #tpu.memory_space<vmem>>
    %dma_wait3A_256 = arith.constant 0 : i32
    %dma_wait3A_257 = arith.constant 0 : i32
    %dma_wait3A_258 = tpu.memref_slice %arg3[%add3A_242, %dma_wait3A_256, %dma_wait3A_257] : memref<2560x2x128xi32, #tpu.memory_space<hbm>> -> memref<1x2x128xi32, #tpu.memory_space<hbm>>
    %dma_wait3A_259 = tpu.memref_squeeze %dma_wait3A_258 : memref<1x2x128xi32, #tpu.memory_space<hbm>> -> memref<2x128xi32, #tpu.memory_space<hbm>>
    tpu.wait_dma2 semaphore(%arg27 : memref<!tpu.dma_semaphore, #tpu.memory_space<semaphore_mem>>) src(%dma_wait3A_259 : memref<2x128xi32, #tpu.memory_space<hbm>>) dst(%dma_wait3A_255 : memref<2x128xi32, #tpu.memory_space<vmem>>)
    %dma_start3A_260 = arith.constant 0 : i32
    %dma_start3A_261 = arith.constant 0 : i32
    %dma_start3A_262 = arith.constant 0 : i32
    %dma_start3A_263 = tpu.memref_slice %arg9[%dma_start3A_260, %dma_start3A_261, %dma_start3A_262] : memref<2x2x128xi32, #tpu.memory_space<vmem>> -> memref<1x1x128xi32, #tpu.memory_space<vmem>>
    %dma_start3A_264 = tpu.memref_squeeze %dma_start3A_263 : memref<1x1x128xi32, #tpu.memory_space<vmem>> -> memref<128xi32, #tpu.memory_space<vmem>>
    %dma_start3A_265 = arith.constant 0 : i32
    %dma_start3A_266 = arith.constant 0 : i32
    %dma_start3A_267 = tpu.memref_slice %arg14[%dma_start3A_265, %dma_start3A_266] : memref<10112x64xf32, #tpu.memory_space<vmem_shared>> -> memref<10112x64xf32, #tpu.memory_space<vmem_shared>>
    tpu.enqueue_indirect_dma source(%dma_start3A_267 : memref<10112x64xf32, #tpu.memory_space<vmem_shared>>) target(%arg13 : memref<128x64xf32, #tpu.memory_space<vmem>>) offsets(%dma_start3A_264 : memref<128xi32, #tpu.memory_space<vmem>>) semaphore(%arg19 : memref<!tpu.dma_semaphore, #tpu.memory_space<semaphore_mem>>)
    %mul3A_268 = arith.constant 160 : i32
    %mul3A_269 = arith.muli %arg1, %mul3A_268 : i32
    %add3A_270 = arith.constant 7 : i32
    %add3A_271 = arith.addi %mul3A_269, %add3A_270 : i32
    %dma_start3A_272 = arith.constant 1 : i32
    %dma_start3A_273 = arith.constant 0 : i32
    %dma_start3A_274 = arith.constant 0 : i32
    %dma_start3A_275 = tpu.memref_slice %arg9[%dma_start3A_272, %dma_start3A_273, %dma_start3A_274] : memref<2x2x128xi32, #tpu.memory_space<vmem>> -> memref<1x2x128xi32, #tpu.memory_space<vmem>>
    %dma_start3A_276 = tpu.memref_squeeze %dma_start3A_275 : memref<1x2x128xi32, #tpu.memory_space<vmem>> -> memref<2x128xi32, #tpu.memory_space<vmem>>
    %dma_start3A_277 = arith.constant 0 : i32
    %dma_start3A_278 = arith.constant 0 : i32
    %dma_start3A_279 = tpu.memref_slice %arg3[%add3A_271, %dma_start3A_277, %dma_start3A_278] : memref<2560x2x128xi32, #tpu.memory_space<hbm>> -> memref<1x2x128xi32, #tpu.memory_space<hbm>>
    %dma_start3A_280 = tpu.memref_squeeze %dma_start3A_279 : memref<1x2x128xi32, #tpu.memory_space<hbm>> -> memref<2x128xi32, #tpu.memory_space<hbm>>
    %dma_start3A_281 = arith.constant 0 : i32
    %dma_start3A_282 = arith.constant 0 : i32
    %dma_start3A_283 = tpu.memref_slice %arg9[%dma_start3A_272, %dma_start3A_281, %dma_start3A_282] : memref<2x2x128xi32, #tpu.memory_space<vmem>> -> memref<1x2x128xi32, #tpu.memory_space<vmem>>
    %dma_start3A_284 = tpu.memref_squeeze %dma_start3A_283 : memref<1x2x128xi32, #tpu.memory_space<vmem>> -> memref<2x128xi32, #tpu.memory_space<vmem>>
    %dma_start3A_285 = arith.constant 0 : i32
    %dma_start3A_286 = arith.constant 0 : i32
    %dma_start3A_287 = tpu.memref_slice %arg3[%add3A_271, %dma_start3A_285, %dma_start3A_286] : memref<2560x2x128xi32, #tpu.memory_space<hbm>> -> memref<1x2x128xi32, #tpu.memory_space<hbm>>
    %dma_start3A_288 = tpu.memref_squeeze %dma_start3A_287 : memref<1x2x128xi32, #tpu.memory_space<hbm>> -> memref<2x128xi32, #tpu.memory_space<hbm>>
    tpu.enqueue_dma source(%dma_start3A_288 : memref<2x128xi32, #tpu.memory_space<hbm>>) target(%dma_start3A_284 : memref<2x128xi32, #tpu.memory_space<vmem>>) target_semaphore(%arg27 : memref<!tpu.dma_semaphore, #tpu.memory_space<semaphore_mem>>)
    %scan3A = arith.constant 0 : i32
    %scan3A_289 = arith.constant 0 : i32
    %scan3A_290 = arith.constant 40 : i32
    %scan3A_291 = arith.addi %scan3A_289, %scan3A_290 : i32
    %scan3A_292 = arith.constant 1 : i32
    scf.for %scan3A_298 = %scan3A_289 to %scan3A_291 step %scan3A_292  : i32 {
      %rem3A = arith.constant 2 : i32
      %rem3A_299 = arith.remsi %scan3A_298, %rem3A : i32
      %sub3A = arith.constant 1 : i32
      %sub3A_300 = arith.subi %sub3A, %rem3A_299 : i32
      %mul3A_301 = arith.constant 4 : i32
      %mul3A_302 = arith.muli %scan3A_298, %mul3A_301 : i32
      %add3A_303 = arith.constant 0 : i32
      %add3A_304 = arith.addi %mul3A_302, %add3A_303 : i32
      %dma_wait3A_305 = arith.constant 0 : i32
      %dma_wait3A_306 = arith.constant 0 : i32
      %dma_wait3A_307 = tpu.memref_slice %arg6[%rem3A_299, %dma_wait3A_305, %dma_wait3A_306] : memref<2x2x128xi32, #tpu.memory_space<vmem>> -> memref<1x1x128xi32, #tpu.memory_space<vmem>>
      %dma_wait3A_308 = tpu.memref_squeeze %dma_wait3A_307 : memref<1x1x128xi32, #tpu.memory_space<vmem>> -> memref<128xi32, #tpu.memory_space<vmem>>
      %dma_wait3A_309 = arith.constant 0 : i32
      %dma_wait3A_310 = arith.constant 0 : i32
      %dma_wait3A_311 = tpu.memref_slice %arg14[%dma_wait3A_309, %dma_wait3A_310] : memref<10112x64xf32, #tpu.memory_space<vmem_shared>> -> memref<10112x64xf32, #tpu.memory_space<vmem_shared>>
      tpu.wait_indirect_dma semaphore(%arg16 : memref<!tpu.dma_semaphore, #tpu.memory_space<semaphore_mem>>) src(%dma_wait3A_311 : memref<10112x64xf32, #tpu.memory_space<vmem_shared>>) dst(%arg10 : memref<128x64xf32, #tpu.memory_space<vmem>>)
      %dma_start3A_312 = arith.constant 1 : i32
      %dma_start3A_313 = arith.constant 0 : i32
      %dma_start3A_314 = tpu.memref_slice %arg6[%rem3A_299, %dma_start3A_312, %dma_start3A_313] : memref<2x2x128xi32, #tpu.memory_space<vmem>> -> memref<1x1x128xi32, #tpu.memory_space<vmem>>
      %dma_start3A_315 = tpu.memref_squeeze %dma_start3A_314 : memref<1x1x128xi32, #tpu.memory_space<vmem>> -> memref<128xi32, #tpu.memory_space<vmem>>
      %dma_start3A_316 = arith.constant 0 : i32
      %dma_start3A_317 = arith.constant 0 : i32
      %dma_start3A_318 = tpu.memref_slice %arg15[%dma_start3A_316, %dma_start3A_317] : memref<10112x64xf32, #tpu.memory_space<vmem_shared>> -> memref<10112x64xf32, #tpu.memory_space<vmem_shared>>
      tpu.enqueue_indirect_dma source(%arg10 : memref<128x64xf32, #tpu.memory_space<vmem>>) target(%dma_start3A_318 : memref<10112x64xf32, #tpu.memory_space<vmem_shared>>) offsets(%dma_start3A_315 : memref<128xi32, #tpu.memory_space<vmem>>) semaphore(%arg20 : memref<!tpu.dma_semaphore, #tpu.memory_space<semaphore_mem>>) {add = true}
      %dma_wait3A_319 = arith.constant 1 : i32
      %dma_wait3A_320 = arith.constant 0 : i32
      %dma_wait3A_321 = tpu.memref_slice %arg6[%rem3A_299, %dma_wait3A_319, %dma_wait3A_320] : memref<2x2x128xi32, #tpu.memory_space<vmem>> -> memref<1x1x128xi32, #tpu.memory_space<vmem>>
      %dma_wait3A_322 = tpu.memref_squeeze %dma_wait3A_321 : memref<1x1x128xi32, #tpu.memory_space<vmem>> -> memref<128xi32, #tpu.memory_space<vmem>>
      %dma_wait3A_323 = arith.constant 0 : i32
      %dma_wait3A_324 = arith.constant 0 : i32
      %dma_wait3A_325 = tpu.memref_slice %arg15[%dma_wait3A_323, %dma_wait3A_324] : memref<10112x64xf32, #tpu.memory_space<vmem_shared>> -> memref<10112x64xf32, #tpu.memory_space<vmem_shared>>
      tpu.wait_indirect_dma semaphore(%arg20 : memref<!tpu.dma_semaphore, #tpu.memory_space<semaphore_mem>>) src(%arg10 : memref<128x64xf32, #tpu.memory_space<vmem>>) dst(%dma_wait3A_325 : memref<10112x64xf32, #tpu.memory_space<vmem_shared>>)
      %lt3A = arith.constant 39 : i32
      %lt3A_326 = arith.cmpi slt, %scan3A_298, %lt3A : i32
      %convert_element_type3A = arith.extui %lt3A_326 : i1 to i32
      %cond3A = arith.constant 0 : i32
      %cond3A_327 = arith.cmpi ne, %convert_element_type3A, %cond3A : i32
      scf.if %cond3A_327 {
        %add3A_418 = arith.constant 4 : i32
        %add3A_419 = arith.addi %add3A_304, %add3A_418 : i32
        %mul3A_420 = arith.constant 160 : i32
        %mul3A_421 = arith.muli %arg1, %mul3A_420 : i32
        %add3A_422 = arith.addi %mul3A_421, %add3A_419 : i32
        %dma_wait3A_423 = arith.constant 0 : i32
        %dma_wait3A_424 = arith.constant 0 : i32
        %dma_wait3A_425 = tpu.memref_slice %arg6[%sub3A_300, %dma_wait3A_423, %dma_wait3A_424] : memref<2x2x128xi32, #tpu.memory_space<vmem>> -> memref<1x2x128xi32, #tpu.memory_space<vmem>>
        %dma_wait3A_426 = tpu.memref_squeeze %dma_wait3A_425 : memref<1x2x128xi32, #tpu.memory_space<vmem>> -> memref<2x128xi32, #tpu.memory_space<vmem>>
        %dma_wait3A_427 = arith.constant 0 : i32
        %dma_wait3A_428 = arith.constant 0 : i32
        %dma_wait3A_429 = tpu.memref_slice %arg3[%add3A_422, %dma_wait3A_427, %dma_wait3A_428] : memref<2560x2x128xi32, #tpu.memory_space<hbm>> -> memref<1x2x128xi32, #tpu.memory_space<hbm>>
        %dma_wait3A_430 = tpu.memref_squeeze %dma_wait3A_429 : memref<1x2x128xi32, #tpu.memory_space<hbm>> -> memref<2x128xi32, #tpu.memory_space<hbm>>
        %dma_wait3A_431 = arith.constant 0 : i32
        %dma_wait3A_432 = arith.constant 0 : i32
        %dma_wait3A_433 = tpu.memref_slice %arg6[%sub3A_300, %dma_wait3A_431, %dma_wait3A_432] : memref<2x2x128xi32, #tpu.memory_space<vmem>> -> memref<1x2x128xi32, #tpu.memory_space<vmem>>
        %dma_wait3A_434 = tpu.memref_squeeze %dma_wait3A_433 : memref<1x2x128xi32, #tpu.memory_space<vmem>> -> memref<2x128xi32, #tpu.memory_space<vmem>>
        %dma_wait3A_435 = arith.constant 0 : i32
        %dma_wait3A_436 = arith.constant 0 : i32
        %dma_wait3A_437 = tpu.memref_slice %arg3[%add3A_422, %dma_wait3A_435, %dma_wait3A_436] : memref<2560x2x128xi32, #tpu.memory_space<hbm>> -> memref<1x2x128xi32, #tpu.memory_space<hbm>>
        %dma_wait3A_438 = tpu.memref_squeeze %dma_wait3A_437 : memref<1x2x128xi32, #tpu.memory_space<hbm>> -> memref<2x128xi32, #tpu.memory_space<hbm>>
        tpu.wait_dma2 semaphore(%arg24 : memref<!tpu.dma_semaphore, #tpu.memory_space<semaphore_mem>>) src(%dma_wait3A_438 : memref<2x128xi32, #tpu.memory_space<hbm>>) dst(%dma_wait3A_434 : memref<2x128xi32, #tpu.memory_space<vmem>>)
        %dma_start3A_439 = arith.constant 0 : i32
        %dma_start3A_440 = arith.constant 0 : i32
        %dma_start3A_441 = tpu.memref_slice %arg6[%sub3A_300, %dma_start3A_439, %dma_start3A_440] : memref<2x2x128xi32, #tpu.memory_space<vmem>> -> memref<1x1x128xi32, #tpu.memory_space<vmem>>
        %dma_start3A_442 = tpu.memref_squeeze %dma_start3A_441 : memref<1x1x128xi32, #tpu.memory_space<vmem>> -> memref<128xi32, #tpu.memory_space<vmem>>
        %dma_start3A_443 = arith.constant 0 : i32
        %dma_start3A_444 = arith.constant 0 : i32
        %dma_start3A_445 = tpu.memref_slice %arg14[%dma_start3A_443, %dma_start3A_444] : memref<10112x64xf32, #tpu.memory_space<vmem_shared>> -> memref<10112x64xf32, #tpu.memory_space<vmem_shared>>
        tpu.enqueue_indirect_dma source(%dma_start3A_445 : memref<10112x64xf32, #tpu.memory_space<vmem_shared>>) target(%arg10 : memref<128x64xf32, #tpu.memory_space<vmem>>) offsets(%dma_start3A_442 : memref<128xi32, #tpu.memory_space<vmem>>) semaphore(%arg16 : memref<!tpu.dma_semaphore, #tpu.memory_space<semaphore_mem>>)
        %lt3A_446 = arith.constant 38 : i32
        %lt3A_447 = arith.cmpi slt, %scan3A_298, %lt3A_446 : i32
        %convert_element_type3A_448 = arith.extui %lt3A_447 : i1 to i32
        %cond3A_449 = arith.constant 0 : i32
        %cond3A_450 = arith.cmpi ne, %convert_element_type3A_448, %cond3A_449 : i32
        scf.if %cond3A_450 {
          %add3A_451 = arith.constant 8 : i32
          %add3A_452 = arith.addi %add3A_304, %add3A_451 : i32
          %mul3A_453 = arith.constant 160 : i32
          %mul3A_454 = arith.muli %arg1, %mul3A_453 : i32
          %add3A_455 = arith.addi %mul3A_454, %add3A_452 : i32
          %dma_start3A_456 = arith.constant 0 : i32
          %dma_start3A_457 = arith.constant 0 : i32
          %dma_start3A_458 = tpu.memref_slice %arg6[%rem3A_299, %dma_start3A_456, %dma_start3A_457] : memref<2x2x128xi32, #tpu.memory_space<vmem>> -> memref<1x2x128xi32, #tpu.memory_space<vmem>>
          %dma_start3A_459 = tpu.memref_squeeze %dma_start3A_458 : memref<1x2x128xi32, #tpu.memory_space<vmem>> -> memref<2x128xi32, #tpu.memory_space<vmem>>
          %dma_start3A_460 = arith.constant 0 : i32
          %dma_start3A_461 = arith.constant 0 : i32
          %dma_start3A_462 = tpu.memref_slice %arg3[%add3A_455, %dma_start3A_460, %dma_start3A_461] : memref<2560x2x128xi32, #tpu.memory_space<hbm>> -> memref<1x2x128xi32, #tpu.memory_space<hbm>>
          %dma_start3A_463 = tpu.memref_squeeze %dma_start3A_462 : memref<1x2x128xi32, #tpu.memory_space<hbm>> -> memref<2x128xi32, #tpu.memory_space<hbm>>
          %dma_start3A_464 = arith.constant 0 : i32
          %dma_start3A_465 = arith.constant 0 : i32
          %dma_start3A_466 = tpu.memref_slice %arg6[%rem3A_299, %dma_start3A_464, %dma_start3A_465] : memref<2x2x128xi32, #tpu.memory_space<vmem>> -> memref<1x2x128xi32, #tpu.memory_space<vmem>>
          %dma_start3A_467 = tpu.memref_squeeze %dma_start3A_466 : memref<1x2x128xi32, #tpu.memory_space<vmem>> -> memref<2x128xi32, #tpu.memory_space<vmem>>
          %dma_start3A_468 = arith.constant 0 : i32
          %dma_start3A_469 = arith.constant 0 : i32
          %dma_start3A_470 = tpu.memref_slice %arg3[%add3A_455, %dma_start3A_468, %dma_start3A_469] : memref<2560x2x128xi32, #tpu.memory_space<hbm>> -> memref<1x2x128xi32, #tpu.memory_space<hbm>>
          %dma_start3A_471 = tpu.memref_squeeze %dma_start3A_470 : memref<1x2x128xi32, #tpu.memory_space<hbm>> -> memref<2x128xi32, #tpu.memory_space<hbm>>
          tpu.enqueue_dma source(%dma_start3A_471 : memref<2x128xi32, #tpu.memory_space<hbm>>) target(%dma_start3A_467 : memref<2x128xi32, #tpu.memory_space<vmem>>) target_semaphore(%arg24 : memref<!tpu.dma_semaphore, #tpu.memory_space<semaphore_mem>>)
        } else {
        }
      } else {
      }
      %mul3A_328 = arith.constant 4 : i32
      %mul3A_329 = arith.muli %scan3A_298, %mul3A_328 : i32
      %add3A_330 = arith.constant 1 : i32
      %add3A_331 = arith.addi %mul3A_329, %add3A_330 : i32
      %dma_wait3A_332 = arith.constant 0 : i32
      %dma_wait3A_333 = arith.constant 0 : i32
      %dma_wait3A_334 = tpu.memref_slice %arg7[%rem3A_299, %dma_wait3A_332, %dma_wait3A_333] : memref<2x2x128xi32, #tpu.memory_space<vmem>> -> memref<1x1x128xi32, #tpu.memory_space<vmem>>
      %dma_wait3A_335 = tpu.memref_squeeze %dma_wait3A_334 : memref<1x1x128xi32, #tpu.memory_space<vmem>> -> memref<128xi32, #tpu.memory_space<vmem>>
      %dma_wait3A_336 = arith.constant 0 : i32
      %dma_wait3A_337 = arith.constant 0 : i32
      %dma_wait3A_338 = tpu.memref_slice %arg14[%dma_wait3A_336, %dma_wait3A_337] : memref<10112x64xf32, #tpu.memory_space<vmem_shared>> -> memref<10112x64xf32, #tpu.memory_space<vmem_shared>>
      tpu.wait_indirect_dma semaphore(%arg17 : memref<!tpu.dma_semaphore, #tpu.memory_space<semaphore_mem>>) src(%dma_wait3A_338 : memref<10112x64xf32, #tpu.memory_space<vmem_shared>>) dst(%arg11 : memref<128x64xf32, #tpu.memory_space<vmem>>)
      %dma_start3A_339 = arith.constant 1 : i32
      %dma_start3A_340 = arith.constant 0 : i32
      %dma_start3A_341 = tpu.memref_slice %arg7[%rem3A_299, %dma_start3A_339, %dma_start3A_340] : memref<2x2x128xi32, #tpu.memory_space<vmem>> -> memref<1x1x128xi32, #tpu.memory_space<vmem>>
      %dma_start3A_342 = tpu.memref_squeeze %dma_start3A_341 : memref<1x1x128xi32, #tpu.memory_space<vmem>> -> memref<128xi32, #tpu.memory_space<vmem>>
      %dma_start3A_343 = arith.constant 0 : i32
      %dma_start3A_344 = arith.constant 0 : i32
      %dma_start3A_345 = tpu.memref_slice %arg15[%dma_start3A_343, %dma_start3A_344] : memref<10112x64xf32, #tpu.memory_space<vmem_shared>> -> memref<10112x64xf32, #tpu.memory_space<vmem_shared>>
      tpu.enqueue_indirect_dma source(%arg11 : memref<128x64xf32, #tpu.memory_space<vmem>>) target(%dma_start3A_345 : memref<10112x64xf32, #tpu.memory_space<vmem_shared>>) offsets(%dma_start3A_342 : memref<128xi32, #tpu.memory_space<vmem>>) semaphore(%arg21 : memref<!tpu.dma_semaphore, #tpu.memory_space<semaphore_mem>>) {add = true}
      %dma_wait3A_346 = arith.constant 1 : i32
      %dma_wait3A_347 = arith.constant 0 : i32
      %dma_wait3A_348 = tpu.memref_slice %arg7[%rem3A_299, %dma_wait3A_346, %dma_wait3A_347] : memref<2x2x128xi32, #tpu.memory_space<vmem>> -> memref<1x1x128xi32, #tpu.memory_space<vmem>>
      %dma_wait3A_349 = tpu.memref_squeeze %dma_wait3A_348 : memref<1x1x128xi32, #tpu.memory_space<vmem>> -> memref<128xi32, #tpu.memory_space<vmem>>
      %dma_wait3A_350 = arith.constant 0 : i32
      %dma_wait3A_351 = arith.constant 0 : i32
      %dma_wait3A_352 = tpu.memref_slice %arg15[%dma_wait3A_350, %dma_wait3A_351] : memref<10112x64xf32, #tpu.memory_space<vmem_shared>> -> memref<10112x64xf32, #tpu.memory_space<vmem_shared>>
      tpu.wait_indirect_dma semaphore(%arg21 : memref<!tpu.dma_semaphore, #tpu.memory_space<semaphore_mem>>) src(%arg11 : memref<128x64xf32, #tpu.memory_space<vmem>>) dst(%dma_wait3A_352 : memref<10112x64xf32, #tpu.memory_space<vmem_shared>>)
      %lt3A_353 = arith.constant 39 : i32
      %lt3A_354 = arith.cmpi slt, %scan3A_298, %lt3A_353 : i32
      %convert_element_type3A_355 = arith.extui %lt3A_354 : i1 to i32
      %cond3A_356 = arith.constant 0 : i32
      %cond3A_357 = arith.cmpi ne, %convert_element_type3A_355, %cond3A_356 : i32
      scf.if %cond3A_357 {
        %add3A_418 = arith.constant 4 : i32
        %add3A_419 = arith.addi %add3A_331, %add3A_418 : i32
        %mul3A_420 = arith.constant 160 : i32
        %mul3A_421 = arith.muli %arg1, %mul3A_420 : i32
        %add3A_422 = arith.addi %mul3A_421, %add3A_419 : i32
        %dma_wait3A_423 = arith.constant 0 : i32
        %dma_wait3A_424 = arith.constant 0 : i32
        %dma_wait3A_425 = tpu.memref_slice %arg7[%sub3A_300, %dma_wait3A_423, %dma_wait3A_424] : memref<2x2x128xi32, #tpu.memory_space<vmem>> -> memref<1x2x128xi32, #tpu.memory_space<vmem>>
        %dma_wait3A_426 = tpu.memref_squeeze %dma_wait3A_425 : memref<1x2x128xi32, #tpu.memory_space<vmem>> -> memref<2x128xi32, #tpu.memory_space<vmem>>
        %dma_wait3A_427 = arith.constant 0 : i32
        %dma_wait3A_428 = arith.constant 0 : i32
        %dma_wait3A_429 = tpu.memref_slice %arg3[%add3A_422, %dma_wait3A_427, %dma_wait3A_428] : memref<2560x2x128xi32, #tpu.memory_space<hbm>> -> memref<1x2x128xi32, #tpu.memory_space<hbm>>
        %dma_wait3A_430 = tpu.memref_squeeze %dma_wait3A_429 : memref<1x2x128xi32, #tpu.memory_space<hbm>> -> memref<2x128xi32, #tpu.memory_space<hbm>>
        %dma_wait3A_431 = arith.constant 0 : i32
        %dma_wait3A_432 = arith.constant 0 : i32
        %dma_wait3A_433 = tpu.memref_slice %arg7[%sub3A_300, %dma_wait3A_431, %dma_wait3A_432] : memref<2x2x128xi32, #tpu.memory_space<vmem>> -> memref<1x2x128xi32, #tpu.memory_space<vmem>>
        %dma_wait3A_434 = tpu.memref_squeeze %dma_wait3A_433 : memref<1x2x128xi32, #tpu.memory_space<vmem>> -> memref<2x128xi32, #tpu.memory_space<vmem>>
        %dma_wait3A_435 = arith.constant 0 : i32
        %dma_wait3A_436 = arith.constant 0 : i32
        %dma_wait3A_437 = tpu.memref_slice %arg3[%add3A_422, %dma_wait3A_435, %dma_wait3A_436] : memref<2560x2x128xi32, #tpu.memory_space<hbm>> -> memref<1x2x128xi32, #tpu.memory_space<hbm>>
        %dma_wait3A_438 = tpu.memref_squeeze %dma_wait3A_437 : memref<1x2x128xi32, #tpu.memory_space<hbm>> -> memref<2x128xi32, #tpu.memory_space<hbm>>
        tpu.wait_dma2 semaphore(%arg25 : memref<!tpu.dma_semaphore, #tpu.memory_space<semaphore_mem>>) src(%dma_wait3A_438 : memref<2x128xi32, #tpu.memory_space<hbm>>) dst(%dma_wait3A_434 : memref<2x128xi32, #tpu.memory_space<vmem>>)
        %dma_start3A_439 = arith.constant 0 : i32
        %dma_start3A_440 = arith.constant 0 : i32
        %dma_start3A_441 = tpu.memref_slice %arg7[%sub3A_300, %dma_start3A_439, %dma_start3A_440] : memref<2x2x128xi32, #tpu.memory_space<vmem>> -> memref<1x1x128xi32, #tpu.memory_space<vmem>>
        %dma_start3A_442 = tpu.memref_squeeze %dma_start3A_441 : memref<1x1x128xi32, #tpu.memory_space<vmem>> -> memref<128xi32, #tpu.memory_space<vmem>>
        %dma_start3A_443 = arith.constant 0 : i32
        %dma_start3A_444 = arith.constant 0 : i32
        %dma_start3A_445 = tpu.memref_slice %arg14[%dma_start3A_443, %dma_start3A_444] : memref<10112x64xf32, #tpu.memory_space<vmem_shared>> -> memref<10112x64xf32, #tpu.memory_space<vmem_shared>>
        tpu.enqueue_indirect_dma source(%dma_start3A_445 : memref<10112x64xf32, #tpu.memory_space<vmem_shared>>) target(%arg11 : memref<128x64xf32, #tpu.memory_space<vmem>>) offsets(%dma_start3A_442 : memref<128xi32, #tpu.memory_space<vmem>>) semaphore(%arg17 : memref<!tpu.dma_semaphore, #tpu.memory_space<semaphore_mem>>)
        %lt3A_446 = arith.constant 38 : i32
        %lt3A_447 = arith.cmpi slt, %scan3A_298, %lt3A_446 : i32
        %convert_element_type3A_448 = arith.extui %lt3A_447 : i1 to i32
        %cond3A_449 = arith.constant 0 : i32
        %cond3A_450 = arith.cmpi ne, %convert_element_type3A_448, %cond3A_449 : i32
        scf.if %cond3A_450 {
          %add3A_451 = arith.constant 8 : i32
          %add3A_452 = arith.addi %add3A_331, %add3A_451 : i32
          %mul3A_453 = arith.constant 160 : i32
          %mul3A_454 = arith.muli %arg1, %mul3A_453 : i32
          %add3A_455 = arith.addi %mul3A_454, %add3A_452 : i32
          %dma_start3A_456 = arith.constant 0 : i32
          %dma_start3A_457 = arith.constant 0 : i32
          %dma_start3A_458 = tpu.memref_slice %arg7[%rem3A_299, %dma_start3A_456, %dma_start3A_457] : memref<2x2x128xi32, #tpu.memory_space<vmem>> -> memref<1x2x128xi32, #tpu.memory_space<vmem>>
          %dma_start3A_459 = tpu.memref_squeeze %dma_start3A_458 : memref<1x2x128xi32, #tpu.memory_space<vmem>> -> memref<2x128xi32, #tpu.memory_space<vmem>>
          %dma_start3A_460 = arith.constant 0 : i32
          %dma_start3A_461 = arith.constant 0 : i32
          %dma_start3A_462 = tpu.memref_slice %arg3[%add3A_455, %dma_start3A_460, %dma_start3A_461] : memref<2560x2x128xi32, #tpu.memory_space<hbm>> -> memref<1x2x128xi32, #tpu.memory_space<hbm>>
          %dma_start3A_463 = tpu.memref_squeeze %dma_start3A_462 : memref<1x2x128xi32, #tpu.memory_space<hbm>> -> memref<2x128xi32, #tpu.memory_space<hbm>>
          %dma_start3A_464 = arith.constant 0 : i32
          %dma_start3A_465 = arith.constant 0 : i32
          %dma_start3A_466 = tpu.memref_slice %arg7[%rem3A_299, %dma_start3A_464, %dma_start3A_465] : memref<2x2x128xi32, #tpu.memory_space<vmem>> -> memref<1x2x128xi32, #tpu.memory_space<vmem>>
          %dma_start3A_467 = tpu.memref_squeeze %dma_start3A_466 : memref<1x2x128xi32, #tpu.memory_space<vmem>> -> memref<2x128xi32, #tpu.memory_space<vmem>>
          %dma_start3A_468 = arith.constant 0 : i32
          %dma_start3A_469 = arith.constant 0 : i32
          %dma_start3A_470 = tpu.memref_slice %arg3[%add3A_455, %dma_start3A_468, %dma_start3A_469] : memref<2560x2x128xi32, #tpu.memory_space<hbm>> -> memref<1x2x128xi32, #tpu.memory_space<hbm>>
          %dma_start3A_471 = tpu.memref_squeeze %dma_start3A_470 : memref<1x2x128xi32, #tpu.memory_space<hbm>> -> memref<2x128xi32, #tpu.memory_space<hbm>>
          tpu.enqueue_dma source(%dma_start3A_471 : memref<2x128xi32, #tpu.memory_space<hbm>>) target(%dma_start3A_467 : memref<2x128xi32, #tpu.memory_space<vmem>>) target_semaphore(%arg25 : memref<!tpu.dma_semaphore, #tpu.memory_space<semaphore_mem>>)
        } else {
        }
      } else {
      }
      %mul3A_358 = arith.constant 4 : i32
      %mul3A_359 = arith.muli %scan3A_298, %mul3A_358 : i32
      %add3A_360 = arith.constant 2 : i32
      %add3A_361 = arith.addi %mul3A_359, %add3A_360 : i32
      %dma_wait3A_362 = arith.constant 0 : i32
      %dma_wait3A_363 = arith.constant 0 : i32
      %dma_wait3A_364 = tpu.memref_slice %arg8[%rem3A_299, %dma_wait3A_362, %dma_wait3A_363] : memref<2x2x128xi32, #tpu.memory_space<vmem>> -> memref<1x1x128xi32, #tpu.memory_space<vmem>>
      %dma_wait3A_365 = tpu.memref_squeeze %dma_wait3A_364 : memref<1x1x128xi32, #tpu.memory_space<vmem>> -> memref<128xi32, #tpu.memory_space<vmem>>
      %dma_wait3A_366 = arith.constant 0 : i32
      %dma_wait3A_367 = arith.constant 0 : i32
      %dma_wait3A_368 = tpu.memref_slice %arg14[%dma_wait3A_366, %dma_wait3A_367] : memref<10112x64xf32, #tpu.memory_space<vmem_shared>> -> memref<10112x64xf32, #tpu.memory_space<vmem_shared>>
      tpu.wait_indirect_dma semaphore(%arg18 : memref<!tpu.dma_semaphore, #tpu.memory_space<semaphore_mem>>) src(%dma_wait3A_368 : memref<10112x64xf32, #tpu.memory_space<vmem_shared>>) dst(%arg12 : memref<128x64xf32, #tpu.memory_space<vmem>>)
      %dma_start3A_369 = arith.constant 1 : i32
      %dma_start3A_370 = arith.constant 0 : i32
      %dma_start3A_371 = tpu.memref_slice %arg8[%rem3A_299, %dma_start3A_369, %dma_start3A_370] : memref<2x2x128xi32, #tpu.memory_space<vmem>> -> memref<1x1x128xi32, #tpu.memory_space<vmem>>
      %dma_start3A_372 = tpu.memref_squeeze %dma_start3A_371 : memref<1x1x128xi32, #tpu.memory_space<vmem>> -> memref<128xi32, #tpu.memory_space<vmem>>
      %dma_start3A_373 = arith.constant 0 : i32
      %dma_start3A_374 = arith.constant 0 : i32
      %dma_start3A_375 = tpu.memref_slice %arg15[%dma_start3A_373, %dma_start3A_374] : memref<10112x64xf32, #tpu.memory_space<vmem_shared>> -> memref<10112x64xf32, #tpu.memory_space<vmem_shared>>
      tpu.enqueue_indirect_dma source(%arg12 : memref<128x64xf32, #tpu.memory_space<vmem>>) target(%dma_start3A_375 : memref<10112x64xf32, #tpu.memory_space<vmem_shared>>) offsets(%dma_start3A_372 : memref<128xi32, #tpu.memory_space<vmem>>) semaphore(%arg22 : memref<!tpu.dma_semaphore, #tpu.memory_space<semaphore_mem>>) {add = true}
      %dma_wait3A_376 = arith.constant 1 : i32
      %dma_wait3A_377 = arith.constant 0 : i32
      %dma_wait3A_378 = tpu.memref_slice %arg8[%rem3A_299, %dma_wait3A_376, %dma_wait3A_377] : memref<2x2x128xi32, #tpu.memory_space<vmem>> -> memref<1x1x128xi32, #tpu.memory_space<vmem>>
      %dma_wait3A_379 = tpu.memref_squeeze %dma_wait3A_378 : memref<1x1x128xi32, #tpu.memory_space<vmem>> -> memref<128xi32, #tpu.memory_space<vmem>>
      %dma_wait3A_380 = arith.constant 0 : i32
      %dma_wait3A_381 = arith.constant 0 : i32
      %dma_wait3A_382 = tpu.memref_slice %arg15[%dma_wait3A_380, %dma_wait3A_381] : memref<10112x64xf32, #tpu.memory_space<vmem_shared>> -> memref<10112x64xf32, #tpu.memory_space<vmem_shared>>
      tpu.wait_indirect_dma semaphore(%arg22 : memref<!tpu.dma_semaphore, #tpu.memory_space<semaphore_mem>>) src(%arg12 : memref<128x64xf32, #tpu.memory_space<vmem>>) dst(%dma_wait3A_382 : memref<10112x64xf32, #tpu.memory_space<vmem_shared>>)
      %lt3A_383 = arith.constant 39 : i32
      %lt3A_384 = arith.cmpi slt, %scan3A_298, %lt3A_383 : i32
      %convert_element_type3A_385 = arith.extui %lt3A_384 : i1 to i32
      %cond3A_386 = arith.constant 0 : i32
      %cond3A_387 = arith.cmpi ne, %convert_element_type3A_385, %cond3A_386 : i32
      scf.if %cond3A_387 {
        %add3A_418 = arith.constant 4 : i32
        %add3A_419 = arith.addi %add3A_361, %add3A_418 : i32
        %mul3A_420 = arith.constant 160 : i32
        %mul3A_421 = arith.muli %arg1, %mul3A_420 : i32
        %add3A_422 = arith.addi %mul3A_421, %add3A_419 : i32
        %dma_wait3A_423 = arith.constant 0 : i32
        %dma_wait3A_424 = arith.constant 0 : i32
        %dma_wait3A_425 = tpu.memref_slice %arg8[%sub3A_300, %dma_wait3A_423, %dma_wait3A_424] : memref<2x2x128xi32, #tpu.memory_space<vmem>> -> memref<1x2x128xi32, #tpu.memory_space<vmem>>
        %dma_wait3A_426 = tpu.memref_squeeze %dma_wait3A_425 : memref<1x2x128xi32, #tpu.memory_space<vmem>> -> memref<2x128xi32, #tpu.memory_space<vmem>>
        %dma_wait3A_427 = arith.constant 0 : i32
        %dma_wait3A_428 = arith.constant 0 : i32
        %dma_wait3A_429 = tpu.memref_slice %arg3[%add3A_422, %dma_wait3A_427, %dma_wait3A_428] : memref<2560x2x128xi32, #tpu.memory_space<hbm>> -> memref<1x2x128xi32, #tpu.memory_space<hbm>>
        %dma_wait3A_430 = tpu.memref_squeeze %dma_wait3A_429 : memref<1x2x128xi32, #tpu.memory_space<hbm>> -> memref<2x128xi32, #tpu.memory_space<hbm>>
        %dma_wait3A_431 = arith.constant 0 : i32
        %dma_wait3A_432 = arith.constant 0 : i32
        %dma_wait3A_433 = tpu.memref_slice %arg8[%sub3A_300, %dma_wait3A_431, %dma_wait3A_432] : memref<2x2x128xi32, #tpu.memory_space<vmem>> -> memref<1x2x128xi32, #tpu.memory_space<vmem>>
        %dma_wait3A_434 = tpu.memref_squeeze %dma_wait3A_433 : memref<1x2x128xi32, #tpu.memory_space<vmem>> -> memref<2x128xi32, #tpu.memory_space<vmem>>
        %dma_wait3A_435 = arith.constant 0 : i32
        %dma_wait3A_436 = arith.constant 0 : i32
        %dma_wait3A_437 = tpu.memref_slice %arg3[%add3A_422, %dma_wait3A_435, %dma_wait3A_436] : memref<2560x2x128xi32, #tpu.memory_space<hbm>> -> memref<1x2x128xi32, #tpu.memory_space<hbm>>
        %dma_wait3A_438 = tpu.memref_squeeze %dma_wait3A_437 : memref<1x2x128xi32, #tpu.memory_space<hbm>> -> memref<2x128xi32, #tpu.memory_space<hbm>>
        tpu.wait_dma2 semaphore(%arg26 : memref<!tpu.dma_semaphore, #tpu.memory_space<semaphore_mem>>) src(%dma_wait3A_438 : memref<2x128xi32, #tpu.memory_space<hbm>>) dst(%dma_wait3A_434 : memref<2x128xi32, #tpu.memory_space<vmem>>)
        %dma_start3A_439 = arith.constant 0 : i32
        %dma_start3A_440 = arith.constant 0 : i32
        %dma_start3A_441 = tpu.memref_slice %arg8[%sub3A_300, %dma_start3A_439, %dma_start3A_440] : memref<2x2x128xi32, #tpu.memory_space<vmem>> -> memref<1x1x128xi32, #tpu.memory_space<vmem>>
        %dma_start3A_442 = tpu.memref_squeeze %dma_start3A_441 : memref<1x1x128xi32, #tpu.memory_space<vmem>> -> memref<128xi32, #tpu.memory_space<vmem>>
        %dma_start3A_443 = arith.constant 0 : i32
        %dma_start3A_444 = arith.constant 0 : i32
        %dma_start3A_445 = tpu.memref_slice %arg14[%dma_start3A_443, %dma_start3A_444] : memref<10112x64xf32, #tpu.memory_space<vmem_shared>> -> memref<10112x64xf32, #tpu.memory_space<vmem_shared>>
        tpu.enqueue_indirect_dma source(%dma_start3A_445 : memref<10112x64xf32, #tpu.memory_space<vmem_shared>>) target(%arg12 : memref<128x64xf32, #tpu.memory_space<vmem>>) offsets(%dma_start3A_442 : memref<128xi32, #tpu.memory_space<vmem>>) semaphore(%arg18 : memref<!tpu.dma_semaphore, #tpu.memory_space<semaphore_mem>>)
        %lt3A_446 = arith.constant 38 : i32
        %lt3A_447 = arith.cmpi slt, %scan3A_298, %lt3A_446 : i32
        %convert_element_type3A_448 = arith.extui %lt3A_447 : i1 to i32
        %cond3A_449 = arith.constant 0 : i32
        %cond3A_450 = arith.cmpi ne, %convert_element_type3A_448, %cond3A_449 : i32
        scf.if %cond3A_450 {
          %add3A_451 = arith.constant 8 : i32
          %add3A_452 = arith.addi %add3A_361, %add3A_451 : i32
          %mul3A_453 = arith.constant 160 : i32
          %mul3A_454 = arith.muli %arg1, %mul3A_453 : i32
          %add3A_455 = arith.addi %mul3A_454, %add3A_452 : i32
          %dma_start3A_456 = arith.constant 0 : i32
          %dma_start3A_457 = arith.constant 0 : i32
          %dma_start3A_458 = tpu.memref_slice %arg8[%rem3A_299, %dma_start3A_456, %dma_start3A_457] : memref<2x2x128xi32, #tpu.memory_space<vmem>> -> memref<1x2x128xi32, #tpu.memory_space<vmem>>
          %dma_start3A_459 = tpu.memref_squeeze %dma_start3A_458 : memref<1x2x128xi32, #tpu.memory_space<vmem>> -> memref<2x128xi32, #tpu.memory_space<vmem>>
          %dma_start3A_460 = arith.constant 0 : i32
          %dma_start3A_461 = arith.constant 0 : i32
          %dma_start3A_462 = tpu.memref_slice %arg3[%add3A_455, %dma_start3A_460, %dma_start3A_461] : memref<2560x2x128xi32, #tpu.memory_space<hbm>> -> memref<1x2x128xi32, #tpu.memory_space<hbm>>
          %dma_start3A_463 = tpu.memref_squeeze %dma_start3A_462 : memref<1x2x128xi32, #tpu.memory_space<hbm>> -> memref<2x128xi32, #tpu.memory_space<hbm>>
          %dma_start3A_464 = arith.constant 0 : i32
          %dma_start3A_465 = arith.constant 0 : i32
          %dma_start3A_466 = tpu.memref_slice %arg8[%rem3A_299, %dma_start3A_464, %dma_start3A_465] : memref<2x2x128xi32, #tpu.memory_space<vmem>> -> memref<1x2x128xi32, #tpu.memory_space<vmem>>
          %dma_start3A_467 = tpu.memref_squeeze %dma_start3A_466 : memref<1x2x128xi32, #tpu.memory_space<vmem>> -> memref<2x128xi32, #tpu.memory_space<vmem>>
          %dma_start3A_468 = arith.constant 0 : i32
          %dma_start3A_469 = arith.constant 0 : i32
          %dma_start3A_470 = tpu.memref_slice %arg3[%add3A_455, %dma_start3A_468, %dma_start3A_469] : memref<2560x2x128xi32, #tpu.memory_space<hbm>> -> memref<1x2x128xi32, #tpu.memory_space<hbm>>
          %dma_start3A_471 = tpu.memref_squeeze %dma_start3A_470 : memref<1x2x128xi32, #tpu.memory_space<hbm>> -> memref<2x128xi32, #tpu.memory_space<hbm>>
          tpu.enqueue_dma source(%dma_start3A_471 : memref<2x128xi32, #tpu.memory_space<hbm>>) target(%dma_start3A_467 : memref<2x128xi32, #tpu.memory_space<vmem>>) target_semaphore(%arg26 : memref<!tpu.dma_semaphore, #tpu.memory_space<semaphore_mem>>)
        } else {
        }
      } else {
      }
      %mul3A_388 = arith.constant 4 : i32
      %mul3A_389 = arith.muli %scan3A_298, %mul3A_388 : i32
      %add3A_390 = arith.constant 3 : i32
      %add3A_391 = arith.addi %mul3A_389, %add3A_390 : i32
      %dma_wait3A_392 = arith.constant 0 : i32
      %dma_wait3A_393 = arith.constant 0 : i32
      %dma_wait3A_394 = tpu.memref_slice %arg9[%rem3A_299, %dma_wait3A_392, %dma_wait3A_393] : memref<2x2x128xi32, #tpu.memory_space<vmem>> -> memref<1x1x128xi32, #tpu.memory_space<vmem>>
      %dma_wait3A_395 = tpu.memref_squeeze %dma_wait3A_394 : memref<1x1x128xi32, #tpu.memory_space<vmem>> -> memref<128xi32, #tpu.memory_space<vmem>>
      %dma_wait3A_396 = arith.constant 0 : i32
      %dma_wait3A_397 = arith.constant 0 : i32
      %dma_wait3A_398 = tpu.memref_slice %arg14[%dma_wait3A_396, %dma_wait3A_397] : memref<10112x64xf32, #tpu.memory_space<vmem_shared>> -> memref<10112x64xf32, #tpu.memory_space<vmem_shared>>
      tpu.wait_indirect_dma semaphore(%arg19 : memref<!tpu.dma_semaphore, #tpu.memory_space<semaphore_mem>>) src(%dma_wait3A_398 : memref<10112x64xf32, #tpu.memory_space<vmem_shared>>) dst(%arg13 : memref<128x64xf32, #tpu.memory_space<vmem>>)
      %dma_start3A_399 = arith.constant 1 : i32
      %dma_start3A_400 = arith.constant 0 : i32
      %dma_start3A_401 = tpu.memref_slice %arg9[%rem3A_299, %dma_start3A_399, %dma_start3A_400] : memref<2x2x128xi32, #tpu.memory_space<vmem>> -> memref<1x1x128xi32, #tpu.memory_space<vmem>>
      %dma_start3A_402 = tpu.memref_squeeze %dma_start3A_401 : memref<1x1x128xi32, #tpu.memory_space<vmem>> -> memref<128xi32, #tpu.memory_space<vmem>>
      %dma_start3A_403 = arith.constant 0 : i32
      %dma_start3A_404 = arith.constant 0 : i32
      %dma_start3A_405 = tpu.memref_slice %arg15[%dma_start3A_403, %dma_start3A_404] : memref<10112x64xf32, #tpu.memory_space<vmem_shared>> -> memref<10112x64xf32, #tpu.memory_space<vmem_shared>>
      tpu.enqueue_indirect_dma source(%arg13 : memref<128x64xf32, #tpu.memory_space<vmem>>) target(%dma_start3A_405 : memref<10112x64xf32, #tpu.memory_space<vmem_shared>>) offsets(%dma_start3A_402 : memref<128xi32, #tpu.memory_space<vmem>>) semaphore(%arg23 : memref<!tpu.dma_semaphore, #tpu.memory_space<semaphore_mem>>) {add = true}
      %dma_wait3A_406 = arith.constant 1 : i32
      %dma_wait3A_407 = arith.constant 0 : i32
      %dma_wait3A_408 = tpu.memref_slice %arg9[%rem3A_299, %dma_wait3A_406, %dma_wait3A_407] : memref<2x2x128xi32, #tpu.memory_space<vmem>> -> memref<1x1x128xi32, #tpu.memory_space<vmem>>
      %dma_wait3A_409 = tpu.memref_squeeze %dma_wait3A_408 : memref<1x1x128xi32, #tpu.memory_space<vmem>> -> memref<128xi32, #tpu.memory_space<vmem>>
      %dma_wait3A_410 = arith.constant 0 : i32
      %dma_wait3A_411 = arith.constant 0 : i32
      %dma_wait3A_412 = tpu.memref_slice %arg15[%dma_wait3A_410, %dma_wait3A_411] : memref<10112x64xf32, #tpu.memory_space<vmem_shared>> -> memref<10112x64xf32, #tpu.memory_space<vmem_shared>>
      tpu.wait_indirect_dma semaphore(%arg23 : memref<!tpu.dma_semaphore, #tpu.memory_space<semaphore_mem>>) src(%arg13 : memref<128x64xf32, #tpu.memory_space<vmem>>) dst(%dma_wait3A_412 : memref<10112x64xf32, #tpu.memory_space<vmem_shared>>)
      %lt3A_413 = arith.constant 39 : i32
      %lt3A_414 = arith.cmpi slt, %scan3A_298, %lt3A_413 : i32
      %convert_element_type3A_415 = arith.extui %lt3A_414 : i1 to i32
      %cond3A_416 = arith.constant 0 : i32
      %cond3A_417 = arith.cmpi ne, %convert_element_type3A_415, %cond3A_416 : i32
      scf.if %cond3A_417 {
        %add3A_418 = arith.constant 4 : i32
        %add3A_419 = arith.addi %add3A_391, %add3A_418 : i32
        %mul3A_420 = arith.constant 160 : i32
        %mul3A_421 = arith.muli %arg1, %mul3A_420 : i32
        %add3A_422 = arith.addi %mul3A_421, %add3A_419 : i32
        %dma_wait3A_423 = arith.constant 0 : i32
        %dma_wait3A_424 = arith.constant 0 : i32
        %dma_wait3A_425 = tpu.memref_slice %arg9[%sub3A_300, %dma_wait3A_423, %dma_wait3A_424] : memref<2x2x128xi32, #tpu.memory_space<vmem>> -> memref<1x2x128xi32, #tpu.memory_space<vmem>>
        %dma_wait3A_426 = tpu.memref_squeeze %dma_wait3A_425 : memref<1x2x128xi32, #tpu.memory_space<vmem>> -> memref<2x128xi32, #tpu.memory_space<vmem>>
        %dma_wait3A_427 = arith.constant 0 : i32
        %dma_wait3A_428 = arith.constant 0 : i32
        %dma_wait3A_429 = tpu.memref_slice %arg3[%add3A_422, %dma_wait3A_427, %dma_wait3A_428] : memref<2560x2x128xi32, #tpu.memory_space<hbm>> -> memref<1x2x128xi32, #tpu.memory_space<hbm>>
        %dma_wait3A_430 = tpu.memref_squeeze %dma_wait3A_429 : memref<1x2x128xi32, #tpu.memory_space<hbm>> -> memref<2x128xi32, #tpu.memory_space<hbm>>
        %dma_wait3A_431 = arith.constant 0 : i32
        %dma_wait3A_432 = arith.constant 0 : i32
        %dma_wait3A_433 = tpu.memref_slice %arg9[%sub3A_300, %dma_wait3A_431, %dma_wait3A_432] : memref<2x2x128xi32, #tpu.memory_space<vmem>> -> memref<1x2x128xi32, #tpu.memory_space<vmem>>
        %dma_wait3A_434 = tpu.memref_squeeze %dma_wait3A_433 : memref<1x2x128xi32, #tpu.memory_space<vmem>> -> memref<2x128xi32, #tpu.memory_space<vmem>>
        %dma_wait3A_435 = arith.constant 0 : i32
        %dma_wait3A_436 = arith.constant 0 : i32
        %dma_wait3A_437 = tpu.memref_slice %arg3[%add3A_422, %dma_wait3A_435, %dma_wait3A_436] : memref<2560x2x128xi32, #tpu.memory_space<hbm>> -> memref<1x2x128xi32, #tpu.memory_space<hbm>>
        %dma_wait3A_438 = tpu.memref_squeeze %dma_wait3A_437 : memref<1x2x128xi32, #tpu.memory_space<hbm>> -> memref<2x128xi32, #tpu.memory_space<hbm>>
        tpu.wait_dma2 semaphore(%arg27 : memref<!tpu.dma_semaphore, #tpu.memory_space<semaphore_mem>>) src(%dma_wait3A_438 : memref<2x128xi32, #tpu.memory_space<hbm>>) dst(%dma_wait3A_434 : memref<2x128xi32, #tpu.memory_space<vmem>>)
        %dma_start3A_439 = arith.constant 0 : i32
        %dma_start3A_440 = arith.constant 0 : i32
        %dma_start3A_441 = tpu.memref_slice %arg9[%sub3A_300, %dma_start3A_439, %dma_start3A_440] : memref<2x2x128xi32, #tpu.memory_space<vmem>> -> memref<1x1x128xi32, #tpu.memory_space<vmem>>
        %dma_start3A_442 = tpu.memref_squeeze %dma_start3A_441 : memref<1x1x128xi32, #tpu.memory_space<vmem>> -> memref<128xi32, #tpu.memory_space<vmem>>
        %dma_start3A_443 = arith.constant 0 : i32
        %dma_start3A_444 = arith.constant 0 : i32
        %dma_start3A_445 = tpu.memref_slice %arg14[%dma_start3A_443, %dma_start3A_444] : memref<10112x64xf32, #tpu.memory_space<vmem_shared>> -> memref<10112x64xf32, #tpu.memory_space<vmem_shared>>
        tpu.enqueue_indirect_dma source(%dma_start3A_445 : memref<10112x64xf32, #tpu.memory_space<vmem_shared>>) target(%arg13 : memref<128x64xf32, #tpu.memory_space<vmem>>) offsets(%dma_start3A_442 : memref<128xi32, #tpu.memory_space<vmem>>) semaphore(%arg19 : memref<!tpu.dma_semaphore, #tpu.memory_space<semaphore_mem>>)
        %lt3A_446 = arith.constant 38 : i32
        %lt3A_447 = arith.cmpi slt, %scan3A_298, %lt3A_446 : i32
        %convert_element_type3A_448 = arith.extui %lt3A_447 : i1 to i32
        %cond3A_449 = arith.constant 0 : i32
        %cond3A_450 = arith.cmpi ne, %convert_element_type3A_448, %cond3A_449 : i32
        scf.if %cond3A_450 {
          %add3A_451 = arith.constant 8 : i32
          %add3A_452 = arith.addi %add3A_391, %add3A_451 : i32
          %mul3A_453 = arith.constant 160 : i32
          %mul3A_454 = arith.muli %arg1, %mul3A_453 : i32
          %add3A_455 = arith.addi %mul3A_454, %add3A_452 : i32
          %dma_start3A_456 = arith.constant 0 : i32
          %dma_start3A_457 = arith.constant 0 : i32
          %dma_start3A_458 = tpu.memref_slice %arg9[%rem3A_299, %dma_start3A_456, %dma_start3A_457] : memref<2x2x128xi32, #tpu.memory_space<vmem>> -> memref<1x2x128xi32, #tpu.memory_space<vmem>>
          %dma_start3A_459 = tpu.memref_squeeze %dma_start3A_458 : memref<1x2x128xi32, #tpu.memory_space<vmem>> -> memref<2x128xi32, #tpu.memory_space<vmem>>
          %dma_start3A_460 = arith.constant 0 : i32
          %dma_start3A_461 = arith.constant 0 : i32
          %dma_start3A_462 = tpu.memref_slice %arg3[%add3A_455, %dma_start3A_460, %dma_start3A_461] : memref<2560x2x128xi32, #tpu.memory_space<hbm>> -> memref<1x2x128xi32, #tpu.memory_space<hbm>>
          %dma_start3A_463 = tpu.memref_squeeze %dma_start3A_462 : memref<1x2x128xi32, #tpu.memory_space<hbm>> -> memref<2x128xi32, #tpu.memory_space<hbm>>
          %dma_start3A_464 = arith.constant 0 : i32
          %dma_start3A_465 = arith.constant 0 : i32
          %dma_start3A_466 = tpu.memref_slice %arg9[%rem3A_299, %dma_start3A_464, %dma_start3A_465] : memref<2x2x128xi32, #tpu.memory_space<vmem>> -> memref<1x2x128xi32, #tpu.memory_space<vmem>>
          %dma_start3A_467 = tpu.memref_squeeze %dma_start3A_466 : memref<1x2x128xi32, #tpu.memory_space<vmem>> -> memref<2x128xi32, #tpu.memory_space<vmem>>
          %dma_start3A_468 = arith.constant 0 : i32
          %dma_start3A_469 = arith.constant 0 : i32
          %dma_start3A_470 = tpu.memref_slice %arg3[%add3A_455, %dma_start3A_468, %dma_start3A_469] : memref<2560x2x128xi32, #tpu.memory_space<hbm>> -> memref<1x2x128xi32, #tpu.memory_space<hbm>>
          %dma_start3A_471 = tpu.memref_squeeze %dma_start3A_470 : memref<1x2x128xi32, #tpu.memory_space<hbm>> -> memref<2x128xi32, #tpu.memory_space<hbm>>
          tpu.enqueue_dma source(%dma_start3A_471 : memref<2x128xi32, #tpu.memory_space<hbm>>) target(%dma_start3A_467 : memref<2x128xi32, #tpu.memory_space<vmem>>) target_semaphore(%arg27 : memref<!tpu.dma_semaphore, #tpu.memory_space<semaphore_mem>>)
        } else {
        }
      } else {
      }
    }
    %scan3A_293 = arith.constant 40 : i32
    %barrier3A_294 = arith.constant 0 : index
    tpu.barrier barrier_id(%barrier3A_294)
    %mul3A_295 = arith.constant 10112 : i32
    %mul3A_296 = arith.muli %arg0, %mul3A_295 : i32
    %add3A_297 = arith.addi %mul3A_296, %mul3A_0 : i32
    "tpu.region"() ({
      %run_scoped3A = tpu.sem_alloc : memref<!tpu.dma_semaphore, #tpu.memory_space<semaphore_mem>>
      %dma_start3A_298 = arith.constant 0 : i32
      %dma_start3A_299 = tpu.memref_slice %arg5[%add3A_297, %dma_start3A_298] : memref<20224x64xf32, #tpu.memory_space<hbm>> -> memref<632x64xf32, #tpu.memory_space<hbm>>
      %dma_start3A_300 = arith.constant 0 : i32
      %dma_start3A_301 = tpu.memref_slice %arg15[%mul3A_0, %dma_start3A_300] : memref<10112x64xf32, #tpu.memory_space<vmem_shared>> -> memref<632x64xf32, #tpu.memory_space<vmem_shared>>
      tpu.enqueue_dma source(%dma_start3A_301 : memref<632x64xf32, #tpu.memory_space<vmem_shared>>) target(%dma_start3A_299 : memref<632x64xf32, #tpu.memory_space<hbm>>) target_semaphore(%run_scoped3A : memref<!tpu.dma_semaphore, #tpu.memory_space<semaphore_mem>>)
      %dma_wait3A_302 = arith.constant 0 : i32
      %dma_wait3A_303 = tpu.memref_slice %arg5[%add3A_297, %dma_wait3A_302] : memref<20224x64xf32, #tpu.memory_space<hbm>> -> memref<632x64xf32, #tpu.memory_space<hbm>>
      %dma_wait3A_304 = arith.constant 0 : i32
      %dma_wait3A_305 = tpu.memref_slice %arg15[%mul3A_0, %dma_wait3A_304] : memref<10112x64xf32, #tpu.memory_space<vmem_shared>> -> memref<632x64xf32, #tpu.memory_space<vmem_shared>>
      tpu.wait_dma2 semaphore(%run_scoped3A : memref<!tpu.dma_semaphore, #tpu.memory_space<semaphore_mem>>) src(%dma_wait3A_305 : memref<632x64xf32, #tpu.memory_space<vmem_shared>>) dst(%dma_wait3A_303 : memref<632x64xf32, #tpu.memory_space<hbm>>)
      tpu.yield
    }) : () -> ()
    return
  }
}

module attributes {stable_mosaic.version = 14 : i64} {
  func.func @_proj_body(%arg0: i32, %arg1: i32, %arg2: memref<1264x128xf32, #tpu.memory_space<vmem>>, %arg3: memref<64x128xf32, #tpu.memory_space<vmem>>, %arg4: memref<1264x64xf32, #tpu.memory_space<vmem>>) attributes {dimension_semantics = [#tpu.dimension_semantics<arbitrary>, #tpu.dimension_semantics<arbitrary>], iteration_bounds = array<i64: 2, 8>, scalar_prefetch = 0 : i64, scratch_operands = 0 : i64, tpu.core_type = #tpu.core_type<tc>, window_params = [{transform_indices = @transform_0, window_bounds = array<i64: 1264, 128>}, {transform_indices = @transform_1, window_bounds = array<i64: 64, 128>}, {transform_indices = @transform_2, window_bounds = array<i64: 1264, 64>}]} {
    %get3A = arith.constant 0 : index
    %get3A_0 = arith.constant 0 : index
    %get3A_1 = vector.load %arg2[%get3A, %get3A_0] : memref<1264x128xf32, #tpu.memory_space<vmem>>, vector<1264x128xf32>
    %get3A_2 = arith.constant 0 : index
    %get3A_3 = arith.constant 0 : index
    %get3A_4 = vector.load %arg3[%get3A_2, %get3A_3] : memref<64x128xf32, #tpu.memory_space<vmem>>, vector<64x128xf32>
    %dot_general3A = arith.constant dense<0.000000e+00> : vector<1264x64xf32>
    %dot_general3A_5 = tpu.matmul %get3A_1, %get3A_4, %dot_general3A {dimension_numbers = #tpu.dot_dimension_numbers<[1], [1], [0], [0], [0, 0, 1, 0], [], []>, transpose_lhs_hint = false} : vector<1264x128xf32>, vector<64x128xf32>, vector<1264x64xf32> -> vector<1264x64xf32>
    %swap3A = arith.constant 0 : index
    %swap3A_6 = arith.constant 0 : index
    %swap3A_7 = vector.load %arg4[%swap3A, %swap3A_6] : memref<1264x64xf32, #tpu.memory_space<vmem>>, vector<1264x64xf32>
    tpu.vector_store %arg4[%swap3A, %swap3A_6], %dot_general3A_5 {strides = array<i32>} : memref<1264x64xf32, #tpu.memory_space<vmem>>, vector<1264x64xf32>,
    return
  }
  func.func @transform_0(%arg0: i32, %arg1: i32) -> (i32, i32) {
    %c0_i32 = arith.constant 0 : i32
    %c0_i32_0 = arith.constant 0 : i32
    return %arg1, %c0_i32 : i32, i32
  }
  func.func @transform_1(%arg0: i32, %arg1: i32) -> (i32, i32) {
    %c0_i32 = arith.constant 0 : i32
    %c0_i32_0 = arith.constant 0 : i32
    return %arg0, %c0_i32 : i32, i32
  }
  func.func @transform_2(%arg0: i32, %arg1: i32) -> (i32, i32) {
    %mul3A = arith.constant 8 : i32
    %mul3A_0 = arith.muli %arg0, %mul3A : i32
    %add3A = arith.addi %mul3A_0, %arg1 : i32
    %c0_i32 = arith.constant 0 : i32
    %c0_i32_1 = arith.constant 0 : i32
    return %add3A, %c0_i32 : i32, i32
  }
}

module attributes {stable_mosaic.version = 14 : i64} {
  func.func @_mid_body(%arg0: i32, %arg1: i32, %arg2: memref<1264x64xf32, #tpu.memory_space<vmem>>, %arg3: memref<1264x64xf32, #tpu.memory_space<vmem>>, %arg4: memref<1264x64xf32, #tpu.memory_space<vmem>>, %arg5: memref<1264x64xf32, #tpu.memory_space<vmem>>, %arg6: memref<8x128xf32, #tpu.memory_space<vmem>>, %arg7: memref<64x128xf32, #tpu.memory_space<vmem>>, %arg8: memref<1264x64xf32, #tpu.memory_space<vmem>>) attributes {dimension_semantics = [#tpu.dimension_semantics<arbitrary>, #tpu.dimension_semantics<arbitrary>], iteration_bounds = array<i64: 2, 8>, scalar_prefetch = 0 : i64, scratch_operands = 0 : i64, tpu.core_type = #tpu.core_type<tc>, window_params = [{transform_indices = @transform_0, window_bounds = array<i64: 1264, 64>}, {transform_indices = @transform_1, window_bounds = array<i64: 1264, 64>}, {transform_indices = @transform_2, window_bounds = array<i64: 1264, 64>}, {transform_indices = @transform_3, window_bounds = array<i64: 1264, 64>}, {pipeline_mode = #tpu.pipeline_mode<synchronous>, transform_indices = @transform_4, window_bounds = array<i64: 8, 128>}, {transform_indices = @transform_5, window_bounds = array<i64: 64, 128>}, {transform_indices = @transform_6, window_bounds = array<i64: 1264, 64>}]} {
    %get3A = arith.constant 0 : index
    %get3A_0 = arith.constant 0 : index
    %get3A_1 = vector.load %arg2[%get3A, %get3A_0] : memref<1264x64xf32, #tpu.memory_space<vmem>>, vector<1264x64xf32>
    %get3A_2 = arith.constant 0 : index
    %get3A_3 = arith.constant 0 : index
    %get3A_4 = vector.load %arg3[%get3A_2, %get3A_3] : memref<1264x64xf32, #tpu.memory_space<vmem>>, vector<1264x64xf32>
    %concatenate3A = tpu.concatenate %get3A_1, %get3A_4 in 1 : vector<1264x64xf32>, vector<1264x64xf32> -> vector<1264x128xf32>
    %get3A_5 = arith.constant 0 : index
    %get3A_6 = arith.constant 0 : index
    %get3A_7 = vector.load %arg4[%get3A_5, %get3A_6] : memref<1264x64xf32, #tpu.memory_space<vmem>>, vector<1264x64xf32>
    %get3A_8 = arith.constant 0 : index
    %get3A_9 = arith.constant 0 : index
    %get3A_10 = vector.load %arg5[%get3A_8, %get3A_9] : memref<1264x64xf32, #tpu.memory_space<vmem>>, vector<1264x64xf32>
    %concatenate3A_11 = tpu.concatenate %get3A_7, %get3A_10 in 1 : vector<1264x64xf32>, vector<1264x64xf32> -> vector<1264x128xf32>
    %add3A = arith.addf %concatenate3A, %concatenate3A_11 : vector<1264x128xf32>
    %get3A_12 = arith.constant 0 : index
    %get3A_13 = arith.constant 0 : index
    %get3A_14 = vector.load %arg6[%get3A_12, %get3A_13] : memref<8x128xf32, #tpu.memory_space<vmem>>, vector<1x128xf32>
    %add3A_15 = vector.broadcast %get3A_14 : vector<1x128xf32> to vector<1264x128xf32>
    %add3A_16 = arith.addf %add3A, %add3A_15 : vector<1264x128xf32>
    %get3A_17 = arith.constant 1 : index
    %get3A_18 = arith.constant 0 : index
    %get3A_19 = vector.load %arg6[%get3A_17, %get3A_18] : memref<8x128xf32, #tpu.memory_space<vmem>>, vector<1x128xf32>
    %mul3A = vector.broadcast %get3A_19 : vector<1x128xf32> to vector<1264x128xf32>
    %mul3A_20 = arith.mulf %add3A_16, %mul3A : vector<1264x128xf32>
    %get3A_21 = arith.constant 2 : index
    %get3A_22 = arith.constant 0 : index
    %get3A_23 = vector.load %arg6[%get3A_21, %get3A_22] : memref<8x128xf32, #tpu.memory_space<vmem>>, vector<1x128xf32>
    %add3A_24 = vector.broadcast %get3A_23 : vector<1x128xf32> to vector<1264x128xf32>
    %add3A_25 = arith.addf %mul3A_20, %add3A_24 : vector<1264x128xf32>
    %max3A = arith.constant 0.000000e+00 : f32
    %max3A_26 = vector.broadcast %max3A : f32 to vector<1264x128xf32>
    %max3A_27 = arith.maximumf %add3A_25, %max3A_26 : vector<1264x128xf32>
    %get3A_28 = arith.constant 0 : index
    %get3A_29 = arith.constant 0 : index
    %get3A_30 = vector.load %arg7[%get3A_28, %get3A_29] : memref<64x128xf32, #tpu.memory_space<vmem>>, vector<64x128xf32>
    %dot_general3A = arith.constant dense<0.000000e+00> : vector<1264x64xf32>
    %dot_general3A_31 = tpu.matmul %max3A_27, %get3A_30, %dot_general3A {dimension_numbers = #tpu.dot_dimension_numbers<[1], [1], [0], [0], [0, 0, 1, 0], [], []>, transpose_lhs_hint = false} : vector<1264x128xf32>, vector<64x128xf32>, vector<1264x64xf32> -> vector<1264x64xf32>
    %swap3A = arith.constant 0 : index
    %swap3A_32 = arith.constant 0 : index
    %swap3A_33 = vector.load %arg8[%swap3A, %swap3A_32] : memref<1264x64xf32, #tpu.memory_space<vmem>>, vector<1264x64xf32>
    tpu.vector_store %arg8[%swap3A, %swap3A_32], %dot_general3A_31 {strides = array<i32>} : memref<1264x64xf32, #tpu.memory_space<vmem>>, vector<1264x64xf32>,
    return
  }
  func.func @transform_0(%arg0: i32, %arg1: i32) -> (i32, i32) {
    %c0_i32 = arith.constant 0 : i32
    %c0_i32_0 = arith.constant 0 : i32
    return %arg1, %c0_i32 : i32, i32
  }
  func.func @transform_1(%arg0: i32, %arg1: i32) -> (i32, i32) {
    %add3A = arith.constant 8 : i32
    %add3A_0 = arith.addi %add3A, %arg1 : i32
    %c0_i32 = arith.constant 0 : i32
    %c0_i32_1 = arith.constant 0 : i32
    return %add3A_0, %c0_i32 : i32, i32
  }
  func.func @transform_2(%arg0: i32, %arg1: i32) -> (i32, i32) {
    %c0_i32 = arith.constant 0 : i32
    %c0_i32_0 = arith.constant 0 : i32
    return %arg1, %c0_i32 : i32, i32
  }
  func.func @transform_3(%arg0: i32, %arg1: i32) -> (i32, i32) {
    %add3A = arith.constant 8 : i32
    %add3A_0 = arith.addi %add3A, %arg1 : i32
    %c0_i32 = arith.constant 0 : i32
    %c0_i32_1 = arith.constant 0 : i32
    return %add3A_0, %c0_i32 : i32, i32
  }
  func.func @transform_4(%arg0: i32, %arg1: i32) -> (i32, i32) {
    %c0_i32 = arith.constant 0 : i32
    %c0_i32_0 = arith.constant 0 : i32
    %c0_i32_1 = arith.constant 0 : i32
    return %c0_i32, %c0_i32_0 : i32, i32
  }
  func.func @transform_5(%arg0: i32, %arg1: i32) -> (i32, i32) {
    %c0_i32 = arith.constant 0 : i32
    %c0_i32_0 = arith.constant 0 : i32
    return %arg0, %c0_i32 : i32, i32
  }
  func.func @transform_6(%arg0: i32, %arg1: i32) -> (i32, i32) {
    %mul3A = arith.constant 8 : i32
    %mul3A_0 = arith.muli %arg0, %mul3A : i32
    %add3A = arith.addi %mul3A_0, %arg1 : i32
    %c0_i32 = arith.constant 0 : i32
    %c0_i32_1 = arith.constant 0 : i32
    return %add3A, %c0_i32 : i32, i32
  }
}

module attributes {stable_mosaic.version = 14 : i64} {
  func.func @_head_body(%arg0: i32, %arg1: memref<1264x64xf32, #tpu.memory_space<vmem>>, %arg2: memref<1264x64xf32, #tpu.memory_space<vmem>>, %arg3: memref<1264x64xf32, #tpu.memory_space<vmem>>, %arg4: memref<1264x64xf32, #tpu.memory_space<vmem>>, %arg5: memref<8x128xf32, #tpu.memory_space<vmem>>, %arg6: memref<128x128xf32, #tpu.memory_space<vmem>>, %arg7: memref<128x128xf32, #tpu.memory_space<vmem>>, %arg8: memref<128x128xf32, #tpu.memory_space<vmem>>, %arg9: memref<1264x128xf32, #tpu.memory_space<vmem>>) attributes {dimension_semantics = [#tpu.dimension_semantics<arbitrary>], iteration_bounds = array<i64: 8>, scalar_prefetch = 0 : i64, scratch_operands = 0 : i64, tpu.core_type = #tpu.core_type<tc>, window_params = [{transform_indices = @transform_0, window_bounds = array<i64: 1264, 64>}, {transform_indices = @transform_1, window_bounds = array<i64: 1264, 64>}, {transform_indices = @transform_2, window_bounds = array<i64: 1264, 64>}, {transform_indices = @transform_3, window_bounds = array<i64: 1264, 64>}, {pipeline_mode = #tpu.pipeline_mode<synchronous>, transform_indices = @transform_4, window_bounds = array<i64: 8, 128>}, {pipeline_mode = #tpu.pipeline_mode<synchronous>, transform_indices = @transform_5, window_bounds = array<i64: 128, 128>}, {pipeline_mode = #tpu.pipeline_mode<synchronous>, transform_indices = @transform_6, window_bounds = array<i64: 128, 128>}, {pipeline_mode = #tpu.pipeline_mode<synchronous>, transform_indices = @transform_7, window_bounds = array<i64: 128, 128>}, {transform_indices = @transform_8, window_bounds = array<i64: 1264, 128>}]} {
    %get3A = arith.constant 0 : index
    %get3A_0 = arith.constant 0 : index
    %get3A_1 = vector.load %arg1[%get3A, %get3A_0] : memref<1264x64xf32, #tpu.memory_space<vmem>>, vector<1264x64xf32>
    %get3A_2 = arith.constant 0 : index
    %get3A_3 = arith.constant 0 : index
    %get3A_4 = vector.load %arg2[%get3A_2, %get3A_3] : memref<1264x64xf32, #tpu.memory_space<vmem>>, vector<1264x64xf32>
    %concatenate3A = tpu.concatenate %get3A_1, %get3A_4 in 1 : vector<1264x64xf32>, vector<1264x64xf32> -> vector<1264x128xf32>
    %get3A_5 = arith.constant 0 : index
    %get3A_6 = arith.constant 0 : index
    %get3A_7 = vector.load %arg3[%get3A_5, %get3A_6] : memref<1264x64xf32, #tpu.memory_space<vmem>>, vector<1264x64xf32>
    %get3A_8 = arith.constant 0 : index
    %get3A_9 = arith.constant 0 : index
    %get3A_10 = vector.load %arg4[%get3A_8, %get3A_9] : memref<1264x64xf32, #tpu.memory_space<vmem>>, vector<1264x64xf32>
    %concatenate3A_11 = tpu.concatenate %get3A_7, %get3A_10 in 1 : vector<1264x64xf32>, vector<1264x64xf32> -> vector<1264x128xf32>
    %add3A = arith.addf %concatenate3A, %concatenate3A_11 : vector<1264x128xf32>
    %get3A_12 = arith.constant 0 : index
    %get3A_13 = arith.constant 0 : index
    %get3A_14 = vector.load %arg5[%get3A_12, %get3A_13] : memref<8x128xf32, #tpu.memory_space<vmem>>, vector<1x128xf32>
    %add3A_15 = vector.broadcast %get3A_14 : vector<1x128xf32> to vector<1264x128xf32>
    %add3A_16 = arith.addf %add3A, %add3A_15 : vector<1264x128xf32>
    %get3A_17 = arith.constant 1 : index
    %get3A_18 = arith.constant 0 : index
    %get3A_19 = vector.load %arg5[%get3A_17, %get3A_18] : memref<8x128xf32, #tpu.memory_space<vmem>>, vector<1x128xf32>
    %mul3A = vector.broadcast %get3A_19 : vector<1x128xf32> to vector<1264x128xf32>
    %mul3A_20 = arith.mulf %add3A_16, %mul3A : vector<1264x128xf32>
    %get3A_21 = arith.constant 2 : index
    %get3A_22 = arith.constant 0 : index
    %get3A_23 = vector.load %arg5[%get3A_21, %get3A_22] : memref<8x128xf32, #tpu.memory_space<vmem>>, vector<1x128xf32>
    %add3A_24 = vector.broadcast %get3A_23 : vector<1x128xf32> to vector<1264x128xf32>
    %add3A_25 = arith.addf %mul3A_20, %add3A_24 : vector<1264x128xf32>
    %max3A = arith.constant 0.000000e+00 : f32
    %max3A_26 = vector.broadcast %max3A : f32 to vector<1264x128xf32>
    %max3A_27 = arith.maximumf %add3A_25, %max3A_26 : vector<1264x128xf32>
    %get3A_28 = arith.constant 0 : index
    %get3A_29 = arith.constant 0 : index
    %get3A_30 = vector.load %arg6[%get3A_28, %get3A_29] : memref<128x128xf32, #tpu.memory_space<vmem>>, vector<128x128xf32>
    %dot_general3A = arith.constant dense<0.000000e+00> : vector<1264x128xf32>
    %dot_general3A_31 = tpu.matmul %max3A_27, %get3A_30, %dot_general3A {dimension_numbers = #tpu.dot_dimension_numbers<[1], [1], [0], [0], [0, 0, 1, 0], [], []>, transpose_lhs_hint = false} : vector<1264x128xf32>, vector<128x128xf32>, vector<1264x128xf32> -> vector<1264x128xf32>
    %get3A_32 = arith.constant 3 : index
    %get3A_33 = arith.constant 0 : index
    %get3A_34 = vector.load %arg5[%get3A_32, %get3A_33] : memref<8x128xf32, #tpu.memory_space<vmem>>, vector<1x128xf32>
    %add3A_35 = vector.broadcast %get3A_34 : vector<1x128xf32> to vector<1264x128xf32>
    %add3A_36 = arith.addf %dot_general3A_31, %add3A_35 : vector<1264x128xf32>
    %max3A_37 = arith.constant 0.000000e+00 : f32
    %max3A_38 = vector.broadcast %max3A_37 : f32 to vector<1264x128xf32>
    %max3A_39 = arith.maximumf %add3A_36, %max3A_38 : vector<1264x128xf32>
    %get3A_40 = arith.constant 0 : index
    %get3A_41 = arith.constant 0 : index
    %get3A_42 = vector.load %arg7[%get3A_40, %get3A_41] : memref<128x128xf32, #tpu.memory_space<vmem>>, vector<128x128xf32>
    %dot_general3A_43 = arith.constant dense<0.000000e+00> : vector<1264x128xf32>
    %dot_general3A_44 = tpu.matmul %max3A_39, %get3A_42, %dot_general3A_43 {dimension_numbers = #tpu.dot_dimension_numbers<[1], [1], [0], [0], [0, 0, 1, 0], [], []>, transpose_lhs_hint = false} : vector<1264x128xf32>, vector<128x128xf32>, vector<1264x128xf32> -> vector<1264x128xf32>
    %get3A_45 = arith.constant 4 : index
    %get3A_46 = arith.constant 0 : index
    %get3A_47 = vector.load %arg5[%get3A_45, %get3A_46] : memref<8x128xf32, #tpu.memory_space<vmem>>, vector<1x128xf32>
    %add3A_48 = vector.broadcast %get3A_47 : vector<1x128xf32> to vector<1264x128xf32>
    %add3A_49 = arith.addf %dot_general3A_44, %add3A_48 : vector<1264x128xf32>
    %max3A_50 = arith.constant 0.000000e+00 : f32
    %max3A_51 = vector.broadcast %max3A_50 : f32 to vector<1264x128xf32>
    %max3A_52 = arith.maximumf %add3A_49, %max3A_51 : vector<1264x128xf32>
    %get3A_53 = arith.constant 0 : index
    %get3A_54 = arith.constant 0 : index
    %get3A_55 = vector.load %arg8[%get3A_53, %get3A_54] : memref<128x128xf32, #tpu.memory_space<vmem>>, vector<128x128xf32>
    %dot_general3A_56 = arith.constant dense<0.000000e+00> : vector<1264x128xf32>
    %dot_general3A_57 = tpu.matmul %max3A_52, %get3A_55, %dot_general3A_56 {dimension_numbers = #tpu.dot_dimension_numbers<[1], [1], [0], [0], [0, 0, 1, 0], [], []>, transpose_lhs_hint = false} : vector<1264x128xf32>, vector<128x128xf32>, vector<1264x128xf32> -> vector<1264x128xf32>
    %get3A_58 = arith.constant 5 : index
    %get3A_59 = arith.constant 0 : index
    %get3A_60 = vector.load %arg5[%get3A_58, %get3A_59] : memref<8x128xf32, #tpu.memory_space<vmem>>, vector<1x128xf32>
    %add3A_61 = vector.broadcast %get3A_60 : vector<1x128xf32> to vector<1264x128xf32>
    %add3A_62 = arith.addf %dot_general3A_57, %add3A_61 : vector<1264x128xf32>
    %swap3A = arith.constant 0 : index
    %swap3A_63 = arith.constant 0 : index
    %swap3A_64 = vector.load %arg9[%swap3A, %swap3A_63] : memref<1264x128xf32, #tpu.memory_space<vmem>>, vector<1264x128xf32>
    tpu.vector_store %arg9[%swap3A, %swap3A_63], %add3A_62 {strides = array<i32>} : memref<1264x128xf32, #tpu.memory_space<vmem>>, vector<1264x128xf32>,
    return
  }
  func.func @transform_0(%arg0: i32) -> (i32, i32) {
    %c0_i32 = arith.constant 0 : i32
    %c0_i32_0 = arith.constant 0 : i32
    return %arg0, %c0_i32 : i32, i32
  }
  func.func @transform_1(%arg0: i32) -> (i32, i32) {
    %add3A = arith.constant 8 : i32
    %add3A_0 = arith.addi %add3A, %arg0 : i32
    %c0_i32 = arith.constant 0 : i32
    %c0_i32_1 = arith.constant 0 : i32
    return %add3A_0, %c0_i32 : i32, i32
  }
  func.func @transform_2(%arg0: i32) -> (i32, i32) {
    %c0_i32 = arith.constant 0 : i32
    %c0_i32_0 = arith.constant 0 : i32
    return %arg0, %c0_i32 : i32, i32
  }
  func.func @transform_3(%arg0: i32) -> (i32, i32) {
    %add3A = arith.constant 8 : i32
    %add3A_0 = arith.addi %add3A, %arg0 : i32
    %c0_i32 = arith.constant 0 : i32
    %c0_i32_1 = arith.constant 0 : i32
    return %add3A_0, %c0_i32 : i32, i32
  }
  func.func @transform_4(%arg0: i32) -> (i32, i32) {
    %c0_i32 = arith.constant 0 : i32
    %c0_i32_0 = arith.constant 0 : i32
    %c0_i32_1 = arith.constant 0 : i32
    return %c0_i32, %c0_i32_0 : i32, i32
  }
  func.func @transform_5(%arg0: i32) -> (i32, i32) {
    %c0_i32 = arith.constant 0 : i32
    %c0_i32_0 = arith.constant 0 : i32
    %c0_i32_1 = arith.constant 0 : i32
    return %c0_i32, %c0_i32_0 : i32, i32
  }
  func.func @transform_6(%arg0: i32) -> (i32, i32) {
    %c0_i32 = arith.constant 0 : i32
    %c0_i32_0 = arith.constant 0 : i32
    %c0_i32_1 = arith.constant 0 : i32
    return %c0_i32, %c0_i32_0 : i32, i32
  }
  func.func @transform_7(%arg0: i32) -> (i32, i32) {
    %c0_i32 = arith.constant 0 : i32
    %c0_i32_0 = arith.constant 0 : i32
    %c0_i32_1 = arith.constant 0 : i32
    return %c0_i32, %c0_i32_0 : i32, i32
  }
  func.func @transform_8(%arg0: i32) -> (i32, i32) {
    %c0_i32 = arith.constant 0 : i32
    %c0_i32_0 = arith.constant 0 : i32
    return %arg0, %c0_i32 : i32, i32
  }
}

</mosaic_0001>

<sc_bundles>
// kernel: kernel.12.cloned.1.call-start
scs
__scs_entry_jumppad:
0x0: {  	(pc) =	sbr.rel $0x88, $3  }
0x1: {  	(tag) =	ssettag $0x0;
	lr =	simm.s32 $0x1  }
0x2: {  	[smem:$0x3F8F] =	sst lr;
	_ =	strace $0xD0000000  }
0x3: {  	_ = 	snop  }
0x4: {  	_ = 	snop  }
0x5: {  	_ = 	snop  }
0x6: {  	_ = 	snop  }
0x7: {  	_ = 	snop  }
__scs_overlays_trampoline_lowered:
0x8: {  	[smem:$0x3F9E] =	sst s0  }
0x9: {  	[smem:$0x3F9F] =	sst s1  }
0xa: {  	[smem:$0x3FA0] =	sst s2  }
0xb: {  	[smem:$0x3FA1] =	sst s3  }
0xc: {  	[smem:$0x3FA2] =	sst s4  }
0xd: {  	[smem:$0x3FA3] =	sst s5  }
0xe: {  	[smem:$0x3FA4] =	sst s6  }
0xf: {  	[smem:$0x3FA5] =	sst s7  }
0x10: {  	[smem:$0x3FA6] =	sst s8  }
0x11: {  	[smem:$0x3FA7] =	sst s9;
	s0 =	simm.s32 @!p0 $0x0  }
0x12: {  	s1 =	sld [smem:$0x3F8D];
	s0 =	simm.s32 @p0 $0x1  }
0x13: {  	[smem:$0x3FA8] =	sst s0;
	s0 =	simm.s32 @!p1 $0x0  }
0x14: {  	s2 =	sld [smem:$0x3F8C];
	s0 =	simm.s32 @p1 $0x1  }
0x15: {  	[smem:$0x3FA9] =	sst s0;
	s0 =	simm.s32 @!p2 $0x0  }
0x16: {  	s3 =	sld [smem:$0x3FDB];
	s0 =	simm.s32 @p2 $0x1  }
0x17: {  	s4 =	simm.s32 $0x1BF5;
	[smem:$0x3FAB] =	sst s0  }
0x18: {  	s0 =	sld [smem:$0x3F8E];
	_ =	swait.ge [sflag:s4], $0x0  }
0x19: {  	s7 =	sld [smem:$0x3F8F]  }
0x1a: {  	s8 =	sadd.s32 $0xFFFFE003, lr  }
0x1b: {  	s9 =	sadd.s32 $0xFFFFFEF7, lr;
	s5 =	simm.s32 $0xFFFFFFFF;
	p2 =	slt.u32 s8, $0xFFFFF086  }
0x1c: {  	p1 =	slt.u32 s9, $0xF7A;
	s5 =	simm.s32 @!p2 $0x0  }
0x1d: {  	s5 =	simm.s32 @p1 $0x1;
	p0 =	seq.s32 s7, s2  }
0x1e: {  	s7 =	smul.u32 @!p0 $0xF7A, s2;
	p2 =	seq.s32 @!p0 s5, $0x0  }
0x1f: {  	s9 =	smul.u32 $0xF7A, s1;
	s8 =	simm.s32 @!p0 $0x1BF5;
	p2 =	por !p2, p0  }
0x20: {  	[sflag:s8] =	ssyncset.s32 @!p0 $0xFFFFF086;
	s6 =	sadd.s32 @!p0 s3, s7;
	s7 =	simm.s32 @!p0 $0x108  }
0x21: {  	s3 =	sadd.s32 s3, s9;
	s6 =	sadd.s32 @!p0 $0x88, s6;
	s7 =	simm.s32 @p2 $0x1082  }
0x22: {  	[simem:s7], [sflag:s8] =	dma.local @!p0 [hbm:s6], $0xF7A  }
0x23: {  	s9 =	sor.u32 $0xD0000000, s2;
	s6 =	simm.s32 $0x108;
	_ =	swait.ge @!p0 [sflag:s8], $0x0  }
0x24: {  	s3 =	sadd.s32 $0x88, s3;
	s6 =	simm.s32 @!p1 $0x1082;
	[sflag:s4] =	ssyncset.s32 $0xFFFFF086  }
0x25: {  	[simem:s6], [sflag:s4] =	dma.local [hbm:s3], $0xF7A  }
0x26: {  	[smem:$0x3F8F] =	sst s1;
	(tag) =	ssettag s2;
	_ =	strace s9  }
0x27: {  	s1 =	sld [smem:$0x3F9F]  }
0x28: {  	s2 =	sld [smem:$0x3FA0]  }
0x29: {  	s4 =	sld [smem:$0x3FA2]  }
0x2a: {  	p0 =	seq.s32 s5, $0x0;
	s5 =	sld [smem:$0x3FA3]  }
0x2b: {  	s6 =	sld [smem:$0x3FA4]  }
0x2c: {  	s7 =	sld [smem:$0x3FA5]  }
0x2d: {  	s3 =	simm.s32 $0x108;
	s8 =	sld [smem:$0x3FA6]  }
0x2e: {  	s3 =	simm.s32 @!p0 $0x1082;
	s9 =	sld [smem:$0x3FA7]  }
0x2f: {  	lr =	sadd.s32 s0, s3;
	s0 =	sld [smem:$0x3F9E]  }
0x30: {  	s3 =	sld [smem:$0x3FA1]  }
0x31: {  	[smem:$0x3FAA] =	sst s10  }
0x32: {  	s10 =	sld [smem:$0x3FA8];
	_ =	sdelay $0x3  }
0x33: {  	p0 =	seq.s32 s10, $0x1;
	s10 =	sld [smem:$0x3FAA];
	_ =	sdelay $0x3  }
0x34: {  	[smem:$0x3FAA] =	sst s10  }
0x35: {  	s10 =	sld [smem:$0x3FA9];
	_ =	sdelay $0x3  }
0x36: {  	p1 =	seq.s32 s10, $0x1;
	s10 =	sld [smem:$0x3FAA];
	_ =	sdelay $0x3  }
0x37: {  	[smem:$0x3FAA] =	sst s10  }
0x38: {  	s10 =	sld [smem:$0x3FAB]  }
0x39: {  	_ = 	snop;
	(pc) =	sbr.ind lr, $3  }
0x3a: {  	_ = 	snop  }
0x3b: {  	_ = 	snop  }
0x3c: {  	p2 =	seq.s32 s10, $0x1;
	s10 =	sld [smem:$0x3FAA]  }
0x3d: {  	_ =	shalt  }
0x3e: {  	_ =	shalt  }
0x3f: {  	_ =	shalt  }
0x40: {  	_ =	shalt  }
0x41: {  	_ =	shalt  }
0x42: {  	_ =	shalt  }
0x43: {  	_ =	shalt  }
0x44: {  	_ =	shalt  }
0x45: {  	_ =	shalt  }
0x46: {  	_ =	shalt  }
0x47: {  	_ =	shalt  }
0x48: {  	_ =	shalt  }
0x49: {  	_ =	shalt  }
0x4a: {  	_ =	shalt  }
0x4b: {  	_ =	shalt  }
0x4c: {  	_ =	shalt  }
0x4d: {  	_ =	shalt  }
0x4e: {  	_ =	shalt  }
0x4f: {  	_ =	shalt  }
0x50: {  	_ =	shalt  }
0x51: {  	_ =	shalt  }
0x52: {  	_ =	shalt  }
0x53: {  	_ =	shalt  }
0x54: {  	_ =	shalt  }
0x55: {  	_ =	shalt  }
0x56: {  	_ =	shalt  }
0x57: {  	_ =	shalt  }
0x58: {  	_ =	shalt  }
0x59: {  	_ =	shalt  }
0x5a: {  	_ =	shalt  }
0x5b: {  	_ =	shalt  }
0x5c: {  	_ =	shalt  }
0x5d: {  	_ =	shalt  }
0x5e: {  	_ =	shalt  }
0x5f: {  	_ =	shalt  }
0x60: {  	_ =	shalt  }
0x61: {  	_ =	shalt  }
0x62: {  	_ =	shalt  }
0x63: {  	_ =	shalt  }
0x64: {  	_ =	shalt  }
0x65: {  	_ =	shalt  }
0x66: {  	_ =	shalt  }
0x67: {  	_ =	shalt  }
0x68: {  	_ =	shalt  }
0x69: {  	_ =	shalt  }
0x6a: {  	_ =	shalt  }
0x6b: {  	_ =	shalt  }
0x6c: {  	_ =	shalt  }
0x6d: {  	_ =	shalt  }
0x6e: {  	_ =	shalt  }
0x6f: {  	_ =	shalt  }
0x70: {  	_ =	shalt  }
0x71: {  	_ =	shalt  }
0x72: {  	_ =	shalt  }
0x73: {  	_ =	shalt  }
0x74: {  	_ =	shalt  }
0x75: {  	_ =	shalt  }
0x76: {  	_ =	shalt  }
0x77: {  	_ =	shalt  }
0x78: {  	_ =	shalt  }
0x79: {  	_ =	shalt  }
0x7a: {  	_ =	shalt  }
0x7b: {  	_ =	shalt  }
0x7c: {  	_ =	shalt  }
0x7d: {  	_ =	shalt  }
0x7e: {  	_ =	shalt  }
0x7f: {  	_ =	shalt  }
0x80: {  	_ =	shalt  }
0x81: {  	_ =	shalt  }
0x82: {  	_ =	shalt  }
0x83: {  	_ =	shalt  }
0x84: {  	_ =	shalt  }
0x85: {  	_ =	shalt  }
0x86: {  	_ =	shalt  }
0x87: {  	_ =	shalt  }
.Lfunc_end0:
.L_simem_size_0:
called_computation.1_lowered:
.L_overlay_start_0:
0x88: {  	s2 =	sld [smem:$0x3FD9]  }
0x89: {  	s3 =	sld [smem:$0x3FFE];
	_ =	sdelay $0x1  }
0x8a: {  	s1 =	srdreg.scid  }
0x8b: {  	s0 =	sand.u32 $0x1, s1  }
0x8c: {  	s17 =	sshll.u32 s0, $0xA;
	s2 =	sadd.s32 s3, s2  }
0x8d: {  	s2 =	sadd.s32 s2, s17  }
0x8e: {  	[smem:$0x3FB6] =	sst s2  }
0x8f: {  	_ = 	snop  }
0x90: {  	s2 =	sld [smem:$0x3FD0];
	(tm) =	ssettm $0x1  }
0x91: {  	s18 =	sld [smem:$0x3FFB];
	_ =	sdelay $0x3  }
0x92: {  	_ =	strace s18  }
0x93: {  	s3 =	sld [smem:$0x3FFC];
	_ =	sdelay $0x3  }
0x94: {  	_ =	strace s3  }
0x95: {  	s3 =	sld [smem:$0x3FFD];
	_ =	sdelay $0x3  }
0x96: {  	_ =	strace s3  }
0x97: {  	_ =	strace $0x8FFFFFFF  }
0x98: {  	s19 =	sld [smem:$0x3FDB];
	_ =	sdelay $0x1  }
0x99: {  	s4 =	simm.s32 $_scs_section_size  }
0x9a: {  	s5 =	simm.s32 $_size__tile_overlayer_lowered;
	s6 =	simm.s32 $_tile_overlayer_lowered  }
0x9b: {  	s22 =	simm.s32 $0x1BFF;
	s21 =	sshll.u32 s6, $0x1;
	s3 =	sadd.s32 s4, s19  }
0x9c: {  	s7 =	simm.s32 $0x0;
	s20 =	sshll.u32 s5, $0x1;
	s5 =	sadd.s32 s21, s3  }
0x9d: {  	[timem:s7], [sflag:s22] =	dma.local [hbm:s5], s20  }
0x9e: {  	_ =	swait.ge [sflag:s22], s20  }
0x9f: {  	s4 =	ssub.s32 $0x0, s20;
	[sflag:s22] =	ssyncset.done $0x0  }
0xa0: {  	[sflag:s22] =	ssyncadd.s32 s4;
	_ =	sdelay $0x1  }
0xa1: {  	s23 =	simm.s32 $0x1B8B  }
0xa2: {  	_ =	swait.ge [sflag:s23], $0x1  }
0xa3: {  	[sflag:s23] =	ssyncset.done $0x0  }
0xa4: {  	s25 =	simm.s32 $0x1B8E;
	s24 =	sld [smem:$0x3FFE];
	[sflag:s23] =	ssyncadd.s32 $0xFFFFFFFF  }
0xa5: {  	s26 =	simm.s32 $execute0_lowered;
	[smem:$0x3FD2] =	sst s25  }
0xa6: {  	s5 =	sshll.u32 s26, $0x1;
	_ =	strace $0x80000049;
	[dreg:$0x1] =	wrdreg $0xFFFFFFFF  }
0xa7: {  	s28 =	simm.s32 $_size_execute0_lowered;
	s3 =	sadd.s32 s3, s5;
	[dreg:$0x0] =	wrdreg $0x0  }
0xa8: {  	s5 =	sshll.u32 s28, $0x1;
	[dreg:$0x2] =	wrdreg s3  }
0xa9: {  	[dreg:$0x3] =	wrdreg s5  }
0xaa: {  	[dreg:$0x4] =	wrdreg $0xC0  }
0xab: {  	_ =	task [dreg:s7], $0x5FFFF  }
0xac: {  	[dreg:$0x1] =	wrdreg $0xFFFFFFFF  }
0xad: {  	[dreg:$0x0] =	wrdreg $0x60  }
0xae: {  	[dreg:$0x2] =	wrdreg s24  }
0xaf: {  	[dreg:$0x3] =	wrdreg s2  }
0xb0: {  	[dreg:$0x4] =	wrdreg $0x126000  }
0xb1: {  	[dreg:$0x5] =	wrdreg $0x88000  }
0xb2: {  	[dreg:$0x6] =	wrdreg $0x9  }
0xb3: {  	_ =	task.clear_ibuf [dreg:s7], $0x7FFFF;
	_ =	strace $0x90000049  }
0xb4: {  	s29 =	simm.s32 $0x9;
	_ =	strace $0x8000004B  }
0xb5: {  	_ =	swait.ge [sflag:s29], $0x1  }
0xb6: {  	[sflag:s29] =	ssyncadd.s32 $0xFFFFFFFF  }
0xb7: {  	_ =	strace $0x9000004B  }
0xb8: {  	_ =	sfence  }
0xb9: {  	s30 =	sld [smem:$0x0];
	_ =	sdelay $0x2  }
0xba: {  	s31 =	sshll.u32 s1, $0xD;
	s1 =	sshrl.u32 s1, $0x2  }
0xbb: {  	s3 =	sand.u32 $0x4000, s31;
	s1 =	sadd.s32 s1, s30  }
0xbc: {  	s0 =	sor.u32 s3, s0;
	s1 =	sshll.u32 s1, $0x11  }
0xbd: {  	s0 =	sor.u32 s1, s0  }
0xbe: {  	s0 =	sadd.s32 $0x8F2B, s0  }
0xbf: {  	[sflag:s0] =	ssyncadd.remote.s32 $0x1  }
0xc0: {  	_ =	sfence.sel $0xFFFF  }
0xc1: {  	[dreg:$0x0] =	wrdreg $0xFFFFFFFF;
	(pc) =	sbr.abs _section_cstart, $3  }
0xc2: {  	[dreg:$0x1] =	wrdreg $0xFFFFFFFF  }
0xc3: {  	_ =	task.clear_ibuf [dreg:s7], $0x2FFFF;
	_ =	strace $0x9FFFFFFF  }
0xc4: {  	(tm) =	ssettm $0x7FFFFFFF  }
0xc5: {  	_ =	shalt  }
tec
execute0_lowered:
.L_overlay_start_1:
0x0: {  	(tag) =	ssettag $0x1  }
0x1: {  	s0 =	rddreg [dreg:$0x0]  }
0x2: {  	s3 =	rddreg [dreg:$0x1]  }
0x3: {  	s1 =	rddreg [dreg:$0x2]  }
0x4: {  	s2 =	rddreg [dreg:$0x3]  }
0x5: {  	s4 =	srdreg.scid;
	s10 =	stileid.u32;
	s28 =	simm.s32 $0x80  }
0x6: {  	s29 =	simm.s32 $0x800;
	s30 =	simm.s32 $0xB;
	s7 =	smul.u32 $0x278, s10  }
0x7: {  	s11 =	simm.s32 $0x4;
	s5 =	sand.u32 $0x1, s4;
	s12 =	smul.u32 $0x9E00, s10  }
0x8: {  	s4 =	simm.s32 $0x0;
	s8 =	sadd.s32 $0x29C00, s0;
	s9 =	smul.u32 $0x1400, s10  }
0x9: {  	s14 =	sshll.u32 s10, $0x6;
	s10 =	simm.s32 $0x7;
	s6 =	smul.u32 $0x2780, s5  }
0xa: {  	[smem:$0x7FF] =	sst s4;
	s5 =	ssub.s32 $0x2, s5;
	s16 =	sor.u32 $0x1C0D, s14  }
0xb: {  	_ =	strace $0x8000004A;
	[dreg:$0x5] =	wrdreg s8;
	s13 =	sshrl.u32 s5, $0x1  }
0xc: {  	s15 =	sadd.s32 s12, s1;
	[dreg:$0x6] =	wrdreg s16;
	s17 =	sadd.s32 s12, s2  }
0xd: {  	s6 =	sadd.s32 s7, s6;
	s7 =	sadd.s32 s3, s9;
	s31 =	sshrl.u32 s17, $0x3  }
0xe: {  	s8 =	simm.s32 $0x5;
	s19 =	sadd.s32 $0x20, s7;
	[dreg:$0x11] =	wrdreg s31  }
0xf: {  	s12 =	simm.s32 $0x8;
	s20 =	sadd.s32 $0x40, s7;
	[dreg:$0x8] =	wrdreg s19  }
0x10: {  	s5 =	ssub.s32 s5, s13;
	s21 =	sadd.s32 $0x60, s7;
	[dreg:$0x9] =	wrdreg s20  }
0x11: {  	s3 =	simm.s32 $0xC;
	s22 =	sadd.s32 $0x80, s7;
	[dreg:$0xa] =	wrdreg s21  }
0x12: {  	s9 =	simm.s32 $0x3;
	s23 =	sadd.s32 $0xA0, s7;
	[dreg:$0xb] =	wrdreg s22  }
0x13: {  	s13 =	simm.s32 $0x0;
	s24 =	sadd.s32 $0xC0, s7;
	[dreg:$0xc] =	wrdreg s23  }
0x14: {  	s6 =	sshll.u32 s6, $0x3;
	s25 =	sadd.s32 $0xE0, s7;
	[dreg:$0xd] =	wrdreg s24  }
.Ltmp0:
0x15: {  	s26 =	smax.u32 s5, $0x1;
	[dreg:$0xe] =	wrdreg s25;
	(pc) =	sbr.rel .LBB2_1-.Ltmp0, $4  }
0x16: {  	s5 =	simm.s32 $0x6800;
	s0 =	sadd.s32 s6, s0;
	[dreg:$0x10] =	wrdreg s26  }
0x17: {  	s19 =	sor.u32 $0x1C0E, s14;
	s21 =	simm.s32 $0xE;
	s18 =	sadd.s32 $0x2400, s0  }
0x18: {  	s6 =	simm.s32 $0x1;
	s0 =	sadd.s32 $0x2B000, s0;
	[dreg:$0x7] =	wrdreg s18  }
0x19: {  	[dreg:$0xf] =	wrdreg s0;
	s18 =	sshrl.u32 s15, $0x3;
	s0 =	simm.s32 $0x4800  }
.LBB2_6:
0x1a: {  	_ =	swait.ge [sflag:s11], $0x2000  }
0x1b: {  	[sflag:s11] =	ssyncset.done $0x0  }
0x1c: {  	s14 =	sor.u32 $0x600, s17;
	[sflag:s11] =	ssyncadd.s32 $0xFFFFE000  }
0x1d: {  	[spmem:s1] =	stream.indirect.scatter.add.f32 [tilespmem:s5], [sflag:$0x8], $0x40, s14, s28, $0xb8;
	[tilespmem:$0x1C400] =	vst v63  }
0x1e: {  	_ =	swait.ge [sflag:s12], $0x2000  }
0x1f: {  	[sflag:s12] =	ssyncset.done $0x0  }
0x20: {  	[sflag:s12] =	ssyncadd.s32 $0xFFFFE000  }
.LBB2_4:
0x21: {  	[bflag:$0x0] =	sbarrier.arrive $0xFFFF  }
0x22: {  	s14 =	rddreg [dreg:$0xf]  }
0x23: {  	[hbm:s14], [sflag:s19] =	dma.local [spmem:s18], $0x13C0  }
0x24: {  	_ =	swait.ge [sflag:s21], $0x13C0  }
0x25: {  	s13 =	sadd.s32 $0x1, s13;
	s31 =	rddreg [dreg:$0x10]  }
0x26: {  	p0 =	sne.s32 s13, s31  }
.Ltmp1:
0x27: {  	_ = 	snop;
	(pc) =	sbr.rel @!p0 .LBB2_5-.Ltmp1, $3  }
0x28: {  	_ =	sdelay $0x1  }
0x29: {  	[sflag:s21] =	ssyncset.done $0x0  }
0x2a: {  	[sflag:s21] =	ssyncadd.s32 $0xFFFFEC40  }
.LBB2_1:
0x2b: {  	s14 =	rddreg [dreg:$0x5]  }
0x2c: {  	s15 =	rddreg [dreg:$0x6]  }
0x2d: {  	[spmem:s18], [sflag:s15] =	dma.local [hbm:s14], $0x13C0  }
0x2e: {  	s14 =	rddreg [dreg:$0x7]  }
0x2f: {  	s15 =	rddreg [dreg:$0x11]  }
0x30: {  	[spmem:s15], [sflag:s19] =	dma.local [hbm:s14], $0x13C0  }
0x31: {  	_ =	swait.ge [sflag:s21], $0x13C0  }
0x32: {  	[sflag:s21] =	ssyncset.done $0x0  }
0x33: {  	s17 =	simm.s32 $0xD;
	[sflag:s21] =	ssyncadd.s32 $0xFFFFEC40  }
0x34: {  	_ =	swait.ge [sflag:s17], $0x13C0  }
0x35: {  	[sflag:s17] =	ssyncset.done $0x0  }
0x36: {  	[sflag:s17] =	ssyncadd.s32 $0xFFFFEC40  }
0x37: {  	[bflag:$0x0] =	sbarrier.arrive $0xFFFF  }
0x38: {  	[tilespmem:s4], [sflag:$0x9] =	stream.linear.gather [hbm4b:s7+s4], $0x100, $0x38;
	[tilespmem:$0x1C400] =	vst v63  }
0x39: {  	s22 =	simm.s32 $0x200;
	s20 =	rddreg [dreg:$0x8]  }
0x3a: {  	[tilespmem:s22], [sflag:$0xA] =	stream.linear.gather [hbm4b:s20+s4], $0x100, $0x38;
	[tilespmem:$0x1C400] =	vst v63  }
0x3b: {  	s16 =	simm.s32 $0x400;
	s23 =	rddreg [dreg:$0x9]  }
0x3c: {  	[tilespmem:s16], [sflag:$0xB] =	stream.linear.gather [hbm4b:s23+s4], $0x100, $0x38;
	[tilespmem:$0x1C400] =	vst v63  }
0x3d: {  	s25 =	simm.s32 $0x9;
	s17 =	simm.s32 $0x600;
	s24 =	rddreg [dreg:$0xa]  }
0x3e: {  	[tilespmem:s17], [sflag:$0xC] =	stream.linear.gather [hbm4b:s24+s4], $0x100, $0x38;
	[tilespmem:$0x1C400] =	vst v63  }
0x3f: {  	_ =	swait.ge [sflag:s25], $0x100  }
0x40: {  	[sflag:s25] =	ssyncset.done $0x0  }
0x41: {  	[sflag:s25] =	ssyncadd.s32 $0xFFFFFF00  }
0x42: {  	[tilespmem:s29], [sflag:$0x1] =	stream.indirect.gather [spmem:s2], $0x40, s4, s28, $0xb8;
	[tilespmem:$0x1C400] =	vst v63  }
0x43: {  	s31 =	simm.s32 $0xA;
	s20 =	simm.s32 $0x100;
	s26 =	rddreg [dreg:$0xb]  }
0x44: {  	[tilespmem:s20], [sflag:$0x9] =	stream.linear.gather [hbm4b:s26+s4], $0x100, $0x38;
	[tilespmem:$0x1C400] =	vst v63  }
0x45: {  	_ =	swait.ge [sflag:s31], $0x100  }
0x46: {  	[sflag:s31] =	ssyncset.done $0x0  }
0x47: {  	s20 =	simm.s32 $0x2800;
	[sflag:s31] =	ssyncadd.s32 $0xFFFFFF00  }
0x48: {  	[tilespmem:s20], [sflag:$0x2] =	stream.indirect.gather [spmem:s2], $0x40, s22, s28, $0xb8;
	[tilespmem:$0x1C400] =	vst v63  }
0x49: {  	s23 =	simm.s32 $0x300;
	s22 =	rddreg [dreg:$0xc]  }
0x4a: {  	[tilespmem:s23], [sflag:$0xA] =	stream.linear.gather [hbm4b:s22+s4], $0x100, $0x38;
	[tilespmem:$0x1C400] =	vst v63  }
0x4b: {  	_ =	swait.ge [sflag:s30], $0x100  }
0x4c: {  	[sflag:s30] =	ssyncset.done $0x0  }
0x4d: {  	[sflag:s30] =	ssyncadd.s32 $0xFFFFFF00  }
0x4e: {  	[tilespmem:s0], [sflag:$0x3] =	stream.indirect.gather [spmem:s2], $0x40, s16, s28, $0xb8;
	[tilespmem:$0x1C400] =	vst v63  }
0x4f: {  	s25 =	simm.s32 $0x500;
	s24 =	rddreg [dreg:$0xd]  }
0x50: {  	[tilespmem:s25], [sflag:$0xB] =	stream.linear.gather [hbm4b:s24+s4], $0x100, $0x38;
	[tilespmem:$0x1C400] =	vst v63  }
0x51: {  	_ =	swait.ge [sflag:s3], $0x100  }
0x52: {  	[sflag:s3] =	ssyncset.done $0x0  }
0x53: {  	s14 =	simm.s32 $0x0;
	[sflag:s3] =	ssyncadd.s32 $0xFFFFFF00  }
0x54: {  	[tilespmem:s5], [sflag:$0x4] =	stream.indirect.gather [spmem:s2], $0x40, s17, s28, $0xb8;
	[tilespmem:$0x1C400] =	vst v63  }
0x55: {  	s15 =	simm.s32 $0x0;
	s31 =	simm.s32 $0x700;
	s26 =	rddreg [dreg:$0xe]  }
0x56: {  	[tilespmem:s31], [sflag:$0xC] =	stream.linear.gather [hbm4b:s26+s4], $0x100, $0x38;
	[tilespmem:$0x1C400] =	vst v63  }
.LBB2_2:
0x57: {  	s23 =	sand.u32 $0x1, s15;
	_ =	swait.ge [sflag:s6], $0x2000  }
0x58: {  	[sflag:s6] =	ssyncset.done $0x0;
	s16 =	sshll.u32 s23, $0x8  }
0x59: {  	[sflag:s6] =	ssyncadd.s32 $0xFFFFE000;
	s17 =	sor.u32 $0x80, s16  }
0x5a: {  	[spmem:s1] =	stream.indirect.scatter.add.f32 [tilespmem:s29], [sflag:$0x5], $0x40, s17, s28, $0xb8;
	[tilespmem:$0x1C400] =	vst v63  }
0x5b: {  	_ =	swait.ge [sflag:s8], $0x2000  }
0x5c: {  	p0 =	seq.s32 s14, $0x1380;
	[sflag:s8] =	ssyncset.done $0x0  }
0x5d: {  	s20 =	simm.s32 @p0 $0x2;
	[sflag:s8] =	ssyncadd.s32 $0xFFFFE000  }
0x5e: {  	_ =	swait.ge @p0 [sflag:s20], $0x2000  }
0x5f: {  	s24 =	simm.s32 @p0 $0x80;
	[sflag:s20] =	ssyncset.done @p0 $0x0  }
0x60: {  	s25 =	simm.s32 @p0 $0x2800;
	[sflag:s20] =	ssyncadd.s32 @p0 $0xFFFFE000;
	s20 =	sor.u32 @p0 $0x200, s17  }
0x61: {  	[spmem:s1] =	stream.indirect.scatter.add.f32 @p0 [tilespmem:s25], [sflag:$0x6], $0x40, s20, s24, $0xb8;
	[tilespmem:$0x1C400] =	vst v63  }
0x62: {  	s20 =	simm.s32 @p0 $0x6  }
0x63: {  	_ =	swait.ge @p0 [sflag:s20], $0x2000  }
0x64: {  	[sflag:s20] =	ssyncset.done @p0 $0x0  }
0x65: {  	[sflag:s20] =	ssyncadd.s32 @p0 $0xFFFFE000;
	s20 =	simm.s32 @!p0 $0x9  }
0x66: {  	_ =	swait.ge @!p0 [sflag:s20], $0x100  }
0x67: {  	s23 =	sxor.u32 $0x1, s23;
	p1 =	sgt.u32 @!p0 s15, $0x25;
	[sflag:s20] =	ssyncset.done @!p0 $0x0  }
0x68: {  	p1 =	por p1, p0;
	[sflag:s20] =	ssyncadd.s32 @!p0 $0xFFFFFF00;
	s20 =	sshll.u32 @!p0 s23, $0xA  }
0x69: {  	s24 =	simm.s32 @!p0 $0x80;
	s25 =	simm.s32 @!p0 $0x800;
	s20 =	sshrl.u32 @!p0 s20, $0x2  }
0x6a: {  	[tilespmem:s25], [sflag:$0x1] =	stream.indirect.gather @!p0 [spmem:s2], $0x40, s20, s24, $0xb8;
	[tilespmem:$0x1C400] =	vst v63  }
0x6b: {  	s25 =	sadd.s32 @!p1 s14, s7  }
0x6c: {  	s26 =	simm.s32 @!p1 $0x0;
	s22 =	sadd.s32 @!p1 $0x100, s25  }
0x6d: {  	[tilespmem:s16], [sflag:$0x9] =	stream.linear.gather @!p1 [hbm4b:s22+s26], $0x100, $0x38;
	[tilespmem:$0x1C400] =	vst v63  }
0x6e: {  	s22 =	simm.s32 @!p0 $0x2  }
0x6f: {  	_ =	swait.ge @!p0 [sflag:s22], $0x2000  }
0x70: {  	[sflag:s22] =	ssyncset.done @!p0 $0x0  }
0x71: {  	s31 =	simm.s32 @!p0 $0x2800;
	[sflag:s22] =	ssyncadd.s32 @!p0 $0xFFFFE000;
	s22 =	sor.u32 @!p0 $0x200, s17  }
0x72: {  	[spmem:s1] =	stream.indirect.scatter.add.f32 @!p0 [tilespmem:s31], [sflag:$0x6], $0x40, s22, s24, $0xb8;
	[tilespmem:$0x1C400] =	vst v63  }
0x73: {  	s22 =	simm.s32 @!p0 $0x6  }
0x74: {  	_ =	swait.ge @!p0 [sflag:s22], $0x2000  }
0x75: {  	[sflag:s22] =	ssyncset.done @!p0 $0x0  }
0x76: {  	[sflag:s22] =	ssyncadd.s32 @!p0 $0xFFFFE000;
	s22 =	simm.s32 @!p0 $0xA  }
0x77: {  	_ =	swait.ge @!p0 [sflag:s22], $0x100  }
0x78: {  	[sflag:s22] =	ssyncset.done @!p0 $0x0  }
0x79: {  	s20 =	sor.u32 @!p0 $0x200, s20;
	[sflag:s22] =	ssyncadd.s32 @!p0 $0xFFFFFF00  }
0x7a: {  	[tilespmem:s31], [sflag:$0x2] =	stream.indirect.gather @!p0 [spmem:s2], $0x40, s20, s24, $0xb8;
	[tilespmem:$0x1C400] =	vst v63  }
0x7b: {  	s22 =	sadd.s32 @!p1 $0x120, s25;
	s20 =	sor.u32 @!p1 $0x200, s16  }
0x7c: {  	[tilespmem:s20], [sflag:$0xA] =	stream.linear.gather @!p1 [hbm4b:s22+s26], $0x100, $0x38;
	[tilespmem:$0x1C400] =	vst v63  }
0x7d: {  	_ =	swait.ge [sflag:s9], $0x2000  }
0x7e: {  	[sflag:s9] =	ssyncset.done $0x0  }
.Ltmp2:
0x7f: {  	s31 =	sor.u32 $0x400, s17;
	[sflag:s9] =	ssyncadd.s32 $0xFFFFE000;
	(pc) =	sbr.rel @p0 .LBB2_6-.Ltmp2, $4  }
0x80: {  	[spmem:s1] =	stream.indirect.scatter.add.f32 [tilespmem:s0], [sflag:$0x7], $0x40, s31, s28, $0xb8;
	[tilespmem:$0x1C400] =	vst v63  }
0x81: {  	_ =	swait.ge [sflag:s10], $0x2000  }
0x82: {  	[sflag:s10] =	ssyncset.done $0x0  }
0x83: {  	[sflag:s10] =	ssyncadd.s32 $0xFFFFE000  }
0x84: {  	_ =	swait.ge [sflag:s30], $0x100;
	s20 =	sshll.u32 s23, $0xA  }
0x85: {  	[sflag:s30] =	ssyncset.done $0x0;
	s20 =	sshrl.u32 s20, $0x2  }
0x86: {  	p0 =	sgt.u32 s15, $0x25;
	[sflag:s30] =	ssyncadd.s32 $0xFFFFFF00;
	s22 =	sor.u32 $0x400, s20  }
0x87: {  	[tilespmem:s0], [sflag:$0x3] =	stream.indirect.gather [spmem:s2], $0x40, s22, s28, $0xb8;
	[tilespmem:$0x1C400] =	vst v63  }
0x88: {  	s22 =	sadd.s32 @!p0 s14, s7  }
0x89: {  	s23 =	sor.u32 @!p0 $0x400, s16;
	s25 =	simm.s32 @!p0 $0x0;
	s24 =	sadd.s32 @!p0 $0x140, s22  }
0x8a: {  	[tilespmem:s23], [sflag:$0xB] =	stream.linear.gather @!p0 [hbm4b:s24+s25], $0x100, $0x38;
	[tilespmem:$0x1C400] =	vst v63  }
0x8b: {  	_ =	swait.ge [sflag:s11], $0x2000  }
0x8c: {  	[sflag:s11] =	ssyncset.done $0x0  }
0x8d: {  	s17 =	sor.u32 $0x600, s17;
	[sflag:s11] =	ssyncadd.s32 $0xFFFFE000  }
0x8e: {  	[spmem:s1] =	stream.indirect.scatter.add.f32 [tilespmem:s5], [sflag:$0x8], $0x40, s17, s28, $0xb8;
	[tilespmem:$0x1C400] =	vst v63  }
0x8f: {  	_ =	swait.ge [sflag:s12], $0x2000  }
0x90: {  	[sflag:s12] =	ssyncset.done $0x0  }
0x91: {  	[sflag:s12] =	ssyncadd.s32 $0xFFFFE000  }
0x92: {  	_ =	swait.ge [sflag:s3], $0x100  }
0x93: {  	[sflag:s3] =	ssyncset.done $0x0  }
0x94: {  	s31 =	sor.u32 $0x600, s20;
	[sflag:s3] =	ssyncadd.s32 $0xFFFFFF00  }
0x95: {  	[tilespmem:s5], [sflag:$0x4] =	stream.indirect.gather [spmem:s2], $0x40, s31, s28, $0xb8;
	[tilespmem:$0x1C400] =	vst v63  }
0x96: {  	s16 =	sor.u32 @!p0 $0x600, s16;
	s14 =	sadd.s32 $0x80, s14;
	s17 =	sadd.s32 @!p0 $0x160, s22  }
0x97: {  	[tilespmem:s16], [sflag:$0xC] =	stream.linear.gather @!p0 [hbm4b:s17+s25], $0x100, $0x38;
	[tilespmem:$0x1C400] =	vst v63  }
0x98: {  	p0 =	sne.s32 s14, $0x1400  }
.Ltmp3:
0x99: {  	_ = 	snop;
	(pc) =	sbr.rel @p0 .LBB2_2-.Ltmp3, $4  }
.Ltmp4:
0x9a: {  	_ = 	snop;
	(pc) =	sbr.rel @!p0 .LBB2_4-.Ltmp4, $4  }
0x9b: {  	_ = 	snop  }
0x9c: {  	_ = 	snop  }
0x9d: {  	s15 =	sadd.s32 $0x1, s15  }
0x9e: {  	_ = 	snop  }
.LBB2_5:
0x9f: {  	_ =	sfence.sel $0x180000  }
0xa0: {  	[bflag:$0x0] =	sbarrier.arrive $0xFFFF  }
0xa1: {  	_ =	strace $0x9000004A  }
0xa2: {  	s0 =	stileid.u32;
	[bflag:$0x2] =	sbarrier.arrive $0xFFFF  }
0xa3: {  	p0 =	sne.s32 s0, $0x0;
	s0 =	rddreg [dreg:$0x4]  }
0xa4: {  	s0 =	sadd.s32 @!p0 $0x100000, s0  }
0xa5: {  	[sflag:s0] =	ssyncadd.tile.s32 @!p0 $0x1;
	_ =	shalt  }
.Lfunc_end2:
_tile_overlayer_lowered:
.L_overlay_start_2:
0xa6: {  	(tag) =	ssettag $0x2  }
0xa7: {  	s0 =	rddreg [dreg:$0x0];
	s2 =	stileid.u32  }
0xa8: {  	s1 =	rddreg [dreg:$0x1];
	p0 =	sne.s32 s2, $0x0  }
0xa9: {  	s3 =	rddreg [dreg:$0x2];
	[bflag:$0x3] =	sbarrier.arrive $0xFFFF;
	s2 =	simm.s32 @!p0 $0x1C0E  }
0xaa: {  	[timem:s3], [sflag:s2] =	dma.local @!p0 [hbm:s0], s1  }
0xab: {  	s0 =	simm.s32 @!p0 $0xE  }
0xac: {  	_ =	swait.ge @!p0 [sflag:s0], s1  }
0xad: {  	s1 =	ssub.s32 @!p0 $0x0, s1;
	[sflag:s0] =	ssyncset.done @!p0 $0x0  }
0xae: {  	[sflag:s0] =	ssyncadd.s32 @!p0 s1  }
0xaf: {  	[bflag:$0x3] =	sbarrier.arrive $0xFFFF  }
0xb0: {  	_ =	shalt  }

// kernel: kernel.9.cloned.1.call-start
scs
__scs_entry_jumppad:
0x0: {  	(pc) =	sbr.rel $0x88, $3  }
0x1: {  	(tag) =	ssettag $0x0;
	lr =	simm.s32 $0x1  }
0x2: {  	[smem:$0x3F8F] =	sst lr;
	_ =	strace $0xD0000000  }
0x3: {  	_ = 	snop  }
0x4: {  	_ = 	snop  }
0x5: {  	_ = 	snop  }
0x6: {  	_ = 	snop  }
0x7: {  	_ = 	snop  }
__scs_overlays_trampoline_lowered:
0x8: {  	[smem:$0x3F9E] =	sst s0  }
0x9: {  	[smem:$0x3F9F] =	sst s1  }
0xa: {  	[smem:$0x3FA0] =	sst s2  }
0xb: {  	[smem:$0x3FA1] =	sst s3  }
0xc: {  	[smem:$0x3FA2] =	sst s4  }
0xd: {  	[smem:$0x3FA3] =	sst s5  }
0xe: {  	[smem:$0x3FA4] =	sst s6  }
0xf: {  	[smem:$0x3FA5] =	sst s7  }
0x10: {  	[smem:$0x3FA6] =	sst s8  }
0x11: {  	[smem:$0x3FA7] =	sst s9;
	s0 =	simm.s32 @!p0 $0x0  }
0x12: {  	s1 =	sld [smem:$0x3F8D];
	s0 =	simm.s32 @p0 $0x1  }
0x13: {  	[smem:$0x3FA8] =	sst s0;
	s0 =	simm.s32 @!p1 $0x0  }
0x14: {  	s2 =	sld [smem:$0x3F8C];
	s0 =	simm.s32 @p1 $0x1  }
0x15: {  	[smem:$0x3FA9] =	sst s0;
	s0 =	simm.s32 @!p2 $0x0  }
0x16: {  	s3 =	sld [smem:$0x3FDB];
	s0 =	simm.s32 @p2 $0x1  }
0x17: {  	s4 =	simm.s32 $0x1BF5;
	[smem:$0x3FAB] =	sst s0  }
0x18: {  	s0 =	sld [smem:$0x3F8E];
	_ =	swait.ge [sflag:s4], $0x0  }
0x19: {  	s7 =	sld [smem:$0x3F8F]  }
0x1a: {  	s8 =	sadd.s32 $0xFFFFE003, lr  }
0x1b: {  	s9 =	sadd.s32 $0xFFFFFEF7, lr;
	s5 =	simm.s32 $0xFFFFFFFF;
	p2 =	slt.u32 s8, $0xFFFFF086  }
0x1c: {  	p1 =	slt.u32 s9, $0xF7A;
	s5 =	simm.s32 @!p2 $0x0  }
0x1d: {  	s5 =	simm.s32 @p1 $0x1;
	p0 =	seq.s32 s7, s2  }
0x1e: {  	s7 =	smul.u32 @!p0 $0xF7A, s2;
	p2 =	seq.s32 @!p0 s5, $0x0  }
0x1f: {  	s9 =	smul.u32 $0xF7A, s1;
	s8 =	simm.s32 @!p0 $0x1BF5;
	p2 =	por !p2, p0  }
0x20: {  	[sflag:s8] =	ssyncset.s32 @!p0 $0xFFFFF086;
	s6 =	sadd.s32 @!p0 s3, s7;
	s7 =	simm.s32 @!p0 $0x108  }
0x21: {  	s3 =	sadd.s32 s3, s9;
	s6 =	sadd.s32 @!p0 $0x88, s6;
	s7 =	simm.s32 @p2 $0x1082  }
0x22: {  	[simem:s7], [sflag:s8] =	dma.local @!p0 [hbm:s6], $0xF7A  }
0x23: {  	s9 =	sor.u32 $0xD0000000, s2;
	s6 =	simm.s32 $0x108;
	_ =	swait.ge @!p0 [sflag:s8], $0x0  }
0x24: {  	s3 =	sadd.s32 $0x88, s3;
	s6 =	simm.s32 @!p1 $0x1082;
	[sflag:s4] =	ssyncset.s32 $0xFFFFF086  }
0x25: {  	[simem:s6], [sflag:s4] =	dma.local [hbm:s3], $0xF7A  }
0x26: {  	[smem:$0x3F8F] =	sst s1;
	(tag) =	ssettag s2;
	_ =	strace s9  }
0x27: {  	s1 =	sld [smem:$0x3F9F]  }
0x28: {  	s2 =	sld [smem:$0x3FA0]  }
0x29: {  	s4 =	sld [smem:$0x3FA2]  }
0x2a: {  	p0 =	seq.s32 s5, $0x0;
	s5 =	sld [smem:$0x3FA3]  }
0x2b: {  	s6 =	sld [smem:$0x3FA4]  }
0x2c: {  	s7 =	sld [smem:$0x3FA5]  }
0x2d: {  	s3 =	simm.s32 $0x108;
	s8 =	sld [smem:$0x3FA6]  }
0x2e: {  	s3 =	simm.s32 @!p0 $0x1082;
	s9 =	sld [smem:$0x3FA7]  }
0x2f: {  	lr =	sadd.s32 s0, s3;
	s0 =	sld [smem:$0x3F9E]  }
0x30: {  	s3 =	sld [smem:$0x3FA1]  }
0x31: {  	[smem:$0x3FAA] =	sst s10  }
0x32: {  	s10 =	sld [smem:$0x3FA8];
	_ =	sdelay $0x3  }
0x33: {  	p0 =	seq.s32 s10, $0x1;
	s10 =	sld [smem:$0x3FAA];
	_ =	sdelay $0x3  }
0x34: {  	[smem:$0x3FAA] =	sst s10  }
0x35: {  	s10 =	sld [smem:$0x3FA9];
	_ =	sdelay $0x3  }
0x36: {  	p1 =	seq.s32 s10, $0x1;
	s10 =	sld [smem:$0x3FAA];
	_ =	sdelay $0x3  }
0x37: {  	[smem:$0x3FAA] =	sst s10  }
0x38: {  	s10 =	sld [smem:$0x3FAB]  }
0x39: {  	_ = 	snop;
	(pc) =	sbr.ind lr, $3  }
0x3a: {  	_ = 	snop  }
0x3b: {  	_ = 	snop  }
0x3c: {  	p2 =	seq.s32 s10, $0x1;
	s10 =	sld [smem:$0x3FAA]  }
0x3d: {  	_ =	shalt  }
0x3e: {  	_ =	shalt  }
0x3f: {  	_ =	shalt  }
0x40: {  	_ =	shalt  }
0x41: {  	_ =	shalt  }
0x42: {  	_ =	shalt  }
0x43: {  	_ =	shalt  }
0x44: {  	_ =	shalt  }
0x45: {  	_ =	shalt  }
0x46: {  	_ =	shalt  }
0x47: {  	_ =	shalt  }
0x48: {  	_ =	shalt  }
0x49: {  	_ =	shalt  }
0x4a: {  	_ =	shalt  }
0x4b: {  	_ =	shalt  }
0x4c: {  	_ =	shalt  }
0x4d: {  	_ =	shalt  }
0x4e: {  	_ =	shalt  }
0x4f: {  	_ =	shalt  }
0x50: {  	_ =	shalt  }
0x51: {  	_ =	shalt  }
0x52: {  	_ =	shalt  }
0x53: {  	_ =	shalt  }
0x54: {  	_ =	shalt  }
0x55: {  	_ =	shalt  }
0x56: {  	_ =	shalt  }
0x57: {  	_ =	shalt  }
0x58: {  	_ =	shalt  }
0x59: {  	_ =	shalt  }
0x5a: {  	_ =	shalt  }
0x5b: {  	_ =	shalt  }
0x5c: {  	_ =	shalt  }
0x5d: {  	_ =	shalt  }
0x5e: {  	_ =	shalt  }
0x5f: {  	_ =	shalt  }
0x60: {  	_ =	shalt  }
0x61: {  	_ =	shalt  }
0x62: {  	_ =	shalt  }
0x63: {  	_ =	shalt  }
0x64: {  	_ =	shalt  }
0x65: {  	_ =	shalt  }
0x66: {  	_ =	shalt  }
0x67: {  	_ =	shalt  }
0x68: {  	_ =	shalt  }
0x69: {  	_ =	shalt  }
0x6a: {  	_ =	shalt  }
0x6b: {  	_ =	shalt  }
0x6c: {  	_ =	shalt  }
0x6d: {  	_ =	shalt  }
0x6e: {  	_ =	shalt  }
0x6f: {  	_ =	shalt  }
0x70: {  	_ =	shalt  }
0x71: {  	_ =	shalt  }
0x72: {  	_ =	shalt  }
0x73: {  	_ =	shalt  }
0x74: {  	_ =	shalt  }
0x75: {  	_ =	shalt  }
0x76: {  	_ =	shalt  }
0x77: {  	_ =	shalt  }
0x78: {  	_ =	shalt  }
0x79: {  	_ =	shalt  }
0x7a: {  	_ =	shalt  }
0x7b: {  	_ =	shalt  }
0x7c: {  	_ =	shalt  }
0x7d: {  	_ =	shalt  }
0x7e: {  	_ =	shalt  }
0x7f: {  	_ =	shalt  }
0x80: {  	_ =	shalt  }
0x81: {  	_ =	shalt  }
0x82: {  	_ =	shalt  }
0x83: {  	_ =	shalt  }
0x84: {  	_ =	shalt  }
0x85: {  	_ =	shalt  }
0x86: {  	_ =	shalt  }
0x87: {  	_ =	shalt  }
.Lfunc_end0:
.L_simem_size_0:
called_computation_lowered:
.L_overlay_start_0:
0x88: {  	s2 =	sld [smem:$0x3FD9]  }
0x89: {  	s3 =	sld [smem:$0x3FFE];
	_ =	sdelay $0x1  }
0x8a: {  	s1 =	srdreg.scid  }
0x8b: {  	s0 =	sand.u32 $0x1, s1  }
0x8c: {  	s17 =	sshll.u32 s0, $0xA;
	s2 =	sadd.s32 s3, s2  }
0x8d: {  	s2 =	sadd.s32 s2, s17  }
0x8e: {  	[smem:$0x3FB6] =	sst s2  }
0x8f: {  	_ = 	snop  }
0x90: {  	s2 =	sld [smem:$0x3FD0];
	(tm) =	ssettm $0x1  }
0x91: {  	s18 =	sld [smem:$0x3FFB];
	_ =	sdelay $0x3  }
0x92: {  	_ =	strace s18  }
0x93: {  	s3 =	sld [smem:$0x3FFC];
	_ =	sdelay $0x3  }
0x94: {  	_ =	strace s3  }
0x95: {  	s3 =	sld [smem:$0x3FFD];
	_ =	sdelay $0x3  }
0x96: {  	_ =	strace s3  }
0x97: {  	_ =	strace $0x8FFFFFFF  }
0x98: {  	s19 =	sld [smem:$0x3FDB];
	_ =	sdelay $0x1  }
0x99: {  	s4 =	simm.s32 $_scs_section_size  }
0x9a: {  	s5 =	simm.s32 $_size__tile_overlayer_lowered;
	s6 =	simm.s32 $_tile_overlayer_lowered  }
0x9b: {  	s22 =	simm.s32 $0x1BFF;
	s21 =	sshll.u32 s6, $0x1;
	s3 =	sadd.s32 s4, s19  }
0x9c: {  	s7 =	simm.s32 $0x0;
	s20 =	sshll.u32 s5, $0x1;
	s5 =	sadd.s32 s21, s3  }
0x9d: {  	[timem:s7], [sflag:s22] =	dma.local [hbm:s5], s20  }
0x9e: {  	_ =	swait.ge [sflag:s22], s20  }
0x9f: {  	s4 =	ssub.s32 $0x0, s20;
	[sflag:s22] =	ssyncset.done $0x0  }
0xa0: {  	[sflag:s22] =	ssyncadd.s32 s4;
	_ =	sdelay $0x1  }
0xa1: {  	s23 =	simm.s32 $0x1B8B  }
0xa2: {  	_ =	swait.ge [sflag:s23], $0x1  }
0xa3: {  	[sflag:s23] =	ssyncset.done $0x0  }
0xa4: {  	s25 =	simm.s32 $0x1B8E;
	s24 =	sld [smem:$0x3FFE];
	[sflag:s23] =	ssyncadd.s32 $0xFFFFFFFF  }
0xa5: {  	s26 =	simm.s32 $execute0_lowered;
	[smem:$0x3FD2] =	sst s25  }
0xa6: {  	s5 =	sshll.u32 s26, $0x1;
	_ =	strace $0x80000046;
	[dreg:$0x1] =	wrdreg $0xFFFFFFFF  }
0xa7: {  	s28 =	simm.s32 $_size_execute0_lowered;
	s3 =	sadd.s32 s3, s5;
	[dreg:$0x0] =	wrdreg $0x0  }
0xa8: {  	s5 =	sshll.u32 s28, $0x1;
	[dreg:$0x2] =	wrdreg s3  }
0xa9: {  	[dreg:$0x3] =	wrdreg s5  }
0xaa: {  	[dreg:$0x4] =	wrdreg $0xC0  }
0xab: {  	_ =	task [dreg:s7], $0x5FFFF  }
0xac: {  	[dreg:$0x1] =	wrdreg $0xFFFFFFFF  }
0xad: {  	[dreg:$0x0] =	wrdreg $0x60  }
0xae: {  	[dreg:$0x2] =	wrdreg s24  }
0xaf: {  	[dreg:$0x3] =	wrdreg s2  }
0xb0: {  	[dreg:$0x4] =	wrdreg $0x126000  }
0xb1: {  	[dreg:$0x5] =	wrdreg $0x88000  }
0xb2: {  	[dreg:$0x6] =	wrdreg $0x9  }
0xb3: {  	_ =	task.clear_ibuf [dreg:s7], $0x7FFFF;
	_ =	strace $0x90000046  }
0xb4: {  	s29 =	simm.s32 $0x9;
	_ =	strace $0x80000048  }
0xb5: {  	_ =	swait.ge [sflag:s29], $0x1  }
0xb6: {  	[sflag:s29] =	ssyncadd.s32 $0xFFFFFFFF  }
0xb7: {  	_ =	strace $0x90000048  }
0xb8: {  	_ =	sfence  }
0xb9: {  	s30 =	sld [smem:$0x0];
	_ =	sdelay $0x2  }
0xba: {  	s31 =	sshll.u32 s1, $0xD;
	s1 =	sshrl.u32 s1, $0x2  }
0xbb: {  	s3 =	sand.u32 $0x4000, s31;
	s1 =	sadd.s32 s1, s30  }
0xbc: {  	s0 =	sor.u32 s3, s0;
	s1 =	sshll.u32 s1, $0x11  }
0xbd: {  	s0 =	sor.u32 s1, s0  }
0xbe: {  	s0 =	sadd.s32 $0x8F2B, s0  }
0xbf: {  	[sflag:s0] =	ssyncadd.remote.s32 $0x1  }
0xc0: {  	_ =	sfence.sel $0xFFFF  }
0xc1: {  	[dreg:$0x0] =	wrdreg $0xFFFFFFFF;
	(pc) =	sbr.abs _section_cstart, $3  }
0xc2: {  	[dreg:$0x1] =	wrdreg $0xFFFFFFFF  }
0xc3: {  	_ =	task.clear_ibuf [dreg:s7], $0x2FFFF;
	_ =	strace $0x9FFFFFFF  }
0xc4: {  	(tm) =	ssettm $0x7FFFFFFF  }
0xc5: {  	_ =	shalt  }
tec
execute0_lowered:
.L_overlay_start_1:
0x0: {  	(tag) =	ssettag $0x1  }
0x1: {  	s0 =	rddreg [dreg:$0x0]  }
0x2: {  	s3 =	rddreg [dreg:$0x1]  }
0x3: {  	s1 =	rddreg [dreg:$0x2]  }
0x4: {  	s2 =	rddreg [dreg:$0x3]  }
0x5: {  	s4 =	srdreg.scid;
	s10 =	stileid.u32;
	s28 =	simm.s32 $0x80  }
0x6: {  	s29 =	simm.s32 $0x800;
	s30 =	simm.s32 $0xB;
	s7 =	smul.u32 $0x278, s10  }
0x7: {  	s11 =	simm.s32 $0x4;
	s5 =	sand.u32 $0x1, s4;
	s12 =	smul.u32 $0x9E00, s10  }
0x8: {  	s4 =	simm.s32 $0x0;
	s8 =	sadd.s32 $0x29C00, s0;
	s9 =	smul.u32 $0x1400, s10  }
0x9: {  	s14 =	sshll.u32 s10, $0x6;
	s10 =	simm.s32 $0x7;
	s6 =	smul.u32 $0x2780, s5  }
0xa: {  	[smem:$0x7FF] =	sst s4;
	s5 =	ssub.s32 $0x2, s5;
	s16 =	sor.u32 $0x1C0D, s14  }
0xb: {  	_ =	strace $0x80000047;
	[dreg:$0x5] =	wrdreg s8;
	s13 =	sshrl.u32 s5, $0x1  }
0xc: {  	s15 =	sadd.s32 s12, s1;
	[dreg:$0x6] =	wrdreg s16;
	s17 =	sadd.s32 s12, s2  }
0xd: {  	s6 =	sadd.s32 s7, s6;
	s7 =	sadd.s32 s3, s9;
	s31 =	sshrl.u32 s17, $0x3  }
0xe: {  	s8 =	simm.s32 $0x5;
	s19 =	sadd.s32 $0x20, s7;
	[dreg:$0x11] =	wrdreg s31  }
0xf: {  	s12 =	simm.s32 $0x8;
	s20 =	sadd.s32 $0x40, s7;
	[dreg:$0x8] =	wrdreg s19  }
0x10: {  	s5 =	ssub.s32 s5, s13;
	s21 =	sadd.s32 $0x60, s7;
	[dreg:$0x9] =	wrdreg s20  }
0x11: {  	s3 =	simm.s32 $0xC;
	s22 =	sadd.s32 $0x80, s7;
	[dreg:$0xa] =	wrdreg s21  }
0x12: {  	s9 =	simm.s32 $0x3;
	s23 =	sadd.s32 $0xA0, s7;
	[dreg:$0xb] =	wrdreg s22  }
0x13: {  	s13 =	simm.s32 $0x0;
	s24 =	sadd.s32 $0xC0, s7;
	[dreg:$0xc] =	wrdreg s23  }
0x14: {  	s6 =	sshll.u32 s6, $0x3;
	s25 =	sadd.s32 $0xE0, s7;
	[dreg:$0xd] =	wrdreg s24  }
.Ltmp0:
0x15: {  	s26 =	smax.u32 s5, $0x1;
	[dreg:$0xe] =	wrdreg s25;
	(pc) =	sbr.rel .LBB2_1-.Ltmp0, $4  }
0x16: {  	s5 =	simm.s32 $0x6800;
	s0 =	sadd.s32 s6, s0;
	[dreg:$0x10] =	wrdreg s26  }
0x17: {  	s19 =	sor.u32 $0x1C0E, s14;
	s21 =	simm.s32 $0xE;
	s18 =	sadd.s32 $0x2400, s0  }
0x18: {  	s6 =	simm.s32 $0x1;
	s0 =	sadd.s32 $0x2B000, s0;
	[dreg:$0x7] =	wrdreg s18  }
0x19: {  	[dreg:$0xf] =	wrdreg s0;
	s18 =	sshrl.u32 s15, $0x3;
	s0 =	simm.s32 $0x4800  }
.LBB2_6:
0x1a: {  	_ =	swait.ge [sflag:s11], $0x2000  }
0x1b: {  	[sflag:s11] =	ssyncset.done $0x0  }
0x1c: {  	s14 =	sor.u32 $0x600, s17;
	[sflag:s11] =	ssyncadd.s32 $0xFFFFE000  }
0x1d: {  	[spmem:s1] =	stream.indirect.scatter.add.f32 [tilespmem:s5], [sflag:$0x8], $0x40, s14, s28, $0xb8;
	[tilespmem:$0x1C400] =	vst v63  }
0x1e: {  	_ =	swait.ge [sflag:s12], $0x2000  }
0x1f: {  	[sflag:s12] =	ssyncset.done $0x0  }
0x20: {  	[sflag:s12] =	ssyncadd.s32 $0xFFFFE000  }
.LBB2_4:
0x21: {  	[bflag:$0x0] =	sbarrier.arrive $0xFFFF  }
0x22: {  	s14 =	rddreg [dreg:$0xf]  }
0x23: {  	[hbm:s14], [sflag:s19] =	dma.local [spmem:s18], $0x13C0  }
0x24: {  	_ =	swait.ge [sflag:s21], $0x13C0  }
0x25: {  	s13 =	sadd.s32 $0x1, s13;
	s31 =	rddreg [dreg:$0x10]  }
0x26: {  	p0 =	sne.s32 s13, s31  }
.Ltmp1:
0x27: {  	_ = 	snop;
	(pc) =	sbr.rel @!p0 .LBB2_5-.Ltmp1, $3  }
0x28: {  	_ =	sdelay $0x1  }
0x29: {  	[sflag:s21] =	ssyncset.done $0x0  }
0x2a: {  	[sflag:s21] =	ssyncadd.s32 $0xFFFFEC40  }
.LBB2_1:
0x2b: {  	s14 =	rddreg [dreg:$0x5]  }
0x2c: {  	s15 =	rddreg [dreg:$0x6]  }
0x2d: {  	[spmem:s18], [sflag:s15] =	dma.local [hbm:s14], $0x13C0  }
0x2e: {  	s14 =	rddreg [dreg:$0x7]  }
0x2f: {  	s15 =	rddreg [dreg:$0x11]  }
0x30: {  	[spmem:s15], [sflag:s19] =	dma.local [hbm:s14], $0x13C0  }
0x31: {  	_ =	swait.ge [sflag:s21], $0x13C0  }
0x32: {  	[sflag:s21] =	ssyncset.done $0x0  }
0x33: {  	s17 =	simm.s32 $0xD;
	[sflag:s21] =	ssyncadd.s32 $0xFFFFEC40  }
0x34: {  	_ =	swait.ge [sflag:s17], $0x13C0  }
0x35: {  	[sflag:s17] =	ssyncset.done $0x0  }
0x36: {  	[sflag:s17] =	ssyncadd.s32 $0xFFFFEC40  }
0x37: {  	[bflag:$0x0] =	sbarrier.arrive $0xFFFF  }
0x38: {  	[tilespmem:s4], [sflag:$0x9] =	stream.linear.gather [hbm4b:s7+s4], $0x100, $0x38;
	[tilespmem:$0x1C400] =	vst v63  }
0x39: {  	s22 =	simm.s32 $0x200;
	s20 =	rddreg [dreg:$0x8]  }
0x3a: {  	[tilespmem:s22], [sflag:$0xA] =	stream.linear.gather [hbm4b:s20+s4], $0x100, $0x38;
	[tilespmem:$0x1C400] =	vst v63  }
0x3b: {  	s16 =	simm.s32 $0x400;
	s23 =	rddreg [dreg:$0x9]  }
0x3c: {  	[tilespmem:s16], [sflag:$0xB] =	stream.linear.gather [hbm4b:s23+s4], $0x100, $0x38;
	[tilespmem:$0x1C400] =	vst v63  }
0x3d: {  	s25 =	simm.s32 $0x9;
	s17 =	simm.s32 $0x600;
	s24 =	rddreg [dreg:$0xa]  }
0x3e: {  	[tilespmem:s17], [sflag:$0xC] =	stream.linear.gather [hbm4b:s24+s4], $0x100, $0x38;
	[tilespmem:$0x1C400] =	vst v63  }
0x3f: {  	_ =	swait.ge [sflag:s25], $0x100  }
0x40: {  	[sflag:s25] =	ssyncset.done $0x0  }
0x41: {  	[sflag:s25] =	ssyncadd.s32 $0xFFFFFF00  }
0x42: {  	[tilespmem:s29], [sflag:$0x1] =	stream.indirect.gather [spmem:s2], $0x40, s4, s28, $0xb8;
	[tilespmem:$0x1C400] =	vst v63  }
0x43: {  	s31 =	simm.s32 $0xA;
	s20 =	simm.s32 $0x100;
	s26 =	rddreg [dreg:$0xb]  }
0x44: {  	[tilespmem:s20], [sflag:$0x9] =	stream.linear.gather [hbm4b:s26+s4], $0x100, $0x38;
	[tilespmem:$0x1C400] =	vst v63  }
0x45: {  	_ =	swait.ge [sflag:s31], $0x100  }
0x46: {  	[sflag:s31] =	ssyncset.done $0x0  }
0x47: {  	s20 =	simm.s32 $0x2800;
	[sflag:s31] =	ssyncadd.s32 $0xFFFFFF00  }
0x48: {  	[tilespmem:s20], [sflag:$0x2] =	stream.indirect.gather [spmem:s2], $0x40, s22, s28, $0xb8;
	[tilespmem:$0x1C400] =	vst v63  }
0x49: {  	s23 =	simm.s32 $0x300;
	s22 =	rddreg [dreg:$0xc]  }
0x4a: {  	[tilespmem:s23], [sflag:$0xA] =	stream.linear.gather [hbm4b:s22+s4], $0x100, $0x38;
	[tilespmem:$0x1C400] =	vst v63  }
0x4b: {  	_ =	swait.ge [sflag:s30], $0x100  }
0x4c: {  	[sflag:s30] =	ssyncset.done $0x0  }
0x4d: {  	[sflag:s30] =	ssyncadd.s32 $0xFFFFFF00  }
0x4e: {  	[tilespmem:s0], [sflag:$0x3] =	stream.indirect.gather [spmem:s2], $0x40, s16, s28, $0xb8;
	[tilespmem:$0x1C400] =	vst v63  }
0x4f: {  	s25 =	simm.s32 $0x500;
	s24 =	rddreg [dreg:$0xd]  }
0x50: {  	[tilespmem:s25], [sflag:$0xB] =	stream.linear.gather [hbm4b:s24+s4], $0x100, $0x38;
	[tilespmem:$0x1C400] =	vst v63  }
0x51: {  	_ =	swait.ge [sflag:s3], $0x100  }
0x52: {  	[sflag:s3] =	ssyncset.done $0x0  }
0x53: {  	s14 =	simm.s32 $0x0;
	[sflag:s3] =	ssyncadd.s32 $0xFFFFFF00  }
0x54: {  	[tilespmem:s5], [sflag:$0x4] =	stream.indirect.gather [spmem:s2], $0x40, s17, s28, $0xb8;
	[tilespmem:$0x1C400] =	vst v63  }
0x55: {  	s15 =	simm.s32 $0x0;
	s31 =	simm.s32 $0x700;
	s26 =	rddreg [dreg:$0xe]  }
0x56: {  	[tilespmem:s31], [sflag:$0xC] =	stream.linear.gather [hbm4b:s26+s4], $0x100, $0x38;
	[tilespmem:$0x1C400] =	vst v63  }
.LBB2_2:
0x57: {  	s23 =	sand.u32 $0x1, s15;
	_ =	swait.ge [sflag:s6], $0x2000  }
0x58: {  	[sflag:s6] =	ssyncset.done $0x0;
	s16 =	sshll.u32 s23, $0x8  }
0x59: {  	[sflag:s6] =	ssyncadd.s32 $0xFFFFE000;
	s17 =	sor.u32 $0x80, s16  }
0x5a: {  	[spmem:s1] =	stream.indirect.scatter.add.f32 [tilespmem:s29], [sflag:$0x5], $0x40, s17, s28, $0xb8;
	[tilespmem:$0x1C400] =	vst v63  }
0x5b: {  	_ =	swait.ge [sflag:s8], $0x2000  }
0x5c: {  	p0 =	seq.s32 s14, $0x1380;
	[sflag:s8] =	ssyncset.done $0x0  }
0x5d: {  	s20 =	simm.s32 @p0 $0x2;
	[sflag:s8] =	ssyncadd.s32 $0xFFFFE000  }
0x5e: {  	_ =	swait.ge @p0 [sflag:s20], $0x2000  }
0x5f: {  	s24 =	simm.s32 @p0 $0x80;
	[sflag:s20] =	ssyncset.done @p0 $0x0  }
0x60: {  	s25 =	simm.s32 @p0 $0x2800;
	[sflag:s20] =	ssyncadd.s32 @p0 $0xFFFFE000;
	s20 =	sor.u32 @p0 $0x200, s17  }
0x61: {  	[spmem:s1] =	stream.indirect.scatter.add.f32 @p0 [tilespmem:s25], [sflag:$0x6], $0x40, s20, s24, $0xb8;
	[tilespmem:$0x1C400] =	vst v63  }
0x62: {  	s20 =	simm.s32 @p0 $0x6  }
0x63: {  	_ =	swait.ge @p0 [sflag:s20], $0x2000  }
0x64: {  	[sflag:s20] =	ssyncset.done @p0 $0x0  }
0x65: {  	[sflag:s20] =	ssyncadd.s32 @p0 $0xFFFFE000;
	s20 =	simm.s32 @!p0 $0x9  }
0x66: {  	_ =	swait.ge @!p0 [sflag:s20], $0x100  }
0x67: {  	s23 =	sxor.u32 $0x1, s23;
	p1 =	sgt.u32 @!p0 s15, $0x25;
	[sflag:s20] =	ssyncset.done @!p0 $0x0  }
0x68: {  	p1 =	por p1, p0;
	[sflag:s20] =	ssyncadd.s32 @!p0 $0xFFFFFF00;
	s20 =	sshll.u32 @!p0 s23, $0xA  }
0x69: {  	s24 =	simm.s32 @!p0 $0x80;
	s25 =	simm.s32 @!p0 $0x800;
	s20 =	sshrl.u32 @!p0 s20, $0x2  }
0x6a: {  	[tilespmem:s25], [sflag:$0x1] =	stream.indirect.gather @!p0 [spmem:s2], $0x40, s20, s24, $0xb8;
	[tilespmem:$0x1C400] =	vst v63  }
0x6b: {  	s25 =	sadd.s32 @!p1 s14, s7  }
0x6c: {  	s26 =	simm.s32 @!p1 $0x0;
	s22 =	sadd.s32 @!p1 $0x100, s25  }
0x6d: {  	[tilespmem:s16], [sflag:$0x9] =	stream.linear.gather @!p1 [hbm4b:s22+s26], $0x100, $0x38;
	[tilespmem:$0x1C400] =	vst v63  }
0x6e: {  	s22 =	simm.s32 @!p0 $0x2  }
0x6f: {  	_ =	swait.ge @!p0 [sflag:s22], $0x2000  }
0x70: {  	[sflag:s22] =	ssyncset.done @!p0 $0x0  }
0x71: {  	s31 =	simm.s32 @!p0 $0x2800;
	[sflag:s22] =	ssyncadd.s32 @!p0 $0xFFFFE000;
	s22 =	sor.u32 @!p0 $0x200, s17  }
0x72: {  	[spmem:s1] =	stream.indirect.scatter.add.f32 @!p0 [tilespmem:s31], [sflag:$0x6], $0x40, s22, s24, $0xb8;
	[tilespmem:$0x1C400] =	vst v63  }
0x73: {  	s22 =	simm.s32 @!p0 $0x6  }
0x74: {  	_ =	swait.ge @!p0 [sflag:s22], $0x2000  }
0x75: {  	[sflag:s22] =	ssyncset.done @!p0 $0x0  }
0x76: {  	[sflag:s22] =	ssyncadd.s32 @!p0 $0xFFFFE000;
	s22 =	simm.s32 @!p0 $0xA  }
0x77: {  	_ =	swait.ge @!p0 [sflag:s22], $0x100  }
0x78: {  	[sflag:s22] =	ssyncset.done @!p0 $0x0  }
0x79: {  	s20 =	sor.u32 @!p0 $0x200, s20;
	[sflag:s22] =	ssyncadd.s32 @!p0 $0xFFFFFF00  }
0x7a: {  	[tilespmem:s31], [sflag:$0x2] =	stream.indirect.gather @!p0 [spmem:s2], $0x40, s20, s24, $0xb8;
	[tilespmem:$0x1C400] =	vst v63  }
0x7b: {  	s22 =	sadd.s32 @!p1 $0x120, s25;
	s20 =	sor.u32 @!p1 $0x200, s16  }
0x7c: {  	[tilespmem:s20], [sflag:$0xA] =	stream.linear.gather @!p1 [hbm4b:s22+s26], $0x100, $0x38;
	[tilespmem:$0x1C400] =	vst v63  }
0x7d: {  	_ =	swait.ge [sflag:s9], $0x2000  }
0x7e: {  	[sflag:s9] =	ssyncset.done $0x0  }
.Ltmp2:
0x7f: {  	s31 =	sor.u32 $0x400, s17;
	[sflag:s9] =	ssyncadd.s32 $0xFFFFE000;
	(pc) =	sbr.rel @p0 .LBB2_6-.Ltmp2, $4  }
0x80: {  	[spmem:s1] =	stream.indirect.scatter.add.f32 [tilespmem:s0], [sflag:$0x7], $0x40, s31, s28, $0xb8;
	[tilespmem:$0x1C400] =	vst v63  }
0x81: {  	_ =	swait.ge [sflag:s10], $0x2000  }
0x82: {  	[sflag:s10] =	ssyncset.done $0x0  }
0x83: {  	[sflag:s10] =	ssyncadd.s32 $0xFFFFE000  }
0x84: {  	_ =	swait.ge [sflag:s30], $0x100;
	s20 =	sshll.u32 s23, $0xA  }
0x85: {  	[sflag:s30] =	ssyncset.done $0x0;
	s20 =	sshrl.u32 s20, $0x2  }
0x86: {  	p0 =	sgt.u32 s15, $0x25;
	[sflag:s30] =	ssyncadd.s32 $0xFFFFFF00;
	s22 =	sor.u32 $0x400, s20  }
0x87: {  	[tilespmem:s0], [sflag:$0x3] =	stream.indirect.gather [spmem:s2], $0x40, s22, s28, $0xb8;
	[tilespmem:$0x1C400] =	vst v63  }
0x88: {  	s22 =	sadd.s32 @!p0 s14, s7  }
0x89: {  	s23 =	sor.u32 @!p0 $0x400, s16;
	s25 =	simm.s32 @!p0 $0x0;
	s24 =	sadd.s32 @!p0 $0x140, s22  }
0x8a: {  	[tilespmem:s23], [sflag:$0xB] =	stream.linear.gather @!p0 [hbm4b:s24+s25], $0x100, $0x38;
	[tilespmem:$0x1C400] =	vst v63  }
0x8b: {  	_ =	swait.ge [sflag:s11], $0x2000  }
0x8c: {  	[sflag:s11] =	ssyncset.done $0x0  }
0x8d: {  	s17 =	sor.u32 $0x600, s17;
	[sflag:s11] =	ssyncadd.s32 $0xFFFFE000  }
0x8e: {  	[spmem:s1] =	stream.indirect.scatter.add.f32 [tilespmem:s5], [sflag:$0x8], $0x40, s17, s28, $0xb8;
	[tilespmem:$0x1C400] =	vst v63  }
0x8f: {  	_ =	swait.ge [sflag:s12], $0x2000  }
0x90: {  	[sflag:s12] =	ssyncset.done $0x0  }
0x91: {  	[sflag:s12] =	ssyncadd.s32 $0xFFFFE000  }
0x92: {  	_ =	swait.ge [sflag:s3], $0x100  }
0x93: {  	[sflag:s3] =	ssyncset.done $0x0  }
0x94: {  	s31 =	sor.u32 $0x600, s20;
	[sflag:s3] =	ssyncadd.s32 $0xFFFFFF00  }
0x95: {  	[tilespmem:s5], [sflag:$0x4] =	stream.indirect.gather [spmem:s2], $0x40, s31, s28, $0xb8;
	[tilespmem:$0x1C400] =	vst v63  }
0x96: {  	s16 =	sor.u32 @!p0 $0x600, s16;
	s14 =	sadd.s32 $0x80, s14;
	s17 =	sadd.s32 @!p0 $0x160, s22  }
0x97: {  	[tilespmem:s16], [sflag:$0xC] =	stream.linear.gather @!p0 [hbm4b:s17+s25], $0x100, $0x38;
	[tilespmem:$0x1C400] =	vst v63  }
0x98: {  	p0 =	sne.s32 s14, $0x1400  }
.Ltmp3:
0x99: {  	_ = 	snop;
	(pc) =	sbr.rel @p0 .LBB2_2-.Ltmp3, $4  }
.Ltmp4:
0x9a: {  	_ = 	snop;
	(pc) =	sbr.rel @!p0 .LBB2_4-.Ltmp4, $4  }
0x9b: {  	_ = 	snop  }
0x9c: {  	_ = 	snop  }
0x9d: {  	s15 =	sadd.s32 $0x1, s15  }
0x9e: {  	_ = 	snop  }
.LBB2_5:
0x9f: {  	_ =	sfence.sel $0x180000  }
0xa0: {  	[bflag:$0x0] =	sbarrier.arrive $0xFFFF  }
0xa1: {  	_ =	strace $0x90000047  }
0xa2: {  	s0 =	stileid.u32;
	[bflag:$0x2] =	sbarrier.arrive $0xFFFF  }
0xa3: {  	p0 =	sne.s32 s0, $0x0;
	s0 =	rddreg [dreg:$0x4]  }
0xa4: {  	s0 =	sadd.s32 @!p0 $0x100000, s0  }
0xa5: {  	[sflag:s0] =	ssyncadd.tile.s32 @!p0 $0x1;
	_ =	shalt  }
.Lfunc_end2:
_tile_overlayer_lowered:
.L_overlay_start_2:
0xa6: {  	(tag) =	ssettag $0x2  }
0xa7: {  	s0 =	rddreg [dreg:$0x0];
	s2 =	stileid.u32  }
0xa8: {  	s1 =	rddreg [dreg:$0x1];
	p0 =	sne.s32 s2, $0x0  }
0xa9: {  	s3 =	rddreg [dreg:$0x2];
	[bflag:$0x3] =	sbarrier.arrive $0xFFFF;
	s2 =	simm.s32 @!p0 $0x1C0E  }
0xaa: {  	[timem:s3], [sflag:s2] =	dma.local @!p0 [hbm:s0], s1  }
0xab: {  	s0 =	simm.s32 @!p0 $0xE  }
0xac: {  	_ =	swait.ge @!p0 [sflag:s0], s1  }
0xad: {  	s1 =	ssub.s32 @!p0 $0x0, s1;
	[sflag:s0] =	ssyncset.done @!p0 $0x0  }
0xae: {  	[sflag:s0] =	ssyncadd.s32 @!p0 s1  }
0xaf: {  	[bflag:$0x3] =	sbarrier.arrive $0xFFFF  }
0xb0: {  	_ =	shalt  }

</sc_bundles>
